<compile_context>
chip_gen: v7x
topology: tpu7x:2x2x1
jax: 0.10.2.dev20260603
libtpu: 0.0.44.dev20260713+nightly
codegen_flags: <defaults>
</compile_context>

<pallas_src>
import functools

import jax
import jax.numpy as jnp
from jax import lax
from jax.experimental import pallas as pl
from jax.experimental.pallas import tpu as pltpu
from jax.experimental.pallas import tpu_sc as plsc

V = 1000000
D = 64
B = 4096
T = 204800
H1 = 512
H2 = 256
OUT = 100
EPS = 1e-5

NC = 2
NS = 16
L = 16
NW = NC * NS
TPW = T // NW
CH = 128
NCH = TPW // CH
RPT = B // NS
OFF_PAD = 8192
OUT_PAD = 128


def _make_sc_pool():
    mesh = plsc.VectorSubcoreMesh(core_axis_name="c", subcore_axis_name="s")

    @functools.partial(
        pl.kernel,
        mesh=mesh,
        out_type=jax.ShapeDtypeStruct((NC * B, D), jnp.float32),
        compiler_params=pltpu.CompilerParams(
            needs_layout_passes=False, use_tc_tiling_on_sc=False),
        scratch_types=[
            pltpu.VMEM((OFF_PAD,), jnp.int32),
            pltpu.VMEM((TPW,), jnp.int32),
            pltpu.VMEM((NCH, CH), jnp.int32),
            pltpu.VMEM((CH, D), jnp.float32),
            pltpu.VMEM((CH, D), jnp.float32),
            pltpu.VMEM((RPT, D), jnp.float32),
            pltpu.VMEM_SHARED((B, D), jnp.float32),
            pltpu.SemaphoreType.DMA,
            pltpu.SemaphoreType.DMA,
            pltpu.SemaphoreType.DMA,
        ],
    )
    def sc_pool(tok_hbm, off_hbm, table_hbm, out_hbm,
                off_v, tok_v, seg_v, rows0_v, rows1_v, tmp_v, acc,
                sem, sem0, sem1):
        cid = lax.axis_index("c")
        sid = lax.axis_index("s")
        wid = sid * NC + cid

        pltpu.sync_copy(off_hbm, off_v)
        tok_cp = pltpu.async_copy(tok_hbm.at[pl.ds(wid * TPW, TPW)], tok_v, sem)

        zero = jnp.zeros((L,), jnp.float32)

        def zrow(i, carry):
            for k in range(D // L):
                tmp_v[i, pl.ds(k * L, L)] = zero
            return carry

        lax.fori_loop(0, RPT, zrow, 0)
        pltpu.sync_copy(tmp_v, acc.at[pl.ds(sid * RPT, RPT)])

        lane = lax.iota(jnp.int32, L)
        base0 = wid * TPW

        def seg_row(j):
            for k in range(CH // L):
                pos = base0 + j * CH + (k * L) + lane
                ans = jnp.zeros((L,), jnp.int32)
                step = B // 2
                while step >= 1:
                    cand = ans + step
                    vals = plsc.load_gather(off_v, [cand])
                    ans = jnp.where(vals <= pos, cand, ans)
                    step //= 2
                seg_v[j, pl.ds(k * L, L)] = ans

        def fire(j, buf, s):
            tbase = pl.multiple_of(j * CH, CH)
            pltpu.async_copy(table_hbm.at[tok_v.at[pl.ds(tbase, CH)]], buf, s)

        def drain(buf, s):
            pltpu.make_async_copy(table_hbm.at[pl.ds(0, CH)], buf, s).wait()

        def scat(j, buf):
            pltpu.sync_copy(buf, acc.at[seg_v.at[j]], add=True)

        tok_cp.wait()
        fire(0, rows0_v, sem0)
        plsc.subcore_barrier()

        def body(i, carry):
            j = 2 * i
            fire(j + 1, rows1_v, sem1)
            seg_row(j)
            drain(rows0_v, sem0)
            scat(j, rows0_v)

            @pl.when(j + 2 < NCH)
            def _():
                fire(j + 2, rows0_v, sem0)

            seg_row(j + 1)
            drain(rows1_v, sem1)
            scat(j + 1, rows1_v)
            return carry

        lax.fori_loop(0, NCH // 2, body, 0)

        plsc.subcore_barrier()

        pltpu.sync_copy(acc.at[pl.ds(sid * RPT, RPT)], tmp_v)
        pltpu.sync_copy(tmp_v, out_hbm.at[pl.ds(cid * B + sid * RPT, RPT)])

    return sc_pool


_sc_pool = _make_sc_pool()


def _layer_norm(x, g, b):
    mu = jnp.mean(x, axis=-1, keepdims=True)
    d = x - mu
    var = jnp.mean(d * d, axis=-1, keepdims=True)
    return d * lax.rsqrt(var + EPS) * g + b


def _tower_body(p0_ref, p1_ref, lo_ref, hi_ref, W1_ref, b1_ref, g1_ref,
                be1_ref, W2_ref, b2_ref, g2_ref, be2_ref, Wo_ref, bo_ref,
                out_ref):
    cnt = (hi_ref[...] - lo_ref[...]).astype(jnp.float32)
    inv = 1.0 / jnp.maximum(cnt, 1.0)
    x = (p0_ref[...] + p1_ref[...]) * inv
    h = jnp.dot(x, W1_ref[...], preferred_element_type=jnp.float32)
    h = _layer_norm(h + b1_ref[...], g1_ref[...], be1_ref[...])
    h = jnp.maximum(h, 0.0)
    h = jnp.dot(h, W2_ref[...], preferred_element_type=jnp.float32)
    h = _layer_norm(h + b2_ref[...], g2_ref[...], be2_ref[...])
    h = jnp.maximum(h, 0.0)
    out_ref[...] = (
        jnp.dot(h, Wo_ref[...], preferred_element_type=jnp.float32)
        + bo_ref[...]
    )


_BLK = 512


def _tower(p0, p1, off_lo, off_hi, W1, b1, g1, be1, W2, b2, g2, be2, Wo, bo):
    full = lambda shape: pl.BlockSpec(shape, lambda i: (0, 0))
    return pl.pallas_call(
        _tower_body,
        grid=(B // _BLK,),
        in_specs=[
            pl.BlockSpec((_BLK, D), lambda i: (i, 0)),
            pl.BlockSpec((_BLK, D), lambda i: (i, 0)),
            pl.BlockSpec((_BLK, 1), lambda i: (i, 0)),
            pl.BlockSpec((_BLK, 1), lambda i: (i, 0)),
            full((D, H1)), full((1, H1)), full((1, H1)), full((1, H1)),
            full((H1, H2)), full((1, H2)), full((1, H2)), full((1, H2)),
            full((H2, OUT_PAD)), full((1, OUT_PAD)),
        ],
        out_specs=pl.BlockSpec((_BLK, OUT_PAD), lambda i: (i, 0)),
        out_shape=jax.ShapeDtypeStruct((B, OUT_PAD), jnp.float32),
    )(p0, p1, off_lo, off_hi, W1, b1, g1, be1, W2, b2, g2, be2, Wo, bo)


def kernel(flattened_tokens, offsets, table,
           W1, b1, g1, be1, W2, b2, g2, be2, Wo, bo):
    off_pad = jnp.concatenate(
        [offsets,
         jnp.full((OFF_PAD - B,), jnp.iinfo(jnp.int32).max, jnp.int32)])
    partials = _sc_pool(flattened_tokens, off_pad, table)

    off_lo = offsets.reshape(B, 1)
    off_hi = jnp.concatenate(
        [offsets[1:], jnp.array([T], jnp.int32)]).reshape(B, 1)
    Wo_p = jnp.pad(Wo, ((0, 0), (0, OUT_PAD - OUT)))
    bo_p = jnp.pad(bo, (0, OUT_PAD - OUT)).reshape(1, OUT_PAD)
    out = _tower(partials[:B], partials[B:], off_lo, off_hi,
                 W1, b1.reshape(1, H1), g1.reshape(1, H1), be1.reshape(1, H1),
                 W2, b2.reshape(1, H2), g2.reshape(1, H2), be2.reshape(1, H2),
                 Wo_p, bo_p)
    return out[:, :OUT]

# --- scband reference (transcript-rebuilt; emitter-appended) ---
"""Pipeline reference for scband-pooled-tower-model-66297115181608 (READ-ONLY COPY).

The authoritative reference and input builder live on the scoring server;
editing this copy changes nothing except your own understanding.
"""

import jax, jax.numpy as jnp
import numpy as np

V = 1000000   # vocab
D = 64        # embed dim
B = 4096      # batch (number of bags)
T = 204800    # total flattened tokens (B * 50 avg)
H1 = 512
H2 = 256
OUT = 100
EPS = 1e-5


def setup_inputs(seed: int = 0) -> dict:
    key = jax.random.key(seed)
    ks = jax.random.split(key, 12)
    flattened_tokens = jax.random.randint(ks[0], (T,), 0, V, dtype=jnp.int32)
    offsets = jnp.sort(jax.random.randint(ks[1], (B,), 0, T, dtype=jnp.int32))
    offsets = offsets.at[0].set(0)  # EmbeddingBag requires offsets[0] == 0
    table = jax.random.normal(ks[2], (V, D), jnp.float32) * 0.02
    W1 = jax.random.normal(ks[3], (D, H1), jnp.float32) * (1.0 / np.sqrt(D))
    b1 = jnp.zeros((H1,), jnp.float32)
    g1 = jnp.ones((H1,), jnp.float32)
    be1 = jnp.zeros((H1,), jnp.float32)
    W2 = jax.random.normal(ks[4], (H1, H2), jnp.float32) * (1.0 / np.sqrt(H1))
    b2 = jnp.zeros((H2,), jnp.float32)
    g2 = jnp.ones((H2,), jnp.float32)
    be2 = jnp.zeros((H2,), jnp.float32)
    Wo = jax.random.normal(ks[5], (H2, OUT), jnp.float32) * (1.0 / np.sqrt(H2))
    bo = jnp.zeros((OUT,), jnp.float32)
    return {
        "flattened_tokens": flattened_tokens, "offsets": offsets,
        "table": table,
        "W1": W1, "b1": b1, "g1": g1, "be1": be1,
        "W2": W2, "b2": b2, "g2": g2, "be2": be2,
        "Wo": Wo, "bo": bo,
    }


def _layer_norm(x, g, b):
    mu = jnp.mean(x, axis=-1, keepdims=True)
    var = jnp.var(x, axis=-1, keepdims=True)
    return (x - mu) / jnp.sqrt(var + EPS) * g + b


def reference(flattened_tokens, offsets, table, W1, b1, g1, be1, W2, b2, g2, be2, Wo, bo):
    # EmbeddingBag mode='mean': bag i covers tokens [offsets[i], offsets[i+1])
    positions = jnp.arange(T, dtype=offsets.dtype)
    seg = jnp.searchsorted(offsets, positions, side='right') - 1  # [T]
    gathered = jnp.take(table, flattened_tokens, axis=0)          # [T, D] gather
    sums = jax.ops.segment_sum(gathered, seg, num_segments=B)     # [B, D] scatter-add
    counts = jax.ops.segment_sum(jnp.ones((T,), jnp.float32), seg, num_segments=B)
    x = sums / jnp.maximum(counts, 1.0)[:, None]                  # mean pooling (empty bag -> 0)
    # HiddenLayer 1: Linear -> LayerNorm -> ReLU (dropout inactive at eval)
    x = x @ W1 + b1
    x = _layer_norm(x, g1, be1)
    x = jax.nn.relu(x)
    # HiddenLayer 2
    x = x @ W2 + b2
    x = _layer_norm(x, g2, be2)
    x = jax.nn.relu(x)
    # Output layer
    out = x @ Wo + bo
    return out

if __name__ == "__main__":
    import jax
    _d = setup_inputs()
    print(jax.jit(kernel)(*tuple(_d.values())))

</pallas_src>

<mosaic_0001>
#map = affine_map<(d0, d1) -> (0)>
#map1 = affine_map<(d0, d1) -> (0, 0)>
module attributes {stable_mosaic.version = 14 : i64} {
  func.func @sc_pool(%arg0: i32, %arg1: i32, %arg2: memref<204800xi32, #tpu.memory_space<hbm>>, %arg3: memref<8192xi32, #tpu.memory_space<hbm>>, %arg4: memref<1000000x64xf32, #tpu.memory_space<hbm>>, %arg5: memref<8192x64xf32, #tpu.memory_space<hbm>>, %arg6: memref<8192xi32, #tpu.memory_space<vmem>>, %arg7: memref<6400xi32, #tpu.memory_space<vmem>>, %arg8: memref<50x128xi32, #tpu.memory_space<vmem>>, %arg9: memref<128x64xf32, #tpu.memory_space<vmem>>, %arg10: memref<128x64xf32, #tpu.memory_space<vmem>>, %arg11: memref<256x64xf32, #tpu.memory_space<vmem>>, %arg12: memref<4096x64xf32, #tpu.memory_space<vmem_shared>>, %arg13: memref<!tpu.dma_semaphore, #tpu.memory_space<semaphore_mem>>, %arg14: memref<!tpu.dma_semaphore, #tpu.memory_space<semaphore_mem>>, %arg15: memref<!tpu.dma_semaphore, #tpu.memory_space<semaphore_mem>>) attributes {dimension_semantics = [#tpu.dimension_semantics<core_parallel>, #tpu.dimension_semantics<subcore_parallel>], iteration_bounds = array<i64: 2, 16>, scalar_prefetch = 0 : i64, scratch_operands = 10 : i64, tpu.core_type = #tpu.core_type<sc_vector_subcore>, window_params = [{transform_indices = #map}, {transform_indices = #map}, {transform_indices = #map1}, {transform_indices = #map1}]} {
    %mul3A = arith.constant 2 : i32
    %mul3A_0 = arith.muli %arg1, %mul3A : i32
    %add3A = arith.addi %mul3A_0, %arg0 : i32
    "tpu.region"() ({
      %run_scoped3A = tpu.sem_alloc : memref<!tpu.dma_semaphore, #tpu.memory_space<semaphore_mem>>
      tpu.enqueue_dma source(%arg3 : memref<8192xi32, #tpu.memory_space<hbm>>) target(%arg6 : memref<8192xi32, #tpu.memory_space<vmem>>) target_semaphore(%run_scoped3A : memref<!tpu.dma_semaphore, #tpu.memory_space<semaphore_mem>>)
      tpu.wait_dma2 semaphore(%run_scoped3A : memref<!tpu.dma_semaphore, #tpu.memory_space<semaphore_mem>>) src(%arg3 : memref<8192xi32, #tpu.memory_space<hbm>>) dst(%arg6 : memref<8192xi32, #tpu.memory_space<vmem>>)
      tpu.yield
    }) : () -> ()
    %mul3A_1 = arith.constant 6400 : i32
    %mul3A_2 = arith.muli %add3A, %mul3A_1 : i32
    %dma_start3A = tpu.memref_slice %arg2[%mul3A_2] : memref<204800xi32, #tpu.memory_space<hbm>> -> memref<6400xi32, #tpu.memory_space<hbm>>
    %dma_start3A_3 = tpu.memref_slice %arg2[%mul3A_2] : memref<204800xi32, #tpu.memory_space<hbm>> -> memref<6400xi32, #tpu.memory_space<hbm>>
    tpu.enqueue_dma source(%dma_start3A_3 : memref<6400xi32, #tpu.memory_space<hbm>>) target(%arg7 : memref<6400xi32, #tpu.memory_space<vmem>>) target_semaphore(%arg13 : memref<!tpu.dma_semaphore, #tpu.memory_space<semaphore_mem>>)
    %broadcast_in_dim3A = arith.constant 0.000000e+00 : f32
    %broadcast_in_dim3A_4 = vector.broadcast %broadcast_in_dim3A : f32 to vector<16xf32>
    %scan3A = arith.constant 0 : i32
    %scan3A_5 = arith.constant 0 : i32
    %scan3A_6 = arith.constant 256 : i32
    %scan3A_7 = arith.addi %scan3A_5, %scan3A_6 : i32
    %scan3A_8 = arith.constant 1 : i32
    scf.for %scan3A_34 = %scan3A_5 to %scan3A_7 step %scan3A_8  : i32 {
      %swap3A = arith.index_cast %scan3A_34 : i32 to index
      %swap3A_35 = arith.constant 0 : index
      %swap3A_36 = tpu.vector_load %arg11[%swap3A, %swap3A_35] {strides = array<i32>} : memref<256x64xf32, #tpu.memory_space<vmem>>, vector<16xf32>,
      tpu.vector_store %arg11[%swap3A, %swap3A_35], %broadcast_in_dim3A_4 {strides = array<i32>} : memref<256x64xf32, #tpu.memory_space<vmem>>, vector<16xf32>,
      %swap3A_37 = arith.index_cast %scan3A_34 : i32 to index
      %swap3A_38 = arith.constant 16 : index
      %swap3A_39 = tpu.vector_load %arg11[%swap3A_37, %swap3A_38] {strides = array<i32>} : memref<256x64xf32, #tpu.memory_space<vmem>>, vector<16xf32>,
      tpu.vector_store %arg11[%swap3A_37, %swap3A_38], %broadcast_in_dim3A_4 {strides = array<i32>} : memref<256x64xf32, #tpu.memory_space<vmem>>, vector<16xf32>,
      %swap3A_40 = arith.index_cast %scan3A_34 : i32 to index
      %swap3A_41 = arith.constant 32 : index
      %swap3A_42 = tpu.vector_load %arg11[%swap3A_40, %swap3A_41] {strides = array<i32>} : memref<256x64xf32, #tpu.memory_space<vmem>>, vector<16xf32>,
      tpu.vector_store %arg11[%swap3A_40, %swap3A_41], %broadcast_in_dim3A_4 {strides = array<i32>} : memref<256x64xf32, #tpu.memory_space<vmem>>, vector<16xf32>,
      %swap3A_43 = arith.index_cast %scan3A_34 : i32 to index
      %swap3A_44 = arith.constant 48 : index
      %swap3A_45 = tpu.vector_load %arg11[%swap3A_43, %swap3A_44] {strides = array<i32>} : memref<256x64xf32, #tpu.memory_space<vmem>>, vector<16xf32>,
      tpu.vector_store %arg11[%swap3A_43, %swap3A_44], %broadcast_in_dim3A_4 {strides = array<i32>} : memref<256x64xf32, #tpu.memory_space<vmem>>, vector<16xf32>,
    }
    %scan3A_9 = arith.constant 256 : i32
    %mul3A_10 = arith.constant 256 : i32
    %mul3A_11 = arith.muli %arg1, %mul3A_10 : i32
    "tpu.region"() ({
      %run_scoped3A = tpu.sem_alloc : memref<!tpu.dma_semaphore, #tpu.memory_space<semaphore_mem>>
      %dma_start3A_34 = arith.constant 0 : i32
      %dma_start3A_35 = tpu.memref_slice %arg12[%mul3A_11, %dma_start3A_34] : memref<4096x64xf32, #tpu.memory_space<vmem_shared>> -> memref<256x64xf32, #tpu.memory_space<vmem_shared>>
      %dma_start3A_36 = arith.constant 0 : i32
      %dma_start3A_37 = tpu.memref_slice %arg12[%mul3A_11, %dma_start3A_36] : memref<4096x64xf32, #tpu.memory_space<vmem_shared>> -> memref<256x64xf32, #tpu.memory_space<vmem_shared>>
      tpu.enqueue_dma source(%arg11 : memref<256x64xf32, #tpu.memory_space<vmem>>) target(%dma_start3A_37 : memref<256x64xf32, #tpu.memory_space<vmem_shared>>) target_semaphore(%run_scoped3A : memref<!tpu.dma_semaphore, #tpu.memory_space<semaphore_mem>>)
      %dma_wait3A_38 = arith.constant 0 : i32
      %dma_wait3A_39 = tpu.memref_slice %arg12[%mul3A_11, %dma_wait3A_38] : memref<4096x64xf32, #tpu.memory_space<vmem_shared>> -> memref<256x64xf32, #tpu.memory_space<vmem_shared>>
      %dma_wait3A_40 = arith.constant 0 : i32
      %dma_wait3A_41 = tpu.memref_slice %arg12[%mul3A_11, %dma_wait3A_40] : memref<4096x64xf32, #tpu.memory_space<vmem_shared>> -> memref<256x64xf32, #tpu.memory_space<vmem_shared>>
      tpu.wait_dma2 semaphore(%run_scoped3A : memref<!tpu.dma_semaphore, #tpu.memory_space<semaphore_mem>>) src(%arg11 : memref<256x64xf32, #tpu.memory_space<vmem>>) dst(%dma_wait3A_41 : memref<256x64xf32, #tpu.memory_space<vmem_shared>>)
      tpu.yield
    }) : () -> ()
    %iota3A = tpu.iota {dimensions = array<i32: 0>} : vector<16xi32>
    %mul3A_12 = arith.constant 6400 : i32
    %mul3A_13 = arith.muli %add3A, %mul3A_12 : i32
    %dma_wait3A = tpu.memref_slice %arg2[%mul3A_2] : memref<204800xi32, #tpu.memory_space<hbm>> -> memref<6400xi32, #tpu.memory_space<hbm>>
    %dma_wait3A_14 = tpu.memref_slice %arg2[%mul3A_2] : memref<204800xi32, #tpu.memory_space<hbm>> -> memref<6400xi32, #tpu.memory_space<hbm>>
    tpu.wait_dma2 semaphore(%arg13 : memref<!tpu.dma_semaphore, #tpu.memory_space<semaphore_mem>>) src(%dma_wait3A_14 : memref<6400xi32, #tpu.memory_space<hbm>>) dst(%arg7 : memref<6400xi32, #tpu.memory_space<vmem>>)
    %multiple_of3A = arith.constant 0 : i32
    %multiple_of3A_15 = tpu.assume_multiple %multiple_of3A, 128 : i32
    %dma_start3A_16 = tpu.memref_slice %arg7[%multiple_of3A_15] : memref<6400xi32, #tpu.memory_space<vmem>> -> memref<128xi32, #tpu.memory_space<vmem>>
    %dma_start3A_17 = arith.constant 0 : i32
    %dma_start3A_18 = arith.constant 0 : i32
    %dma_start3A_19 = tpu.memref_slice %arg4[%dma_start3A_17, %dma_start3A_18] : memref<1000000x64xf32, #tpu.memory_space<hbm>> -> memref<1000000x64xf32, #tpu.memory_space<hbm>>
    tpu.enqueue_indirect_dma source(%dma_start3A_19 : memref<1000000x64xf32, #tpu.memory_space<hbm>>) target(%arg9 : memref<128x64xf32, #tpu.memory_space<vmem>>) offsets(%dma_start3A_16 : memref<128xi32, #tpu.memory_space<vmem>>) semaphore(%arg14 : memref<!tpu.dma_semaphore, #tpu.memory_space<semaphore_mem>>)
    %barrier3A = arith.constant 0 : index
    tpu.barrier barrier_id(%barrier3A)
    %scan3A_20 = arith.constant 0 : i32
    %scan3A_21 = arith.constant 0 : i32
    %scan3A_22 = arith.constant 25 : i32
    %scan3A_23 = arith.addi %scan3A_21, %scan3A_22 : i32
    %scan3A_24 = arith.constant 1 : i32
    scf.for %scan3A_34 = %scan3A_21 to %scan3A_23 step %scan3A_24  : i32 {
      %mul3A_35 = arith.constant 2 : i32
      %mul3A_36 = arith.muli %mul3A_35, %scan3A_34 : i32
      %add3A_37 = arith.constant 1 : i32
      %add3A_38 = arith.addi %mul3A_36, %add3A_37 : i32
      %mul3A_39 = arith.constant 128 : i32
      %mul3A_40 = arith.muli %add3A_38, %mul3A_39 : i32
      %multiple_of3A_41 = tpu.assume_multiple %mul3A_40, 128 : i32
      %dma_start3A_42 = tpu.memref_slice %arg7[%multiple_of3A_41] : memref<6400xi32, #tpu.memory_space<vmem>> -> memref<128xi32, #tpu.memory_space<vmem>>
      %dma_start3A_43 = arith.constant 0 : i32
      %dma_start3A_44 = arith.constant 0 : i32
      %dma_start3A_45 = tpu.memref_slice %arg4[%dma_start3A_43, %dma_start3A_44] : memref<1000000x64xf32, #tpu.memory_space<hbm>> -> memref<1000000x64xf32, #tpu.memory_space<hbm>>
      tpu.enqueue_indirect_dma source(%dma_start3A_45 : memref<1000000x64xf32, #tpu.memory_space<hbm>>) target(%arg10 : memref<128x64xf32, #tpu.memory_space<vmem>>) offsets(%dma_start3A_42 : memref<128xi32, #tpu.memory_space<vmem>>) semaphore(%arg15 : memref<!tpu.dma_semaphore, #tpu.memory_space<semaphore_mem>>)
      %mul3A_46 = arith.constant 128 : i32
      %mul3A_47 = arith.muli %mul3A_36, %mul3A_46 : i32
      %add3A_48 = arith.addi %mul3A_13, %mul3A_47 : i32
      %add3A_49 = arith.constant 0 : i32
      %add3A_50 = arith.addi %add3A_48, %add3A_49 : i32
      %add3A_51 = vector.broadcast %add3A_50 : i32 to vector<16xi32>
      %add3A_52 = arith.addi %add3A_51, %iota3A : vector<16xi32>
      %broadcast_in_dim3A_53 = arith.constant 0 : i32
      %broadcast_in_dim3A_54 = vector.broadcast %broadcast_in_dim3A_53 : i32 to vector<16xi32>
      %add3A_55 = arith.constant 2048 : i32
      %add3A_56 = vector.broadcast %add3A_55 : i32 to vector<16xi32>
      %add3A_57 = arith.addi %broadcast_in_dim3A_54, %add3A_56 : vector<16xi32>
      %gather3A = tpu.vector_load_idx %arg6[%add3A_57] : memref<8192xi32, #tpu.memory_space<vmem>>[vector<16xi32>], vector<16xi32>,
      %le3A = arith.cmpi sle, %gather3A, %add3A_52 : vector<16xi32>
      %select_n3A = arith.select %le3A, %add3A_57, %broadcast_in_dim3A_54 : vector<16xi1>, vector<16xi32>
      %add3A_58 = arith.constant 1024 : i32
      %add3A_59 = vector.broadcast %add3A_58 : i32 to vector<16xi32>
      %add3A_60 = arith.addi %select_n3A, %add3A_59 : vector<16xi32>
      %gather3A_61 = tpu.vector_load_idx %arg6[%add3A_60] : memref<8192xi32, #tpu.memory_space<vmem>>[vector<16xi32>], vector<16xi32>,
      %le3A_62 = arith.cmpi sle, %gather3A_61, %add3A_52 : vector<16xi32>
      %select_n3A_63 = arith.select %le3A_62, %add3A_60, %select_n3A : vector<16xi1>, vector<16xi32>
      %add3A_64 = arith.constant 512 : i32
      %add3A_65 = vector.broadcast %add3A_64 : i32 to vector<16xi32>
      %add3A_66 = arith.addi %select_n3A_63, %add3A_65 : vector<16xi32>
      %gather3A_67 = tpu.vector_load_idx %arg6[%add3A_66] : memref<8192xi32, #tpu.memory_space<vmem>>[vector<16xi32>], vector<16xi32>,
      %le3A_68 = arith.cmpi sle, %gather3A_67, %add3A_52 : vector<16xi32>
      %select_n3A_69 = arith.select %le3A_68, %add3A_66, %select_n3A_63 : vector<16xi1>, vector<16xi32>
      %add3A_70 = arith.constant 256 : i32
      %add3A_71 = vector.broadcast %add3A_70 : i32 to vector<16xi32>
      %add3A_72 = arith.addi %select_n3A_69, %add3A_71 : vector<16xi32>
      %gather3A_73 = tpu.vector_load_idx %arg6[%add3A_72] : memref<8192xi32, #tpu.memory_space<vmem>>[vector<16xi32>], vector<16xi32>,
      %le3A_74 = arith.cmpi sle, %gather3A_73, %add3A_52 : vector<16xi32>
      %select_n3A_75 = arith.select %le3A_74, %add3A_72, %select_n3A_69 : vector<16xi1>, vector<16xi32>
      %add3A_76 = arith.constant 128 : i32
      %add3A_77 = vector.broadcast %add3A_76 : i32 to vector<16xi32>
      %add3A_78 = arith.addi %select_n3A_75, %add3A_77 : vector<16xi32>
      %gather3A_79 = tpu.vector_load_idx %arg6[%add3A_78] : memref<8192xi32, #tpu.memory_space<vmem>>[vector<16xi32>], vector<16xi32>,
      %le3A_80 = arith.cmpi sle, %gather3A_79, %add3A_52 : vector<16xi32>
      %select_n3A_81 = arith.select %le3A_80, %add3A_78, %select_n3A_75 : vector<16xi1>, vector<16xi32>
      %add3A_82 = arith.constant 64 : i32
      %add3A_83 = vector.broadcast %add3A_82 : i32 to vector<16xi32>
      %add3A_84 = arith.addi %select_n3A_81, %add3A_83 : vector<16xi32>
      %gather3A_85 = tpu.vector_load_idx %arg6[%add3A_84] : memref<8192xi32, #tpu.memory_space<vmem>>[vector<16xi32>], vector<16xi32>,
      %le3A_86 = arith.cmpi sle, %gather3A_85, %add3A_52 : vector<16xi32>
      %select_n3A_87 = arith.select %le3A_86, %add3A_84, %select_n3A_81 : vector<16xi1>, vector<16xi32>
      %add3A_88 = arith.constant 32 : i32
      %add3A_89 = vector.broadcast %add3A_88 : i32 to vector<16xi32>
      %add3A_90 = arith.addi %select_n3A_87, %add3A_89 : vector<16xi32>
      %gather3A_91 = tpu.vector_load_idx %arg6[%add3A_90] : memref<8192xi32, #tpu.memory_space<vmem>>[vector<16xi32>], vector<16xi32>,
      %le3A_92 = arith.cmpi sle, %gather3A_91, %add3A_52 : vector<16xi32>
      %select_n3A_93 = arith.select %le3A_92, %add3A_90, %select_n3A_87 : vector<16xi1>, vector<16xi32>
      %add3A_94 = arith.constant 16 : i32
      %add3A_95 = vector.broadcast %add3A_94 : i32 to vector<16xi32>
      %add3A_96 = arith.addi %select_n3A_93, %add3A_95 : vector<16xi32>
      %gather3A_97 = tpu.vector_load_idx %arg6[%add3A_96] : memref<8192xi32, #tpu.memory_space<vmem>>[vector<16xi32>], vector<16xi32>,
      %le3A_98 = arith.cmpi sle, %gather3A_97, %add3A_52 : vector<16xi32>
      %select_n3A_99 = arith.select %le3A_98, %add3A_96, %select_n3A_93 : vector<16xi1>, vector<16xi32>
      %add3A_100 = arith.constant 8 : i32
      %add3A_101 = vector.broadcast %add3A_100 : i32 to vector<16xi32>
      %add3A_102 = arith.addi %select_n3A_99, %add3A_101 : vector<16xi32>
      %gather3A_103 = tpu.vector_load_idx %arg6[%add3A_102] : memref<8192xi32, #tpu.memory_space<vmem>>[vector<16xi32>], vector<16xi32>,
      %le3A_104 = arith.cmpi sle, %gather3A_103, %add3A_52 : vector<16xi32>
      %select_n3A_105 = arith.select %le3A_104, %add3A_102, %select_n3A_99 : vector<16xi1>, vector<16xi32>
      %add3A_106 = arith.constant 4 : i32
      %add3A_107 = vector.broadcast %add3A_106 : i32 to vector<16xi32>
      %add3A_108 = arith.addi %select_n3A_105, %add3A_107 : vector<16xi32>
      %gather3A_109 = tpu.vector_load_idx %arg6[%add3A_108] : memref<8192xi32, #tpu.memory_space<vmem>>[vector<16xi32>], vector<16xi32>,
      %le3A_110 = arith.cmpi sle, %gather3A_109, %add3A_52 : vector<16xi32>
      %select_n3A_111 = arith.select %le3A_110, %add3A_108, %select_n3A_105 : vector<16xi1>, vector<16xi32>
      %add3A_112 = arith.constant 2 : i32
      %add3A_113 = vector.broadcast %add3A_112 : i32 to vector<16xi32>
      %add3A_114 = arith.addi %select_n3A_111, %add3A_113 : vector<16xi32>
      %gather3A_115 = tpu.vector_load_idx %arg6[%add3A_114] : memref<8192xi32, #tpu.memory_space<vmem>>[vector<16xi32>], vector<16xi32>,
      %le3A_116 = arith.cmpi sle, %gather3A_115, %add3A_52 : vector<16xi32>
      %select_n3A_117 = arith.select %le3A_116, %add3A_114, %select_n3A_111 : vector<16xi1>, vector<16xi32>
      %add3A_118 = arith.constant 1 : i32
      %add3A_119 = vector.broadcast %add3A_118 : i32 to vector<16xi32>
      %add3A_120 = arith.addi %select_n3A_117, %add3A_119 : vector<16xi32>
      %gather3A_121 = tpu.vector_load_idx %arg6[%add3A_120] : memref<8192xi32, #tpu.memory_space<vmem>>[vector<16xi32>], vector<16xi32>,
      %le3A_122 = arith.cmpi sle, %gather3A_121, %add3A_52 : vector<16xi32>
      %select_n3A_123 = arith.select %le3A_122, %add3A_120, %select_n3A_117 : vector<16xi1>, vector<16xi32>
      %swap3A = arith.index_cast %mul3A_36 : i32 to index
      %swap3A_124 = arith.constant 0 : index
      %swap3A_125 = tpu.vector_load %arg8[%swap3A, %swap3A_124] {strides = array<i32>} : memref<50x128xi32, #tpu.memory_space<vmem>>, vector<16xi32>,
      tpu.vector_store %arg8[%swap3A, %swap3A_124], %select_n3A_123 {strides = array<i32>} : memref<50x128xi32, #tpu.memory_space<vmem>>, vector<16xi32>,
      %mul3A_126 = arith.constant 128 : i32
      %mul3A_127 = arith.muli %mul3A_36, %mul3A_126 : i32
      %add3A_128 = arith.addi %mul3A_13, %mul3A_127 : i32
      %add3A_129 = arith.constant 16 : i32
      %add3A_130 = arith.addi %add3A_128, %add3A_129 : i32
      %add3A_131 = vector.broadcast %add3A_130 : i32 to vector<16xi32>
      %add3A_132 = arith.addi %add3A_131, %iota3A : vector<16xi32>
      %broadcast_in_dim3A_133 = arith.constant 0 : i32
      %broadcast_in_dim3A_134 = vector.broadcast %broadcast_in_dim3A_133 : i32 to vector<16xi32>
      %add3A_135 = arith.constant 2048 : i32
      %add3A_136 = vector.broadcast %add3A_135 : i32 to vector<16xi32>
      %add3A_137 = arith.addi %broadcast_in_dim3A_134, %add3A_136 : vector<16xi32>
      %gather3A_138 = tpu.vector_load_idx %arg6[%add3A_137] : memref<8192xi32, #tpu.memory_space<vmem>>[vector<16xi32>], vector<16xi32>,
      %le3A_139 = arith.cmpi sle, %gather3A_138, %add3A_132 : vector<16xi32>
      %select_n3A_140 = arith.select %le3A_139, %add3A_137, %broadcast_in_dim3A_134 : vector<16xi1>, vector<16xi32>
      %add3A_141 = arith.constant 1024 : i32
      %add3A_142 = vector.broadcast %add3A_141 : i32 to vector<16xi32>
      %add3A_143 = arith.addi %select_n3A_140, %add3A_142 : vector<16xi32>
      %gather3A_144 = tpu.vector_load_idx %arg6[%add3A_143] : memref<8192xi32, #tpu.memory_space<vmem>>[vector<16xi32>], vector<16xi32>,
      %le3A_145 = arith.cmpi sle, %gather3A_144, %add3A_132 : vector<16xi32>
      %select_n3A_146 = arith.select %le3A_145, %add3A_143, %select_n3A_140 : vector<16xi1>, vector<16xi32>
      %add3A_147 = arith.constant 512 : i32
      %add3A_148 = vector.broadcast %add3A_147 : i32 to vector<16xi32>
      %add3A_149 = arith.addi %select_n3A_146, %add3A_148 : vector<16xi32>
      %gather3A_150 = tpu.vector_load_idx %arg6[%add3A_149] : memref<8192xi32, #tpu.memory_space<vmem>>[vector<16xi32>], vector<16xi32>,
      %le3A_151 = arith.cmpi sle, %gather3A_150, %add3A_132 : vector<16xi32>
      %select_n3A_152 = arith.select %le3A_151, %add3A_149, %select_n3A_146 : vector<16xi1>, vector<16xi32>
      %add3A_153 = arith.constant 256 : i32
      %add3A_154 = vector.broadcast %add3A_153 : i32 to vector<16xi32>
      %add3A_155 = arith.addi %select_n3A_152, %add3A_154 : vector<16xi32>
      %gather3A_156 = tpu.vector_load_idx %arg6[%add3A_155] : memref<8192xi32, #tpu.memory_space<vmem>>[vector<16xi32>], vector<16xi32>,
      %le3A_157 = arith.cmpi sle, %gather3A_156, %add3A_132 : vector<16xi32>
      %select_n3A_158 = arith.select %le3A_157, %add3A_155, %select_n3A_152 : vector<16xi1>, vector<16xi32>
      %add3A_159 = arith.constant 128 : i32
      %add3A_160 = vector.broadcast %add3A_159 : i32 to vector<16xi32>
      %add3A_161 = arith.addi %select_n3A_158, %add3A_160 : vector<16xi32>
      %gather3A_162 = tpu.vector_load_idx %arg6[%add3A_161] : memref<8192xi32, #tpu.memory_space<vmem>>[vector<16xi32>], vector<16xi32>,
      %le3A_163 = arith.cmpi sle, %gather3A_162, %add3A_132 : vector<16xi32>
      %select_n3A_164 = arith.select %le3A_163, %add3A_161, %select_n3A_158 : vector<16xi1>, vector<16xi32>
      %add3A_165 = arith.constant 64 : i32
      %add3A_166 = vector.broadcast %add3A_165 : i32 to vector<16xi32>
      %add3A_167 = arith.addi %select_n3A_164, %add3A_166 : vector<16xi32>
      %gather3A_168 = tpu.vector_load_idx %arg6[%add3A_167] : memref<8192xi32, #tpu.memory_space<vmem>>[vector<16xi32>], vector<16xi32>,
      %le3A_169 = arith.cmpi sle, %gather3A_168, %add3A_132 : vector<16xi32>
      %select_n3A_170 = arith.select %le3A_169, %add3A_167, %select_n3A_164 : vector<16xi1>, vector<16xi32>
      %add3A_171 = arith.constant 32 : i32
      %add3A_172 = vector.broadcast %add3A_171 : i32 to vector<16xi32>
      %add3A_173 = arith.addi %select_n3A_170, %add3A_172 : vector<16xi32>
      %gather3A_174 = tpu.vector_load_idx %arg6[%add3A_173] : memref<8192xi32, #tpu.memory_space<vmem>>[vector<16xi32>], vector<16xi32>,
      %le3A_175 = arith.cmpi sle, %gather3A_174, %add3A_132 : vector<16xi32>
      %select_n3A_176 = arith.select %le3A_175, %add3A_173, %select_n3A_170 : vector<16xi1>, vector<16xi32>
      %add3A_177 = arith.constant 16 : i32
      %add3A_178 = vector.broadcast %add3A_177 : i32 to vector<16xi32>
      %add3A_179 = arith.addi %select_n3A_176, %add3A_178 : vector<16xi32>
      %gather3A_180 = tpu.vector_load_idx %arg6[%add3A_179] : memref<8192xi32, #tpu.memory_space<vmem>>[vector<16xi32>], vector<16xi32>,
      %le3A_181 = arith.cmpi sle, %gather3A_180, %add3A_132 : vector<16xi32>
      %select_n3A_182 = arith.select %le3A_181, %add3A_179, %select_n3A_176 : vector<16xi1>, vector<16xi32>
      %add3A_183 = arith.constant 8 : i32
      %add3A_184 = vector.broadcast %add3A_183 : i32 to vector<16xi32>
      %add3A_185 = arith.addi %select_n3A_182, %add3A_184 : vector<16xi32>
      %gather3A_186 = tpu.vector_load_idx %arg6[%add3A_185] : memref<8192xi32, #tpu.memory_space<vmem>>[vector<16xi32>], vector<16xi32>,
      %le3A_187 = arith.cmpi sle, %gather3A_186, %add3A_132 : vector<16xi32>
      %select_n3A_188 = arith.select %le3A_187, %add3A_185, %select_n3A_182 : vector<16xi1>, vector<16xi32>
      %add3A_189 = arith.constant 4 : i32
      %add3A_190 = vector.broadcast %add3A_189 : i32 to vector<16xi32>
      %add3A_191 = arith.addi %select_n3A_188, %add3A_190 : vector<16xi32>
      %gather3A_192 = tpu.vector_load_idx %arg6[%add3A_191] : memref<8192xi32, #tpu.memory_space<vmem>>[vector<16xi32>], vector<16xi32>,
      %le3A_193 = arith.cmpi sle, %gather3A_192, %add3A_132 : vector<16xi32>
      %select_n3A_194 = arith.select %le3A_193, %add3A_191, %select_n3A_188 : vector<16xi1>, vector<16xi32>
      %add3A_195 = arith.constant 2 : i32
      %add3A_196 = vector.broadcast %add3A_195 : i32 to vector<16xi32>
      %add3A_197 = arith.addi %select_n3A_194, %add3A_196 : vector<16xi32>
      %gather3A_198 = tpu.vector_load_idx %arg6[%add3A_197] : memref<8192xi32, #tpu.memory_space<vmem>>[vector<16xi32>], vector<16xi32>,
      %le3A_199 = arith.cmpi sle, %gather3A_198, %add3A_132 : vector<16xi32>
      %select_n3A_200 = arith.select %le3A_199, %add3A_197, %select_n3A_194 : vector<16xi1>, vector<16xi32>
      %add3A_201 = arith.constant 1 : i32
      %add3A_202 = vector.broadcast %add3A_201 : i32 to vector<16xi32>
      %add3A_203 = arith.addi %select_n3A_200, %add3A_202 : vector<16xi32>
      %gather3A_204 = tpu.vector_load_idx %arg6[%add3A_203] : memref<8192xi32, #tpu.memory_space<vmem>>[vector<16xi32>], vector<16xi32>,
      %le3A_205 = arith.cmpi sle, %gather3A_204, %add3A_132 : vector<16xi32>
      %select_n3A_206 = arith.select %le3A_205, %add3A_203, %select_n3A_200 : vector<16xi1>, vector<16xi32>
      %swap3A_207 = arith.index_cast %mul3A_36 : i32 to index
      %swap3A_208 = arith.constant 16 : index
      %swap3A_209 = tpu.vector_load %arg8[%swap3A_207, %swap3A_208] {strides = array<i32>} : memref<50x128xi32, #tpu.memory_space<vmem>>, vector<16xi32>,
      tpu.vector_store %arg8[%swap3A_207, %swap3A_208], %select_n3A_206 {strides = array<i32>} : memref<50x128xi32, #tpu.memory_space<vmem>>, vector<16xi32>,
      %mul3A_210 = arith.constant 128 : i32
      %mul3A_211 = arith.muli %mul3A_36, %mul3A_210 : i32
      %add3A_212 = arith.addi %mul3A_13, %mul3A_211 : i32
      %add3A_213 = arith.constant 32 : i32
      %add3A_214 = arith.addi %add3A_212, %add3A_213 : i32
      %add3A_215 = vector.broadcast %add3A_214 : i32 to vector<16xi32>
      %add3A_216 = arith.addi %add3A_215, %iota3A : vector<16xi32>
      %broadcast_in_dim3A_217 = arith.constant 0 : i32
      %broadcast_in_dim3A_218 = vector.broadcast %broadcast_in_dim3A_217 : i32 to vector<16xi32>
      %add3A_219 = arith.constant 2048 : i32
      %add3A_220 = vector.broadcast %add3A_219 : i32 to vector<16xi32>
      %add3A_221 = arith.addi %broadcast_in_dim3A_218, %add3A_220 : vector<16xi32>
      %gather3A_222 = tpu.vector_load_idx %arg6[%add3A_221] : memref<8192xi32, #tpu.memory_space<vmem>>[vector<16xi32>], vector<16xi32>,
      %le3A_223 = arith.cmpi sle, %gather3A_222, %add3A_216 : vector<16xi32>
      %select_n3A_224 = arith.select %le3A_223, %add3A_221, %broadcast_in_dim3A_218 : vector<16xi1>, vector<16xi32>
      %add3A_225 = arith.constant 1024 : i32
      %add3A_226 = vector.broadcast %add3A_225 : i32 to vector<16xi32>
      %add3A_227 = arith.addi %select_n3A_224, %add3A_226 : vector<16xi32>
      %gather3A_228 = tpu.vector_load_idx %arg6[%add3A_227] : memref<8192xi32, #tpu.memory_space<vmem>>[vector<16xi32>], vector<16xi32>,
      %le3A_229 = arith.cmpi sle, %gather3A_228, %add3A_216 : vector<16xi32>
      %select_n3A_230 = arith.select %le3A_229, %add3A_227, %select_n3A_224 : vector<16xi1>, vector<16xi32>
      %add3A_231 = arith.constant 512 : i32
      %add3A_232 = vector.broadcast %add3A_231 : i32 to vector<16xi32>
      %add3A_233 = arith.addi %select_n3A_230, %add3A_232 : vector<16xi32>
      %gather3A_234 = tpu.vector_load_idx %arg6[%add3A_233] : memref<8192xi32, #tpu.memory_space<vmem>>[vector<16xi32>], vector<16xi32>,
      %le3A_235 = arith.cmpi sle, %gather3A_234, %add3A_216 : vector<16xi32>
      %select_n3A_236 = arith.select %le3A_235, %add3A_233, %select_n3A_230 : vector<16xi1>, vector<16xi32>
      %add3A_237 = arith.constant 256 : i32
      %add3A_238 = vector.broadcast %add3A_237 : i32 to vector<16xi32>
      %add3A_239 = arith.addi %select_n3A_236, %add3A_238 : vector<16xi32>
      %gather3A_240 = tpu.vector_load_idx %arg6[%add3A_239] : memref<8192xi32, #tpu.memory_space<vmem>>[vector<16xi32>], vector<16xi32>,
      %le3A_241 = arith.cmpi sle, %gather3A_240, %add3A_216 : vector<16xi32>
      %select_n3A_242 = arith.select %le3A_241, %add3A_239, %select_n3A_236 : vector<16xi1>, vector<16xi32>
      %add3A_243 = arith.constant 128 : i32
      %add3A_244 = vector.broadcast %add3A_243 : i32 to vector<16xi32>
      %add3A_245 = arith.addi %select_n3A_242, %add3A_244 : vector<16xi32>
      %gather3A_246 = tpu.vector_load_idx %arg6[%add3A_245] : memref<8192xi32, #tpu.memory_space<vmem>>[vector<16xi32>], vector<16xi32>,
      %le3A_247 = arith.cmpi sle, %gather3A_246, %add3A_216 : vector<16xi32>
      %select_n3A_248 = arith.select %le3A_247, %add3A_245, %select_n3A_242 : vector<16xi1>, vector<16xi32>
      %add3A_249 = arith.constant 64 : i32
      %add3A_250 = vector.broadcast %add3A_249 : i32 to vector<16xi32>
      %add3A_251 = arith.addi %select_n3A_248, %add3A_250 : vector<16xi32>
      %gather3A_252 = tpu.vector_load_idx %arg6[%add3A_251] : memref<8192xi32, #tpu.memory_space<vmem>>[vector<16xi32>], vector<16xi32>,
      %le3A_253 = arith.cmpi sle, %gather3A_252, %add3A_216 : vector<16xi32>
      %select_n3A_254 = arith.select %le3A_253, %add3A_251, %select_n3A_248 : vector<16xi1>, vector<16xi32>
      %add3A_255 = arith.constant 32 : i32
      %add3A_256 = vector.broadcast %add3A_255 : i32 to vector<16xi32>
      %add3A_257 = arith.addi %select_n3A_254, %add3A_256 : vector<16xi32>
      %gather3A_258 = tpu.vector_load_idx %arg6[%add3A_257] : memref<8192xi32, #tpu.memory_space<vmem>>[vector<16xi32>], vector<16xi32>,
      %le3A_259 = arith.cmpi sle, %gather3A_258, %add3A_216 : vector<16xi32>
      %select_n3A_260 = arith.select %le3A_259, %add3A_257, %select_n3A_254 : vector<16xi1>, vector<16xi32>
      %add3A_261 = arith.constant 16 : i32
      %add3A_262 = vector.broadcast %add3A_261 : i32 to vector<16xi32>
      %add3A_263 = arith.addi %select_n3A_260, %add3A_262 : vector<16xi32>
      %gather3A_264 = tpu.vector_load_idx %arg6[%add3A_263] : memref<8192xi32, #tpu.memory_space<vmem>>[vector<16xi32>], vector<16xi32>,
      %le3A_265 = arith.cmpi sle, %gather3A_264, %add3A_216 : vector<16xi32>
      %select_n3A_266 = arith.select %le3A_265, %add3A_263, %select_n3A_260 : vector<16xi1>, vector<16xi32>
      %add3A_267 = arith.constant 8 : i32
      %add3A_268 = vector.broadcast %add3A_267 : i32 to vector<16xi32>
      %add3A_269 = arith.addi %select_n3A_266, %add3A_268 : vector<16xi32>
      %gather3A_270 = tpu.vector_load_idx %arg6[%add3A_269] : memref<8192xi32, #tpu.memory_space<vmem>>[vector<16xi32>], vector<16xi32>,
      %le3A_271 = arith.cmpi sle, %gather3A_270, %add3A_216 : vector<16xi32>
      %select_n3A_272 = arith.select %le3A_271, %add3A_269, %select_n3A_266 : vector<16xi1>, vector<16xi32>
      %add3A_273 = arith.constant 4 : i32
      %add3A_274 = vector.broadcast %add3A_273 : i32 to vector<16xi32>
      %add3A_275 = arith.addi %select_n3A_272, %add3A_274 : vector<16xi32>
      %gather3A_276 = tpu.vector_load_idx %arg6[%add3A_275] : memref<8192xi32, #tpu.memory_space<vmem>>[vector<16xi32>], vector<16xi32>,
      %le3A_277 = arith.cmpi sle, %gather3A_276, %add3A_216 : vector<16xi32>
      %select_n3A_278 = arith.select %le3A_277, %add3A_275, %select_n3A_272 : vector<16xi1>, vector<16xi32>
      %add3A_279 = arith.constant 2 : i32
      %add3A_280 = vector.broadcast %add3A_279 : i32 to vector<16xi32>
      %add3A_281 = arith.addi %select_n3A_278, %add3A_280 : vector<16xi32>
      %gather3A_282 = tpu.vector_load_idx %arg6[%add3A_281] : memref<8192xi32, #tpu.memory_space<vmem>>[vector<16xi32>], vector<16xi32>,
      %le3A_283 = arith.cmpi sle, %gather3A_282, %add3A_216 : vector<16xi32>
      %select_n3A_284 = arith.select %le3A_283, %add3A_281, %select_n3A_278 : vector<16xi1>, vector<16xi32>
      %add3A_285 = arith.constant 1 : i32
      %add3A_286 = vector.broadcast %add3A_285 : i32 to vector<16xi32>
      %add3A_287 = arith.addi %select_n3A_284, %add3A_286 : vector<16xi32>
      %gather3A_288 = tpu.vector_load_idx %arg6[%add3A_287] : memref<8192xi32, #tpu.memory_space<vmem>>[vector<16xi32>], vector<16xi32>,
      %le3A_289 = arith.cmpi sle, %gather3A_288, %add3A_216 : vector<16xi32>
      %select_n3A_290 = arith.select %le3A_289, %add3A_287, %select_n3A_284 : vector<16xi1>, vector<16xi32>
      %swap3A_291 = arith.index_cast %mul3A_36 : i32 to index
      %swap3A_292 = arith.constant 32 : index
      %swap3A_293 = tpu.vector_load %arg8[%swap3A_291, %swap3A_292] {strides = array<i32>} : memref<50x128xi32, #tpu.memory_space<vmem>>, vector<16xi32>,
      tpu.vector_store %arg8[%swap3A_291, %swap3A_292], %select_n3A_290 {strides = array<i32>} : memref<50x128xi32, #tpu.memory_space<vmem>>, vector<16xi32>,
      %mul3A_294 = arith.constant 128 : i32
      %mul3A_295 = arith.muli %mul3A_36, %mul3A_294 : i32
      %add3A_296 = arith.addi %mul3A_13, %mul3A_295 : i32
      %add3A_297 = arith.constant 48 : i32
      %add3A_298 = arith.addi %add3A_296, %add3A_297 : i32
      %add3A_299 = vector.broadcast %add3A_298 : i32 to vector<16xi32>
      %add3A_300 = arith.addi %add3A_299, %iota3A : vector<16xi32>
      %broadcast_in_dim3A_301 = arith.constant 0 : i32
      %broadcast_in_dim3A_302 = vector.broadcast %broadcast_in_dim3A_301 : i32 to vector<16xi32>
      %add3A_303 = arith.constant 2048 : i32
      %add3A_304 = vector.broadcast %add3A_303 : i32 to vector<16xi32>
      %add3A_305 = arith.addi %broadcast_in_dim3A_302, %add3A_304 : vector<16xi32>
      %gather3A_306 = tpu.vector_load_idx %arg6[%add3A_305] : memref<8192xi32, #tpu.memory_space<vmem>>[vector<16xi32>], vector<16xi32>,
      %le3A_307 = arith.cmpi sle, %gather3A_306, %add3A_300 : vector<16xi32>
      %select_n3A_308 = arith.select %le3A_307, %add3A_305, %broadcast_in_dim3A_302 : vector<16xi1>, vector<16xi32>
      %add3A_309 = arith.constant 1024 : i32
      %add3A_310 = vector.broadcast %add3A_309 : i32 to vector<16xi32>
      %add3A_311 = arith.addi %select_n3A_308, %add3A_310 : vector<16xi32>
      %gather3A_312 = tpu.vector_load_idx %arg6[%add3A_311] : memref<8192xi32, #tpu.memory_space<vmem>>[vector<16xi32>], vector<16xi32>,
      %le3A_313 = arith.cmpi sle, %gather3A_312, %add3A_300 : vector<16xi32>
      %select_n3A_314 = arith.select %le3A_313, %add3A_311, %select_n3A_308 : vector<16xi1>, vector<16xi32>
      %add3A_315 = arith.constant 512 : i32
      %add3A_316 = vector.broadcast %add3A_315 : i32 to vector<16xi32>
      %add3A_317 = arith.addi %select_n3A_314, %add3A_316 : vector<16xi32>
      %gather3A_318 = tpu.vector_load_idx %arg6[%add3A_317] : memref<8192xi32, #tpu.memory_space<vmem>>[vector<16xi32>], vector<16xi32>,
      %le3A_319 = arith.cmpi sle, %gather3A_318, %add3A_300 : vector<16xi32>
      %select_n3A_320 = arith.select %le3A_319, %add3A_317, %select_n3A_314 : vector<16xi1>, vector<16xi32>
      %add3A_321 = arith.constant 256 : i32
      %add3A_322 = vector.broadcast %add3A_321 : i32 to vector<16xi32>
      %add3A_323 = arith.addi %select_n3A_320, %add3A_322 : vector<16xi32>
      %gather3A_324 = tpu.vector_load_idx %arg6[%add3A_323] : memref<8192xi32, #tpu.memory_space<vmem>>[vector<16xi32>], vector<16xi32>,
      %le3A_325 = arith.cmpi sle, %gather3A_324, %add3A_300 : vector<16xi32>
      %select_n3A_326 = arith.select %le3A_325, %add3A_323, %select_n3A_320 : vector<16xi1>, vector<16xi32>
      %add3A_327 = arith.constant 128 : i32
      %add3A_328 = vector.broadcast %add3A_327 : i32 to vector<16xi32>
      %add3A_329 = arith.addi %select_n3A_326, %add3A_328 : vector<16xi32>
      %gather3A_330 = tpu.vector_load_idx %arg6[%add3A_329] : memref<8192xi32, #tpu.memory_space<vmem>>[vector<16xi32>], vector<16xi32>,
      %le3A_331 = arith.cmpi sle, %gather3A_330, %add3A_300 : vector<16xi32>
      %select_n3A_332 = arith.select %le3A_331, %add3A_329, %select_n3A_326 : vector<16xi1>, vector<16xi32>
      %add3A_333 = arith.constant 64 : i32
      %add3A_334 = vector.broadcast %add3A_333 : i32 to vector<16xi32>
      %add3A_335 = arith.addi %select_n3A_332, %add3A_334 : vector<16xi32>
      %gather3A_336 = tpu.vector_load_idx %arg6[%add3A_335] : memref<8192xi32, #tpu.memory_space<vmem>>[vector<16xi32>], vector<16xi32>,
      %le3A_337 = arith.cmpi sle, %gather3A_336, %add3A_300 : vector<16xi32>
      %select_n3A_338 = arith.select %le3A_337, %add3A_335, %select_n3A_332 : vector<16xi1>, vector<16xi32>
      %add3A_339 = arith.constant 32 : i32
      %add3A_340 = vector.broadcast %add3A_339 : i32 to vector<16xi32>
      %add3A_341 = arith.addi %select_n3A_338, %add3A_340 : vector<16xi32>
      %gather3A_342 = tpu.vector_load_idx %arg6[%add3A_341] : memref<8192xi32, #tpu.memory_space<vmem>>[vector<16xi32>], vector<16xi32>,
      %le3A_343 = arith.cmpi sle, %gather3A_342, %add3A_300 : vector<16xi32>
      %select_n3A_344 = arith.select %le3A_343, %add3A_341, %select_n3A_338 : vector<16xi1>, vector<16xi32>
      %add3A_345 = arith.constant 16 : i32
      %add3A_346 = vector.broadcast %add3A_345 : i32 to vector<16xi32>
      %add3A_347 = arith.addi %select_n3A_344, %add3A_346 : vector<16xi32>
      %gather3A_348 = tpu.vector_load_idx %arg6[%add3A_347] : memref<8192xi32, #tpu.memory_space<vmem>>[vector<16xi32>], vector<16xi32>,
      %le3A_349 = arith.cmpi sle, %gather3A_348, %add3A_300 : vector<16xi32>
      %select_n3A_350 = arith.select %le3A_349, %add3A_347, %select_n3A_344 : vector<16xi1>, vector<16xi32>
      %add3A_351 = arith.constant 8 : i32
      %add3A_352 = vector.broadcast %add3A_351 : i32 to vector<16xi32>
      %add3A_353 = arith.addi %select_n3A_350, %add3A_352 : vector<16xi32>
      %gather3A_354 = tpu.vector_load_idx %arg6[%add3A_353] : memref<8192xi32, #tpu.memory_space<vmem>>[vector<16xi32>], vector<16xi32>,
      %le3A_355 = arith.cmpi sle, %gather3A_354, %add3A_300 : vector<16xi32>
      %select_n3A_356 = arith.select %le3A_355, %add3A_353, %select_n3A_350 : vector<16xi1>, vector<16xi32>
      %add3A_357 = arith.constant 4 : i32
      %add3A_358 = vector.broadcast %add3A_357 : i32 to vector<16xi32>
      %add3A_359 = arith.addi %select_n3A_356, %add3A_358 : vector<16xi32>
      %gather3A_360 = tpu.vector_load_idx %arg6[%add3A_359] : memref<8192xi32, #tpu.memory_space<vmem>>[vector<16xi32>], vector<16xi32>,
      %le3A_361 = arith.cmpi sle, %gather3A_360, %add3A_300 : vector<16xi32>
      %select_n3A_362 = arith.select %le3A_361, %add3A_359, %select_n3A_356 : vector<16xi1>, vector<16xi32>
      %add3A_363 = arith.constant 2 : i32
      %add3A_364 = vector.broadcast %add3A_363 : i32 to vector<16xi32>
      %add3A_365 = arith.addi %select_n3A_362, %add3A_364 : vector<16xi32>
      %gather3A_366 = tpu.vector_load_idx %arg6[%add3A_365] : memref<8192xi32, #tpu.memory_space<vmem>>[vector<16xi32>], vector<16xi32>,
      %le3A_367 = arith.cmpi sle, %gather3A_366, %add3A_300 : vector<16xi32>
      %select_n3A_368 = arith.select %le3A_367, %add3A_365, %select_n3A_362 : vector<16xi1>, vector<16xi32>
      %add3A_369 = arith.constant 1 : i32
      %add3A_370 = vector.broadcast %add3A_369 : i32 to vector<16xi32>
      %add3A_371 = arith.addi %select_n3A_368, %add3A_370 : vector<16xi32>
      %gather3A_372 = tpu.vector_load_idx %arg6[%add3A_371] : memref<8192xi32, #tpu.memory_space<vmem>>[vector<16xi32>], vector<16xi32>,
      %le3A_373 = arith.cmpi sle, %gather3A_372, %add3A_300 : vector<16xi32>
      %select_n3A_374 = arith.select %le3A_373, %add3A_371, %select_n3A_368 : vector<16xi1>, vector<16xi32>
      %swap3A_375 = arith.index_cast %mul3A_36 : i32 to index
      %swap3A_376 = arith.constant 48 : index
      %swap3A_377 = tpu.vector_load %arg8[%swap3A_375, %swap3A_376] {strides = array<i32>} : memref<50x128xi32, #tpu.memory_space<vmem>>, vector<16xi32>,
      tpu.vector_store %arg8[%swap3A_375, %swap3A_376], %select_n3A_374 {strides = array<i32>} : memref<50x128xi32, #tpu.memory_space<vmem>>, vector<16xi32>,
      %mul3A_378 = arith.constant 128 : i32
      %mul3A_379 = arith.muli %mul3A_36, %mul3A_378 : i32
      %add3A_380 = arith.addi %mul3A_13, %mul3A_379 : i32
      %add3A_381 = arith.constant 64 : i32
      %add3A_382 = arith.addi %add3A_380, %add3A_381 : i32
      %add3A_383 = vector.broadcast %add3A_382 : i32 to vector<16xi32>
      %add3A_384 = arith.addi %add3A_383, %iota3A : vector<16xi32>
      %broadcast_in_dim3A_385 = arith.constant 0 : i32
      %broadcast_in_dim3A_386 = vector.broadcast %broadcast_in_dim3A_385 : i32 to vector<16xi32>
      %add3A_387 = arith.constant 2048 : i32
      %add3A_388 = vector.broadcast %add3A_387 : i32 to vector<16xi32>
      %add3A_389 = arith.addi %broadcast_in_dim3A_386, %add3A_388 : vector<16xi32>
      %gather3A_390 = tpu.vector_load_idx %arg6[%add3A_389] : memref<8192xi32, #tpu.memory_space<vmem>>[vector<16xi32>], vector<16xi32>,
      %le3A_391 = arith.cmpi sle, %gather3A_390, %add3A_384 : vector<16xi32>
      %select_n3A_392 = arith.select %le3A_391, %add3A_389, %broadcast_in_dim3A_386 : vector<16xi1>, vector<16xi32>
      %add3A_393 = arith.constant 1024 : i32
      %add3A_394 = vector.broadcast %add3A_393 : i32 to vector<16xi32>
      %add3A_395 = arith.addi %select_n3A_392, %add3A_394 : vector<16xi32>
      %gather3A_396 = tpu.vector_load_idx %arg6[%add3A_395] : memref<8192xi32, #tpu.memory_space<vmem>>[vector<16xi32>], vector<16xi32>,
      %le3A_397 = arith.cmpi sle, %gather3A_396, %add3A_384 : vector<16xi32>
      %select_n3A_398 = arith.select %le3A_397, %add3A_395, %select_n3A_392 : vector<16xi1>, vector<16xi32>
      %add3A_399 = arith.constant 512 : i32
      %add3A_400 = vector.broadcast %add3A_399 : i32 to vector<16xi32>
      %add3A_401 = arith.addi %select_n3A_398, %add3A_400 : vector<16xi32>
      %gather3A_402 = tpu.vector_load_idx %arg6[%add3A_401] : memref<8192xi32, #tpu.memory_space<vmem>>[vector<16xi32>], vector<16xi32>,
      %le3A_403 = arith.cmpi sle, %gather3A_402, %add3A_384 : vector<16xi32>
      %select_n3A_404 = arith.select %le3A_403, %add3A_401, %select_n3A_398 : vector<16xi1>, vector<16xi32>
      %add3A_405 = arith.constant 256 : i32
      %add3A_406 = vector.broadcast %add3A_405 : i32 to vector<16xi32>
      %add3A_407 = arith.addi %select_n3A_404, %add3A_406 : vector<16xi32>
      %gather3A_408 = tpu.vector_load_idx %arg6[%add3A_407] : memref<8192xi32, #tpu.memory_space<vmem>>[vector<16xi32>], vector<16xi32>,
      %le3A_409 = arith.cmpi sle, %gather3A_408, %add3A_384 : vector<16xi32>
      %select_n3A_410 = arith.select %le3A_409, %add3A_407, %select_n3A_404 : vector<16xi1>, vector<16xi32>
      %add3A_411 = arith.constant 128 : i32
      %add3A_412 = vector.broadcast %add3A_411 : i32 to vector<16xi32>
      %add3A_413 = arith.addi %select_n3A_410, %add3A_412 : vector<16xi32>
      %gather3A_414 = tpu.vector_load_idx %arg6[%add3A_413] : memref<8192xi32, #tpu.memory_space<vmem>>[vector<16xi32>], vector<16xi32>,
      %le3A_415 = arith.cmpi sle, %gather3A_414, %add3A_384 : vector<16xi32>
      %select_n3A_416 = arith.select %le3A_415, %add3A_413, %select_n3A_410 : vector<16xi1>, vector<16xi32>
      %add3A_417 = arith.constant 64 : i32
      %add3A_418 = vector.broadcast %add3A_417 : i32 to vector<16xi32>
      %add3A_419 = arith.addi %select_n3A_416, %add3A_418 : vector<16xi32>
      %gather3A_420 = tpu.vector_load_idx %arg6[%add3A_419] : memref<8192xi32, #tpu.memory_space<vmem>>[vector<16xi32>], vector<16xi32>,
      %le3A_421 = arith.cmpi sle, %gather3A_420, %add3A_384 : vector<16xi32>
      %select_n3A_422 = arith.select %le3A_421, %add3A_419, %select_n3A_416 : vector<16xi1>, vector<16xi32>
      %add3A_423 = arith.constant 32 : i32
      %add3A_424 = vector.broadcast %add3A_423 : i32 to vector<16xi32>
      %add3A_425 = arith.addi %select_n3A_422, %add3A_424 : vector<16xi32>
      %gather3A_426 = tpu.vector_load_idx %arg6[%add3A_425] : memref<8192xi32, #tpu.memory_space<vmem>>[vector<16xi32>], vector<16xi32>,
      %le3A_427 = arith.cmpi sle, %gather3A_426, %add3A_384 : vector<16xi32>
      %select_n3A_428 = arith.select %le3A_427, %add3A_425, %select_n3A_422 : vector<16xi1>, vector<16xi32>
      %add3A_429 = arith.constant 16 : i32
      %add3A_430 = vector.broadcast %add3A_429 : i32 to vector<16xi32>
      %add3A_431 = arith.addi %select_n3A_428, %add3A_430 : vector<16xi32>
      %gather3A_432 = tpu.vector_load_idx %arg6[%add3A_431] : memref<8192xi32, #tpu.memory_space<vmem>>[vector<16xi32>], vector<16xi32>,
      %le3A_433 = arith.cmpi sle, %gather3A_432, %add3A_384 : vector<16xi32>
      %select_n3A_434 = arith.select %le3A_433, %add3A_431, %select_n3A_428 : vector<16xi1>, vector<16xi32>
      %add3A_435 = arith.constant 8 : i32
      %add3A_436 = vector.broadcast %add3A_435 : i32 to vector<16xi32>
      %add3A_437 = arith.addi %select_n3A_434, %add3A_436 : vector<16xi32>
      %gather3A_438 = tpu.vector_load_idx %arg6[%add3A_437] : memref<8192xi32, #tpu.memory_space<vmem>>[vector<16xi32>], vector<16xi32>,
      %le3A_439 = arith.cmpi sle, %gather3A_438, %add3A_384 : vector<16xi32>
      %select_n3A_440 = arith.select %le3A_439, %add3A_437, %select_n3A_434 : vector<16xi1>, vector<16xi32>
      %add3A_441 = arith.constant 4 : i32
      %add3A_442 = vector.broadcast %add3A_441 : i32 to vector<16xi32>
      %add3A_443 = arith.addi %select_n3A_440, %add3A_442 : vector<16xi32>
      %gather3A_444 = tpu.vector_load_idx %arg6[%add3A_443] : memref<8192xi32, #tpu.memory_space<vmem>>[vector<16xi32>], vector<16xi32>,
      %le3A_445 = arith.cmpi sle, %gather3A_444, %add3A_384 : vector<16xi32>
      %select_n3A_446 = arith.select %le3A_445, %add3A_443, %select_n3A_440 : vector<16xi1>, vector<16xi32>
      %add3A_447 = arith.constant 2 : i32
      %add3A_448 = vector.broadcast %add3A_447 : i32 to vector<16xi32>
      %add3A_449 = arith.addi %select_n3A_446, %add3A_448 : vector<16xi32>
      %gather3A_450 = tpu.vector_load_idx %arg6[%add3A_449] : memref<8192xi32, #tpu.memory_space<vmem>>[vector<16xi32>], vector<16xi32>,
      %le3A_451 = arith.cmpi sle, %gather3A_450, %add3A_384 : vector<16xi32>
      %select_n3A_452 = arith.select %le3A_451, %add3A_449, %select_n3A_446 : vector<16xi1>, vector<16xi32>
      %add3A_453 = arith.constant 1 : i32
      %add3A_454 = vector.broadcast %add3A_453 : i32 to vector<16xi32>
      %add3A_455 = arith.addi %select_n3A_452, %add3A_454 : vector<16xi32>
      %gather3A_456 = tpu.vector_load_idx %arg6[%add3A_455] : memref<8192xi32, #tpu.memory_space<vmem>>[vector<16xi32>], vector<16xi32>,
      %le3A_457 = arith.cmpi sle, %gather3A_456, %add3A_384 : vector<16xi32>
      %select_n3A_458 = arith.select %le3A_457, %add3A_455, %select_n3A_452 : vector<16xi1>, vector<16xi32>
      %swap3A_459 = arith.index_cast %mul3A_36 : i32 to index
      %swap3A_460 = arith.constant 64 : index
      %swap3A_461 = tpu.vector_load %arg8[%swap3A_459, %swap3A_460] {strides = array<i32>} : memref<50x128xi32, #tpu.memory_space<vmem>>, vector<16xi32>,
      tpu.vector_store %arg8[%swap3A_459, %swap3A_460], %select_n3A_458 {strides = array<i32>} : memref<50x128xi32, #tpu.memory_space<vmem>>, vector<16xi32>,
      %mul3A_462 = arith.constant 128 : i32
      %mul3A_463 = arith.muli %mul3A_36, %mul3A_462 : i32
      %add3A_464 = arith.addi %mul3A_13, %mul3A_463 : i32
      %add3A_465 = arith.constant 80 : i32
      %add3A_466 = arith.addi %add3A_464, %add3A_465 : i32
      %add3A_467 = vector.broadcast %add3A_466 : i32 to vector<16xi32>
      %add3A_468 = arith.addi %add3A_467, %iota3A : vector<16xi32>
      %broadcast_in_dim3A_469 = arith.constant 0 : i32
      %broadcast_in_dim3A_470 = vector.broadcast %broadcast_in_dim3A_469 : i32 to vector<16xi32>
      %add3A_471 = arith.constant 2048 : i32
      %add3A_472 = vector.broadcast %add3A_471 : i32 to vector<16xi32>
      %add3A_473 = arith.addi %broadcast_in_dim3A_470, %add3A_472 : vector<16xi32>
      %gather3A_474 = tpu.vector_load_idx %arg6[%add3A_473] : memref<8192xi32, #tpu.memory_space<vmem>>[vector<16xi32>], vector<16xi32>,
      %le3A_475 = arith.cmpi sle, %gather3A_474, %add3A_468 : vector<16xi32>
      %select_n3A_476 = arith.select %le3A_475, %add3A_473, %broadcast_in_dim3A_470 : vector<16xi1>, vector<16xi32>
      %add3A_477 = arith.constant 1024 : i32
      %add3A_478 = vector.broadcast %add3A_477 : i32 to vector<16xi32>
      %add3A_479 = arith.addi %select_n3A_476, %add3A_478 : vector<16xi32>
      %gather3A_480 = tpu.vector_load_idx %arg6[%add3A_479] : memref<8192xi32, #tpu.memory_space<vmem>>[vector<16xi32>], vector<16xi32>,
      %le3A_481 = arith.cmpi sle, %gather3A_480, %add3A_468 : vector<16xi32>
      %select_n3A_482 = arith.select %le3A_481, %add3A_479, %select_n3A_476 : vector<16xi1>, vector<16xi32>
      %add3A_483 = arith.constant 512 : i32
      %add3A_484 = vector.broadcast %add3A_483 : i32 to vector<16xi32>
      %add3A_485 = arith.addi %select_n3A_482, %add3A_484 : vector<16xi32>
      %gather3A_486 = tpu.vector_load_idx %arg6[%add3A_485] : memref<8192xi32, #tpu.memory_space<vmem>>[vector<16xi32>], vector<16xi32>,
      %le3A_487 = arith.cmpi sle, %gather3A_486, %add3A_468 : vector<16xi32>
      %select_n3A_488 = arith.select %le3A_487, %add3A_485, %select_n3A_482 : vector<16xi1>, vector<16xi32>
      %add3A_489 = arith.constant 256 : i32
      %add3A_490 = vector.broadcast %add3A_489 : i32 to vector<16xi32>
      %add3A_491 = arith.addi %select_n3A_488, %add3A_490 : vector<16xi32>
      %gather3A_492 = tpu.vector_load_idx %arg6[%add3A_491] : memref<8192xi32, #tpu.memory_space<vmem>>[vector<16xi32>], vector<16xi32>,
      %le3A_493 = arith.cmpi sle, %gather3A_492, %add3A_468 : vector<16xi32>
      %select_n3A_494 = arith.select %le3A_493, %add3A_491, %select_n3A_488 : vector<16xi1>, vector<16xi32>
      %add3A_495 = arith.constant 128 : i32
      %add3A_496 = vector.broadcast %add3A_495 : i32 to vector<16xi32>
      %add3A_497 = arith.addi %select_n3A_494, %add3A_496 : vector<16xi32>
      %gather3A_498 = tpu.vector_load_idx %arg6[%add3A_497] : memref<8192xi32, #tpu.memory_space<vmem>>[vector<16xi32>], vector<16xi32>,
      %le3A_499 = arith.cmpi sle, %gather3A_498, %add3A_468 : vector<16xi32>
      %select_n3A_500 = arith.select %le3A_499, %add3A_497, %select_n3A_494 : vector<16xi1>, vector<16xi32>
      %add3A_501 = arith.constant 64 : i32
      %add3A_502 = vector.broadcast %add3A_501 : i32 to vector<16xi32>
      %add3A_503 = arith.addi %select_n3A_500, %add3A_502 : vector<16xi32>
      %gather3A_504 = tpu.vector_load_idx %arg6[%add3A_503] : memref<8192xi32, #tpu.memory_space<vmem>>[vector<16xi32>], vector<16xi32>,
      %le3A_505 = arith.cmpi sle, %gather3A_504, %add3A_468 : vector<16xi32>
      %select_n3A_506 = arith.select %le3A_505, %add3A_503, %select_n3A_500 : vector<16xi1>, vector<16xi32>
      %add3A_507 = arith.constant 32 : i32
      %add3A_508 = vector.broadcast %add3A_507 : i32 to vector<16xi32>
      %add3A_509 = arith.addi %select_n3A_506, %add3A_508 : vector<16xi32>
      %gather3A_510 = tpu.vector_load_idx %arg6[%add3A_509] : memref<8192xi32, #tpu.memory_space<vmem>>[vector<16xi32>], vector<16xi32>,
      %le3A_511 = arith.cmpi sle, %gather3A_510, %add3A_468 : vector<16xi32>
      %select_n3A_512 = arith.select %le3A_511, %add3A_509, %select_n3A_506 : vector<16xi1>, vector<16xi32>
      %add3A_513 = arith.constant 16 : i32
      %add3A_514 = vector.broadcast %add3A_513 : i32 to vector<16xi32>
      %add3A_515 = arith.addi %select_n3A_512, %add3A_514 : vector<16xi32>
      %gather3A_516 = tpu.vector_load_idx %arg6[%add3A_515] : memref<8192xi32, #tpu.memory_space<vmem>>[vector<16xi32>], vector<16xi32>,
      %le3A_517 = arith.cmpi sle, %gather3A_516, %add3A_468 : vector<16xi32>
      %select_n3A_518 = arith.select %le3A_517, %add3A_515, %select_n3A_512 : vector<16xi1>, vector<16xi32>
      %add3A_519 = arith.constant 8 : i32
      %add3A_520 = vector.broadcast %add3A_519 : i32 to vector<16xi32>
      %add3A_521 = arith.addi %select_n3A_518, %add3A_520 : vector<16xi32>
      %gather3A_522 = tpu.vector_load_idx %arg6[%add3A_521] : memref<8192xi32, #tpu.memory_space<vmem>>[vector<16xi32>], vector<16xi32>,
      %le3A_523 = arith.cmpi sle, %gather3A_522, %add3A_468 : vector<16xi32>
      %select_n3A_524 = arith.select %le3A_523, %add3A_521, %select_n3A_518 : vector<16xi1>, vector<16xi32>
      %add3A_525 = arith.constant 4 : i32
      %add3A_526 = vector.broadcast %add3A_525 : i32 to vector<16xi32>
      %add3A_527 = arith.addi %select_n3A_524, %add3A_526 : vector<16xi32>
      %gather3A_528 = tpu.vector_load_idx %arg6[%add3A_527] : memref<8192xi32, #tpu.memory_space<vmem>>[vector<16xi32>], vector<16xi32>,
      %le3A_529 = arith.cmpi sle, %gather3A_528, %add3A_468 : vector<16xi32>
      %select_n3A_530 = arith.select %le3A_529, %add3A_527, %select_n3A_524 : vector<16xi1>, vector<16xi32>
      %add3A_531 = arith.constant 2 : i32
      %add3A_532 = vector.broadcast %add3A_531 : i32 to vector<16xi32>
      %add3A_533 = arith.addi %select_n3A_530, %add3A_532 : vector<16xi32>
      %gather3A_534 = tpu.vector_load_idx %arg6[%add3A_533] : memref<8192xi32, #tpu.memory_space<vmem>>[vector<16xi32>], vector<16xi32>,
      %le3A_535 = arith.cmpi sle, %gather3A_534, %add3A_468 : vector<16xi32>
      %select_n3A_536 = arith.select %le3A_535, %add3A_533, %select_n3A_530 : vector<16xi1>, vector<16xi32>
      %add3A_537 = arith.constant 1 : i32
      %add3A_538 = vector.broadcast %add3A_537 : i32 to vector<16xi32>
      %add3A_539 = arith.addi %select_n3A_536, %add3A_538 : vector<16xi32>
      %gather3A_540 = tpu.vector_load_idx %arg6[%add3A_539] : memref<8192xi32, #tpu.memory_space<vmem>>[vector<16xi32>], vector<16xi32>,
      %le3A_541 = arith.cmpi sle, %gather3A_540, %add3A_468 : vector<16xi32>
      %select_n3A_542 = arith.select %le3A_541, %add3A_539, %select_n3A_536 : vector<16xi1>, vector<16xi32>
      %swap3A_543 = arith.index_cast %mul3A_36 : i32 to index
      %swap3A_544 = arith.constant 80 : index
      %swap3A_545 = tpu.vector_load %arg8[%swap3A_543, %swap3A_544] {strides = array<i32>} : memref<50x128xi32, #tpu.memory_space<vmem>>, vector<16xi32>,
      tpu.vector_store %arg8[%swap3A_543, %swap3A_544], %select_n3A_542 {strides = array<i32>} : memref<50x128xi32, #tpu.memory_space<vmem>>, vector<16xi32>,
      %mul3A_546 = arith.constant 128 : i32
      %mul3A_547 = arith.muli %mul3A_36, %mul3A_546 : i32
      %add3A_548 = arith.addi %mul3A_13, %mul3A_547 : i32
      %add3A_549 = arith.constant 96 : i32
      %add3A_550 = arith.addi %add3A_548, %add3A_549 : i32
      %add3A_551 = vector.broadcast %add3A_550 : i32 to vector<16xi32>
      %add3A_552 = arith.addi %add3A_551, %iota3A : vector<16xi32>
      %broadcast_in_dim3A_553 = arith.constant 0 : i32
      %broadcast_in_dim3A_554 = vector.broadcast %broadcast_in_dim3A_553 : i32 to vector<16xi32>
      %add3A_555 = arith.constant 2048 : i32
      %add3A_556 = vector.broadcast %add3A_555 : i32 to vector<16xi32>
      %add3A_557 = arith.addi %broadcast_in_dim3A_554, %add3A_556 : vector<16xi32>
      %gather3A_558 = tpu.vector_load_idx %arg6[%add3A_557] : memref<8192xi32, #tpu.memory_space<vmem>>[vector<16xi32>], vector<16xi32>,
      %le3A_559 = arith.cmpi sle, %gather3A_558, %add3A_552 : vector<16xi32>
      %select_n3A_560 = arith.select %le3A_559, %add3A_557, %broadcast_in_dim3A_554 : vector<16xi1>, vector<16xi32>
      %add3A_561 = arith.constant 1024 : i32
      %add3A_562 = vector.broadcast %add3A_561 : i32 to vector<16xi32>
      %add3A_563 = arith.addi %select_n3A_560, %add3A_562 : vector<16xi32>
      %gather3A_564 = tpu.vector_load_idx %arg6[%add3A_563] : memref<8192xi32, #tpu.memory_space<vmem>>[vector<16xi32>], vector<16xi32>,
      %le3A_565 = arith.cmpi sle, %gather3A_564, %add3A_552 : vector<16xi32>
      %select_n3A_566 = arith.select %le3A_565, %add3A_563, %select_n3A_560 : vector<16xi1>, vector<16xi32>
      %add3A_567 = arith.constant 512 : i32
      %add3A_568 = vector.broadcast %add3A_567 : i32 to vector<16xi32>
      %add3A_569 = arith.addi %select_n3A_566, %add3A_568 : vector<16xi32>
      %gather3A_570 = tpu.vector_load_idx %arg6[%add3A_569] : memref<8192xi32, #tpu.memory_space<vmem>>[vector<16xi32>], vector<16xi32>,
      %le3A_571 = arith.cmpi sle, %gather3A_570, %add3A_552 : vector<16xi32>
      %select_n3A_572 = arith.select %le3A_571, %add3A_569, %select_n3A_566 : vector<16xi1>, vector<16xi32>
      %add3A_573 = arith.constant 256 : i32
      %add3A_574 = vector.broadcast %add3A_573 : i32 to vector<16xi32>
      %add3A_575 = arith.addi %select_n3A_572, %add3A_574 : vector<16xi32>
      %gather3A_576 = tpu.vector_load_idx %arg6[%add3A_575] : memref<8192xi32, #tpu.memory_space<vmem>>[vector<16xi32>], vector<16xi32>,
      %le3A_577 = arith.cmpi sle, %gather3A_576, %add3A_552 : vector<16xi32>
      %select_n3A_578 = arith.select %le3A_577, %add3A_575, %select_n3A_572 : vector<16xi1>, vector<16xi32>
      %add3A_579 = arith.constant 128 : i32
      %add3A_580 = vector.broadcast %add3A_579 : i32 to vector<16xi32>
      %add3A_581 = arith.addi %select_n3A_578, %add3A_580 : vector<16xi32>
      %gather3A_582 = tpu.vector_load_idx %arg6[%add3A_581] : memref<8192xi32, #tpu.memory_space<vmem>>[vector<16xi32>], vector<16xi32>,
      %le3A_583 = arith.cmpi sle, %gather3A_582, %add3A_552 : vector<16xi32>
      %select_n3A_584 = arith.select %le3A_583, %add3A_581, %select_n3A_578 : vector<16xi1>, vector<16xi32>
      %add3A_585 = arith.constant 64 : i32
      %add3A_586 = vector.broadcast %add3A_585 : i32 to vector<16xi32>
      %add3A_587 = arith.addi %select_n3A_584, %add3A_586 : vector<16xi32>
      %gather3A_588 = tpu.vector_load_idx %arg6[%add3A_587] : memref<8192xi32, #tpu.memory_space<vmem>>[vector<16xi32>], vector<16xi32>,
      %le3A_589 = arith.cmpi sle, %gather3A_588, %add3A_552 : vector<16xi32>
      %select_n3A_590 = arith.select %le3A_589, %add3A_587, %select_n3A_584 : vector<16xi1>, vector<16xi32>
      %add3A_591 = arith.constant 32 : i32
      %add3A_592 = vector.broadcast %add3A_591 : i32 to vector<16xi32>
      %add3A_593 = arith.addi %select_n3A_590, %add3A_592 : vector<16xi32>
      %gather3A_594 = tpu.vector_load_idx %arg6[%add3A_593] : memref<8192xi32, #tpu.memory_space<vmem>>[vector<16xi32>], vector<16xi32>,
      %le3A_595 = arith.cmpi sle, %gather3A_594, %add3A_552 : vector<16xi32>
      %select_n3A_596 = arith.select %le3A_595, %add3A_593, %select_n3A_590 : vector<16xi1>, vector<16xi32>
      %add3A_597 = arith.constant 16 : i32
      %add3A_598 = vector.broadcast %add3A_597 : i32 to vector<16xi32>
      %add3A_599 = arith.addi %select_n3A_596, %add3A_598 : vector<16xi32>
      %gather3A_600 = tpu.vector_load_idx %arg6[%add3A_599] : memref<8192xi32, #tpu.memory_space<vmem>>[vector<16xi32>], vector<16xi32>,
      %le3A_601 = arith.cmpi sle, %gather3A_600, %add3A_552 : vector<16xi32>
      %select_n3A_602 = arith.select %le3A_601, %add3A_599, %select_n3A_596 : vector<16xi1>, vector<16xi32>
      %add3A_603 = arith.constant 8 : i32
      %add3A_604 = vector.broadcast %add3A_603 : i32 to vector<16xi32>
      %add3A_605 = arith.addi %select_n3A_602, %add3A_604 : vector<16xi32>
      %gather3A_606 = tpu.vector_load_idx %arg6[%add3A_605] : memref<8192xi32, #tpu.memory_space<vmem>>[vector<16xi32>], vector<16xi32>,
      %le3A_607 = arith.cmpi sle, %gather3A_606, %add3A_552 : vector<16xi32>
      %select_n3A_608 = arith.select %le3A_607, %add3A_605, %select_n3A_602 : vector<16xi1>, vector<16xi32>
      %add3A_609 = arith.constant 4 : i32
      %add3A_610 = vector.broadcast %add3A_609 : i32 to vector<16xi32>
      %add3A_611 = arith.addi %select_n3A_608, %add3A_610 : vector<16xi32>
      %gather3A_612 = tpu.vector_load_idx %arg6[%add3A_611] : memref<8192xi32, #tpu.memory_space<vmem>>[vector<16xi32>], vector<16xi32>,
      %le3A_613 = arith.cmpi sle, %gather3A_612, %add3A_552 : vector<16xi32>
      %select_n3A_614 = arith.select %le3A_613, %add3A_611, %select_n3A_608 : vector<16xi1>, vector<16xi32>
      %add3A_615 = arith.constant 2 : i32
      %add3A_616 = vector.broadcast %add3A_615 : i32 to vector<16xi32>
      %add3A_617 = arith.addi %select_n3A_614, %add3A_616 : vector<16xi32>
      %gather3A_618 = tpu.vector_load_idx %arg6[%add3A_617] : memref<8192xi32, #tpu.memory_space<vmem>>[vector<16xi32>], vector<16xi32>,
      %le3A_619 = arith.cmpi sle, %gather3A_618, %add3A_552 : vector<16xi32>
      %select_n3A_620 = arith.select %le3A_619, %add3A_617, %select_n3A_614 : vector<16xi1>, vector<16xi32>
      %add3A_621 = arith.constant 1 : i32
      %add3A_622 = vector.broadcast %add3A_621 : i32 to vector<16xi32>
      %add3A_623 = arith.addi %select_n3A_620, %add3A_622 : vector<16xi32>
      %gather3A_624 = tpu.vector_load_idx %arg6[%add3A_623] : memref<8192xi32, #tpu.memory_space<vmem>>[vector<16xi32>], vector<16xi32>,
      %le3A_625 = arith.cmpi sle, %gather3A_624, %add3A_552 : vector<16xi32>
      %select_n3A_626 = arith.select %le3A_625, %add3A_623, %select_n3A_620 : vector<16xi1>, vector<16xi32>
      %swap3A_627 = arith.index_cast %mul3A_36 : i32 to index
      %swap3A_628 = arith.constant 96 : index
      %swap3A_629 = tpu.vector_load %arg8[%swap3A_627, %swap3A_628] {strides = array<i32>} : memref<50x128xi32, #tpu.memory_space<vmem>>, vector<16xi32>,
      tpu.vector_store %arg8[%swap3A_627, %swap3A_628], %select_n3A_626 {strides = array<i32>} : memref<50x128xi32, #tpu.memory_space<vmem>>, vector<16xi32>,
      %mul3A_630 = arith.constant 128 : i32
      %mul3A_631 = arith.muli %mul3A_36, %mul3A_630 : i32
      %add3A_632 = arith.addi %mul3A_13, %mul3A_631 : i32
      %add3A_633 = arith.constant 112 : i32
      %add3A_634 = arith.addi %add3A_632, %add3A_633 : i32
      %add3A_635 = vector.broadcast %add3A_634 : i32 to vector<16xi32>
      %add3A_636 = arith.addi %add3A_635, %iota3A : vector<16xi32>
      %broadcast_in_dim3A_637 = arith.constant 0 : i32
      %broadcast_in_dim3A_638 = vector.broadcast %broadcast_in_dim3A_637 : i32 to vector<16xi32>
      %add3A_639 = arith.constant 2048 : i32
      %add3A_640 = vector.broadcast %add3A_639 : i32 to vector<16xi32>
      %add3A_641 = arith.addi %broadcast_in_dim3A_638, %add3A_640 : vector<16xi32>
      %gather3A_642 = tpu.vector_load_idx %arg6[%add3A_641] : memref<8192xi32, #tpu.memory_space<vmem>>[vector<16xi32>], vector<16xi32>,
      %le3A_643 = arith.cmpi sle, %gather3A_642, %add3A_636 : vector<16xi32>
      %select_n3A_644 = arith.select %le3A_643, %add3A_641, %broadcast_in_dim3A_638 : vector<16xi1>, vector<16xi32>
      %add3A_645 = arith.constant 1024 : i32
      %add3A_646 = vector.broadcast %add3A_645 : i32 to vector<16xi32>
      %add3A_647 = arith.addi %select_n3A_644, %add3A_646 : vector<16xi32>
      %gather3A_648 = tpu.vector_load_idx %arg6[%add3A_647] : memref<8192xi32, #tpu.memory_space<vmem>>[vector<16xi32>], vector<16xi32>,
      %le3A_649 = arith.cmpi sle, %gather3A_648, %add3A_636 : vector<16xi32>
      %select_n3A_650 = arith.select %le3A_649, %add3A_647, %select_n3A_644 : vector<16xi1>, vector<16xi32>
      %add3A_651 = arith.constant 512 : i32
      %add3A_652 = vector.broadcast %add3A_651 : i32 to vector<16xi32>
      %add3A_653 = arith.addi %select_n3A_650, %add3A_652 : vector<16xi32>
      %gather3A_654 = tpu.vector_load_idx %arg6[%add3A_653] : memref<8192xi32, #tpu.memory_space<vmem>>[vector<16xi32>], vector<16xi32>,
      %le3A_655 = arith.cmpi sle, %gather3A_654, %add3A_636 : vector<16xi32>
      %select_n3A_656 = arith.select %le3A_655, %add3A_653, %select_n3A_650 : vector<16xi1>, vector<16xi32>
      %add3A_657 = arith.constant 256 : i32
      %add3A_658 = vector.broadcast %add3A_657 : i32 to vector<16xi32>
      %add3A_659 = arith.addi %select_n3A_656, %add3A_658 : vector<16xi32>
      %gather3A_660 = tpu.vector_load_idx %arg6[%add3A_659] : memref<8192xi32, #tpu.memory_space<vmem>>[vector<16xi32>], vector<16xi32>,
      %le3A_661 = arith.cmpi sle, %gather3A_660, %add3A_636 : vector<16xi32>
      %select_n3A_662 = arith.select %le3A_661, %add3A_659, %select_n3A_656 : vector<16xi1>, vector<16xi32>
      %add3A_663 = arith.constant 128 : i32
      %add3A_664 = vector.broadcast %add3A_663 : i32 to vector<16xi32>
      %add3A_665 = arith.addi %select_n3A_662, %add3A_664 : vector<16xi32>
      %gather3A_666 = tpu.vector_load_idx %arg6[%add3A_665] : memref<8192xi32, #tpu.memory_space<vmem>>[vector<16xi32>], vector<16xi32>,
      %le3A_667 = arith.cmpi sle, %gather3A_666, %add3A_636 : vector<16xi32>
      %select_n3A_668 = arith.select %le3A_667, %add3A_665, %select_n3A_662 : vector<16xi1>, vector<16xi32>
      %add3A_669 = arith.constant 64 : i32
      %add3A_670 = vector.broadcast %add3A_669 : i32 to vector<16xi32>
      %add3A_671 = arith.addi %select_n3A_668, %add3A_670 : vector<16xi32>
      %gather3A_672 = tpu.vector_load_idx %arg6[%add3A_671] : memref<8192xi32, #tpu.memory_space<vmem>>[vector<16xi32>], vector<16xi32>,
      %le3A_673 = arith.cmpi sle, %gather3A_672, %add3A_636 : vector<16xi32>
      %select_n3A_674 = arith.select %le3A_673, %add3A_671, %select_n3A_668 : vector<16xi1>, vector<16xi32>
      %add3A_675 = arith.constant 32 : i32
      %add3A_676 = vector.broadcast %add3A_675 : i32 to vector<16xi32>
      %add3A_677 = arith.addi %select_n3A_674, %add3A_676 : vector<16xi32>
      %gather3A_678 = tpu.vector_load_idx %arg6[%add3A_677] : memref<8192xi32, #tpu.memory_space<vmem>>[vector<16xi32>], vector<16xi32>,
      %le3A_679 = arith.cmpi sle, %gather3A_678, %add3A_636 : vector<16xi32>
      %select_n3A_680 = arith.select %le3A_679, %add3A_677, %select_n3A_674 : vector<16xi1>, vector<16xi32>
      %add3A_681 = arith.constant 16 : i32
      %add3A_682 = vector.broadcast %add3A_681 : i32 to vector<16xi32>
      %add3A_683 = arith.addi %select_n3A_680, %add3A_682 : vector<16xi32>
      %gather3A_684 = tpu.vector_load_idx %arg6[%add3A_683] : memref<8192xi32, #tpu.memory_space<vmem>>[vector<16xi32>], vector<16xi32>,
      %le3A_685 = arith.cmpi sle, %gather3A_684, %add3A_636 : vector<16xi32>
      %select_n3A_686 = arith.select %le3A_685, %add3A_683, %select_n3A_680 : vector<16xi1>, vector<16xi32>
      %add3A_687 = arith.constant 8 : i32
      %add3A_688 = vector.broadcast %add3A_687 : i32 to vector<16xi32>
      %add3A_689 = arith.addi %select_n3A_686, %add3A_688 : vector<16xi32>
      %gather3A_690 = tpu.vector_load_idx %arg6[%add3A_689] : memref<8192xi32, #tpu.memory_space<vmem>>[vector<16xi32>], vector<16xi32>,
      %le3A_691 = arith.cmpi sle, %gather3A_690, %add3A_636 : vector<16xi32>
      %select_n3A_692 = arith.select %le3A_691, %add3A_689, %select_n3A_686 : vector<16xi1>, vector<16xi32>
      %add3A_693 = arith.constant 4 : i32
      %add3A_694 = vector.broadcast %add3A_693 : i32 to vector<16xi32>
      %add3A_695 = arith.addi %select_n3A_692, %add3A_694 : vector<16xi32>
      %gather3A_696 = tpu.vector_load_idx %arg6[%add3A_695] : memref<8192xi32, #tpu.memory_space<vmem>>[vector<16xi32>], vector<16xi32>,
      %le3A_697 = arith.cmpi sle, %gather3A_696, %add3A_636 : vector<16xi32>
      %select_n3A_698 = arith.select %le3A_697, %add3A_695, %select_n3A_692 : vector<16xi1>, vector<16xi32>
      %add3A_699 = arith.constant 2 : i32
      %add3A_700 = vector.broadcast %add3A_699 : i32 to vector<16xi32>
      %add3A_701 = arith.addi %select_n3A_698, %add3A_700 : vector<16xi32>
      %gather3A_702 = tpu.vector_load_idx %arg6[%add3A_701] : memref<8192xi32, #tpu.memory_space<vmem>>[vector<16xi32>], vector<16xi32>,
      %le3A_703 = arith.cmpi sle, %gather3A_702, %add3A_636 : vector<16xi32>
      %select_n3A_704 = arith.select %le3A_703, %add3A_701, %select_n3A_698 : vector<16xi1>, vector<16xi32>
      %add3A_705 = arith.constant 1 : i32
      %add3A_706 = vector.broadcast %add3A_705 : i32 to vector<16xi32>
      %add3A_707 = arith.addi %select_n3A_704, %add3A_706 : vector<16xi32>
      %gather3A_708 = tpu.vector_load_idx %arg6[%add3A_707] : memref<8192xi32, #tpu.memory_space<vmem>>[vector<16xi32>], vector<16xi32>,
      %le3A_709 = arith.cmpi sle, %gather3A_708, %add3A_636 : vector<16xi32>
      %select_n3A_710 = arith.select %le3A_709, %add3A_707, %select_n3A_704 : vector<16xi1>, vector<16xi32>
      %swap3A_711 = arith.index_cast %mul3A_36 : i32 to index
      %swap3A_712 = arith.constant 112 : index
      %swap3A_713 = tpu.vector_load %arg8[%swap3A_711, %swap3A_712] {strides = array<i32>} : memref<50x128xi32, #tpu.memory_space<vmem>>, vector<16xi32>,
      tpu.vector_store %arg8[%swap3A_711, %swap3A_712], %select_n3A_710 {strides = array<i32>} : memref<50x128xi32, #tpu.memory_space<vmem>>, vector<16xi32>,
      %dma_wait3A_714 = arith.constant 0 : i32
      %dma_wait3A_715 = arith.constant 0 : i32
      %dma_wait3A_716 = tpu.memref_slice %arg4[%dma_wait3A_714, %dma_wait3A_715] : memref<1000000x64xf32, #tpu.memory_space<hbm>> -> memref<128x64xf32, #tpu.memory_space<hbm>>
      %dma_wait3A_717 = arith.constant 0 : i32
      %dma_wait3A_718 = arith.constant 0 : i32
      %dma_wait3A_719 = tpu.memref_slice %arg4[%dma_wait3A_717, %dma_wait3A_718] : memref<1000000x64xf32, #tpu.memory_space<hbm>> -> memref<128x64xf32, #tpu.memory_space<hbm>>
      tpu.wait_dma2 semaphore(%arg14 : memref<!tpu.dma_semaphore, #tpu.memory_space<semaphore_mem>>) src(%dma_wait3A_719 : memref<128x64xf32, #tpu.memory_space<hbm>>) dst(%arg9 : memref<128x64xf32, #tpu.memory_space<vmem>>)
      "tpu.region"() ({
        %run_scoped3A = tpu.sem_alloc : memref<!tpu.dma_semaphore, #tpu.memory_space<semaphore_mem>>
        %dma_start3A_1406 = arith.constant 0 : i32
        %dma_start3A_1407 = tpu.memref_slice %arg8[%mul3A_36, %dma_start3A_1406] : memref<50x128xi32, #tpu.memory_space<vmem>> -> memref<1x128xi32, #tpu.memory_space<vmem>>
        %dma_start3A_1408 = tpu.memref_squeeze %dma_start3A_1407 : memref<1x128xi32, #tpu.memory_space<vmem>> -> memref<128xi32, #tpu.memory_space<vmem>>
        %dma_start3A_1409 = arith.constant 0 : i32
        %dma_start3A_1410 = arith.constant 0 : i32
        %dma_start3A_1411 = tpu.memref_slice %arg12[%dma_start3A_1409, %dma_start3A_1410] : memref<4096x64xf32, #tpu.memory_space<vmem_shared>> -> memref<4096x64xf32, #tpu.memory_space<vmem_shared>>
        tpu.enqueue_indirect_dma source(%arg9 : memref<128x64xf32, #tpu.memory_space<vmem>>) target(%dma_start3A_1411 : memref<4096x64xf32, #tpu.memory_space<vmem_shared>>) offsets(%dma_start3A_1408 : memref<128xi32, #tpu.memory_space<vmem>>) semaphore(%run_scoped3A : memref<!tpu.dma_semaphore, #tpu.memory_space<semaphore_mem>>) {add = true}
        %dma_wait3A_1412 = arith.constant 0 : i32
        %dma_wait3A_1413 = tpu.memref_slice %arg8[%mul3A_36, %dma_wait3A_1412] : memref<50x128xi32, #tpu.memory_space<vmem>> -> memref<1x128xi32, #tpu.memory_space<vmem>>
        %dma_wait3A_1414 = tpu.memref_squeeze %dma_wait3A_1413 : memref<1x128xi32, #tpu.memory_space<vmem>> -> memref<128xi32, #tpu.memory_space<vmem>>
        %dma_wait3A_1415 = arith.constant 0 : i32
        %dma_wait3A_1416 = arith.constant 0 : i32
        %dma_wait3A_1417 = tpu.memref_slice %arg12[%dma_wait3A_1415, %dma_wait3A_1416] : memref<4096x64xf32, #tpu.memory_space<vmem_shared>> -> memref<4096x64xf32, #tpu.memory_space<vmem_shared>>
        tpu.wait_indirect_dma semaphore(%run_scoped3A : memref<!tpu.dma_semaphore, #tpu.memory_space<semaphore_mem>>) src(%arg9 : memref<128x64xf32, #tpu.memory_space<vmem>>) dst(%dma_wait3A_1417 : memref<4096x64xf32, #tpu.memory_space<vmem_shared>>)
        tpu.yield
      }) : () -> ()
      %add3A_720 = arith.constant 2 : i32
      %add3A_721 = arith.addi %mul3A_36, %add3A_720 : i32
      %lt3A = arith.constant 50 : i32
      %lt3A_722 = arith.cmpi slt, %add3A_721, %lt3A : i32
      %convert_element_type3A = arith.extui %lt3A_722 : i1 to i32
      %cond3A = arith.constant 0 : i32
      %cond3A_723 = arith.cmpi ne, %convert_element_type3A, %cond3A : i32
      scf.if %cond3A_723 {
        %add3A_1406 = arith.constant 2 : i32
        %add3A_1407 = arith.addi %mul3A_36, %add3A_1406 : i32
        %mul3A_1408 = arith.constant 128 : i32
        %mul3A_1409 = arith.muli %add3A_1407, %mul3A_1408 : i32
        %multiple_of3A_1410 = tpu.assume_multiple %mul3A_1409, 128 : i32
        %dma_start3A_1411 = tpu.memref_slice %arg7[%multiple_of3A_1410] : memref<6400xi32, #tpu.memory_space<vmem>> -> memref<128xi32, #tpu.memory_space<vmem>>
        %dma_start3A_1412 = arith.constant 0 : i32
        %dma_start3A_1413 = arith.constant 0 : i32
        %dma_start3A_1414 = tpu.memref_slice %arg4[%dma_start3A_1412, %dma_start3A_1413] : memref<1000000x64xf32, #tpu.memory_space<hbm>> -> memref<1000000x64xf32, #tpu.memory_space<hbm>>
        tpu.enqueue_indirect_dma source(%dma_start3A_1414 : memref<1000000x64xf32, #tpu.memory_space<hbm>>) target(%arg9 : memref<128x64xf32, #tpu.memory_space<vmem>>) offsets(%dma_start3A_1411 : memref<128xi32, #tpu.memory_space<vmem>>) semaphore(%arg14 : memref<!tpu.dma_semaphore, #tpu.memory_space<semaphore_mem>>)
      } else {
      }
      %add3A_724 = arith.constant 1 : i32
      %add3A_725 = arith.addi %mul3A_36, %add3A_724 : i32
      %mul3A_726 = arith.constant 128 : i32
      %mul3A_727 = arith.muli %add3A_725, %mul3A_726 : i32
      %add3A_728 = arith.addi %mul3A_13, %mul3A_727 : i32
      %add3A_729 = arith.constant 0 : i32
      %add3A_730 = arith.addi %add3A_728, %add3A_729 : i32
      %add3A_731 = vector.broadcast %add3A_730 : i32 to vector<16xi32>
      %add3A_732 = arith.addi %add3A_731, %iota3A : vector<16xi32>
      %broadcast_in_dim3A_733 = arith.constant 0 : i32
      %broadcast_in_dim3A_734 = vector.broadcast %broadcast_in_dim3A_733 : i32 to vector<16xi32>
      %add3A_735 = arith.constant 2048 : i32
      %add3A_736 = vector.broadcast %add3A_735 : i32 to vector<16xi32>
      %add3A_737 = arith.addi %broadcast_in_dim3A_734, %add3A_736 : vector<16xi32>
      %gather3A_738 = tpu.vector_load_idx %arg6[%add3A_737] : memref<8192xi32, #tpu.memory_space<vmem>>[vector<16xi32>], vector<16xi32>,
      %le3A_739 = arith.cmpi sle, %gather3A_738, %add3A_732 : vector<16xi32>
      %select_n3A_740 = arith.select %le3A_739, %add3A_737, %broadcast_in_dim3A_734 : vector<16xi1>, vector<16xi32>
      %add3A_741 = arith.constant 1024 : i32
      %add3A_742 = vector.broadcast %add3A_741 : i32 to vector<16xi32>
      %add3A_743 = arith.addi %select_n3A_740, %add3A_742 : vector<16xi32>
      %gather3A_744 = tpu.vector_load_idx %arg6[%add3A_743] : memref<8192xi32, #tpu.memory_space<vmem>>[vector<16xi32>], vector<16xi32>,
      %le3A_745 = arith.cmpi sle, %gather3A_744, %add3A_732 : vector<16xi32>
      %select_n3A_746 = arith.select %le3A_745, %add3A_743, %select_n3A_740 : vector<16xi1>, vector<16xi32>
      %add3A_747 = arith.constant 512 : i32
      %add3A_748 = vector.broadcast %add3A_747 : i32 to vector<16xi32>
      %add3A_749 = arith.addi %select_n3A_746, %add3A_748 : vector<16xi32>
      %gather3A_750 = tpu.vector_load_idx %arg6[%add3A_749] : memref<8192xi32, #tpu.memory_space<vmem>>[vector<16xi32>], vector<16xi32>,
      %le3A_751 = arith.cmpi sle, %gather3A_750, %add3A_732 : vector<16xi32>
      %select_n3A_752 = arith.select %le3A_751, %add3A_749, %select_n3A_746 : vector<16xi1>, vector<16xi32>
      %add3A_753 = arith.constant 256 : i32
      %add3A_754 = vector.broadcast %add3A_753 : i32 to vector<16xi32>
      %add3A_755 = arith.addi %select_n3A_752, %add3A_754 : vector<16xi32>
      %gather3A_756 = tpu.vector_load_idx %arg6[%add3A_755] : memref<8192xi32, #tpu.memory_space<vmem>>[vector<16xi32>], vector<16xi32>,
      %le3A_757 = arith.cmpi sle, %gather3A_756, %add3A_732 : vector<16xi32>
      %select_n3A_758 = arith.select %le3A_757, %add3A_755, %select_n3A_752 : vector<16xi1>, vector<16xi32>
      %add3A_759 = arith.constant 128 : i32
      %add3A_760 = vector.broadcast %add3A_759 : i32 to vector<16xi32>
      %add3A_761 = arith.addi %select_n3A_758, %add3A_760 : vector<16xi32>
      %gather3A_762 = tpu.vector_load_idx %arg6[%add3A_761] : memref<8192xi32, #tpu.memory_space<vmem>>[vector<16xi32>], vector<16xi32>,
      %le3A_763 = arith.cmpi sle, %gather3A_762, %add3A_732 : vector<16xi32>
      %select_n3A_764 = arith.select %le3A_763, %add3A_761, %select_n3A_758 : vector<16xi1>, vector<16xi32>
      %add3A_765 = arith.constant 64 : i32
      %add3A_766 = vector.broadcast %add3A_765 : i32 to vector<16xi32>
      %add3A_767 = arith.addi %select_n3A_764, %add3A_766 : vector<16xi32>
      %gather3A_768 = tpu.vector_load_idx %arg6[%add3A_767] : memref<8192xi32, #tpu.memory_space<vmem>>[vector<16xi32>], vector<16xi32>,
      %le3A_769 = arith.cmpi sle, %gather3A_768, %add3A_732 : vector<16xi32>
      %select_n3A_770 = arith.select %le3A_769, %add3A_767, %select_n3A_764 : vector<16xi1>, vector<16xi32>
      %add3A_771 = arith.constant 32 : i32
      %add3A_772 = vector.broadcast %add3A_771 : i32 to vector<16xi32>
      %add3A_773 = arith.addi %select_n3A_770, %add3A_772 : vector<16xi32>
      %gather3A_774 = tpu.vector_load_idx %arg6[%add3A_773] : memref<8192xi32, #tpu.memory_space<vmem>>[vector<16xi32>], vector<16xi32>,
      %le3A_775 = arith.cmpi sle, %gather3A_774, %add3A_732 : vector<16xi32>
      %select_n3A_776 = arith.select %le3A_775, %add3A_773, %select_n3A_770 : vector<16xi1>, vector<16xi32>
      %add3A_777 = arith.constant 16 : i32
      %add3A_778 = vector.broadcast %add3A_777 : i32 to vector<16xi32>
      %add3A_779 = arith.addi %select_n3A_776, %add3A_778 : vector<16xi32>
      %gather3A_780 = tpu.vector_load_idx %arg6[%add3A_779] : memref<8192xi32, #tpu.memory_space<vmem>>[vector<16xi32>], vector<16xi32>,
      %le3A_781 = arith.cmpi sle, %gather3A_780, %add3A_732 : vector<16xi32>
      %select_n3A_782 = arith.select %le3A_781, %add3A_779, %select_n3A_776 : vector<16xi1>, vector<16xi32>
      %add3A_783 = arith.constant 8 : i32
      %add3A_784 = vector.broadcast %add3A_783 : i32 to vector<16xi32>
      %add3A_785 = arith.addi %select_n3A_782, %add3A_784 : vector<16xi32>
      %gather3A_786 = tpu.vector_load_idx %arg6[%add3A_785] : memref<8192xi32, #tpu.memory_space<vmem>>[vector<16xi32>], vector<16xi32>,
      %le3A_787 = arith.cmpi sle, %gather3A_786, %add3A_732 : vector<16xi32>
      %select_n3A_788 = arith.select %le3A_787, %add3A_785, %select_n3A_782 : vector<16xi1>, vector<16xi32>
      %add3A_789 = arith.constant 4 : i32
      %add3A_790 = vector.broadcast %add3A_789 : i32 to vector<16xi32>
      %add3A_791 = arith.addi %select_n3A_788, %add3A_790 : vector<16xi32>
      %gather3A_792 = tpu.vector_load_idx %arg6[%add3A_791] : memref<8192xi32, #tpu.memory_space<vmem>>[vector<16xi32>], vector<16xi32>,
      %le3A_793 = arith.cmpi sle, %gather3A_792, %add3A_732 : vector<16xi32>
      %select_n3A_794 = arith.select %le3A_793, %add3A_791, %select_n3A_788 : vector<16xi1>, vector<16xi32>
      %add3A_795 = arith.constant 2 : i32
      %add3A_796 = vector.broadcast %add3A_795 : i32 to vector<16xi32>
      %add3A_797 = arith.addi %select_n3A_794, %add3A_796 : vector<16xi32>
      %gather3A_798 = tpu.vector_load_idx %arg6[%add3A_797] : memref<8192xi32, #tpu.memory_space<vmem>>[vector<16xi32>], vector<16xi32>,
      %le3A_799 = arith.cmpi sle, %gather3A_798, %add3A_732 : vector<16xi32>
      %select_n3A_800 = arith.select %le3A_799, %add3A_797, %select_n3A_794 : vector<16xi1>, vector<16xi32>
      %add3A_801 = arith.constant 1 : i32
      %add3A_802 = vector.broadcast %add3A_801 : i32 to vector<16xi32>
      %add3A_803 = arith.addi %select_n3A_800, %add3A_802 : vector<16xi32>
      %gather3A_804 = tpu.vector_load_idx %arg6[%add3A_803] : memref<8192xi32, #tpu.memory_space<vmem>>[vector<16xi32>], vector<16xi32>,
      %le3A_805 = arith.cmpi sle, %gather3A_804, %add3A_732 : vector<16xi32>
      %select_n3A_806 = arith.select %le3A_805, %add3A_803, %select_n3A_800 : vector<16xi1>, vector<16xi32>
      %swap3A_807 = arith.index_cast %add3A_725 : i32 to index
      %swap3A_808 = arith.constant 0 : index
      %swap3A_809 = tpu.vector_load %arg8[%swap3A_807, %swap3A_808] {strides = array<i32>} : memref<50x128xi32, #tpu.memory_space<vmem>>, vector<16xi32>,
      tpu.vector_store %arg8[%swap3A_807, %swap3A_808], %select_n3A_806 {strides = array<i32>} : memref<50x128xi32, #tpu.memory_space<vmem>>, vector<16xi32>,
      %mul3A_810 = arith.constant 128 : i32
      %mul3A_811 = arith.muli %add3A_725, %mul3A_810 : i32
      %add3A_812 = arith.addi %mul3A_13, %mul3A_811 : i32
      %add3A_813 = arith.constant 16 : i32
      %add3A_814 = arith.addi %add3A_812, %add3A_813 : i32
      %add3A_815 = vector.broadcast %add3A_814 : i32 to vector<16xi32>
      %add3A_816 = arith.addi %add3A_815, %iota3A : vector<16xi32>
      %broadcast_in_dim3A_817 = arith.constant 0 : i32
      %broadcast_in_dim3A_818 = vector.broadcast %broadcast_in_dim3A_817 : i32 to vector<16xi32>
      %add3A_819 = arith.constant 2048 : i32
      %add3A_820 = vector.broadcast %add3A_819 : i32 to vector<16xi32>
      %add3A_821 = arith.addi %broadcast_in_dim3A_818, %add3A_820 : vector<16xi32>
      %gather3A_822 = tpu.vector_load_idx %arg6[%add3A_821] : memref<8192xi32, #tpu.memory_space<vmem>>[vector<16xi32>], vector<16xi32>,
      %le3A_823 = arith.cmpi sle, %gather3A_822, %add3A_816 : vector<16xi32>
      %select_n3A_824 = arith.select %le3A_823, %add3A_821, %broadcast_in_dim3A_818 : vector<16xi1>, vector<16xi32>
      %add3A_825 = arith.constant 1024 : i32
      %add3A_826 = vector.broadcast %add3A_825 : i32 to vector<16xi32>
      %add3A_827 = arith.addi %select_n3A_824, %add3A_826 : vector<16xi32>
      %gather3A_828 = tpu.vector_load_idx %arg6[%add3A_827] : memref<8192xi32, #tpu.memory_space<vmem>>[vector<16xi32>], vector<16xi32>,
      %le3A_829 = arith.cmpi sle, %gather3A_828, %add3A_816 : vector<16xi32>
      %select_n3A_830 = arith.select %le3A_829, %add3A_827, %select_n3A_824 : vector<16xi1>, vector<16xi32>
      %add3A_831 = arith.constant 512 : i32
      %add3A_832 = vector.broadcast %add3A_831 : i32 to vector<16xi32>
      %add3A_833 = arith.addi %select_n3A_830, %add3A_832 : vector<16xi32>
      %gather3A_834 = tpu.vector_load_idx %arg6[%add3A_833] : memref<8192xi32, #tpu.memory_space<vmem>>[vector<16xi32>], vector<16xi32>,
      %le3A_835 = arith.cmpi sle, %gather3A_834, %add3A_816 : vector<16xi32>
      %select_n3A_836 = arith.select %le3A_835, %add3A_833, %select_n3A_830 : vector<16xi1>, vector<16xi32>
      %add3A_837 = arith.constant 256 : i32
      %add3A_838 = vector.broadcast %add3A_837 : i32 to vector<16xi32>
      %add3A_839 = arith.addi %select_n3A_836, %add3A_838 : vector<16xi32>
      %gather3A_840 = tpu.vector_load_idx %arg6[%add3A_839] : memref<8192xi32, #tpu.memory_space<vmem>>[vector<16xi32>], vector<16xi32>,
      %le3A_841 = arith.cmpi sle, %gather3A_840, %add3A_816 : vector<16xi32>
      %select_n3A_842 = arith.select %le3A_841, %add3A_839, %select_n3A_836 : vector<16xi1>, vector<16xi32>
      %add3A_843 = arith.constant 128 : i32
      %add3A_844 = vector.broadcast %add3A_843 : i32 to vector<16xi32>
      %add3A_845 = arith.addi %select_n3A_842, %add3A_844 : vector<16xi32>
      %gather3A_846 = tpu.vector_load_idx %arg6[%add3A_845] : memref<8192xi32, #tpu.memory_space<vmem>>[vector<16xi32>], vector<16xi32>,
      %le3A_847 = arith.cmpi sle, %gather3A_846, %add3A_816 : vector<16xi32>
      %select_n3A_848 = arith.select %le3A_847, %add3A_845, %select_n3A_842 : vector<16xi1>, vector<16xi32>
      %add3A_849 = arith.constant 64 : i32
      %add3A_850 = vector.broadcast %add3A_849 : i32 to vector<16xi32>
      %add3A_851 = arith.addi %select_n3A_848, %add3A_850 : vector<16xi32>
      %gather3A_852 = tpu.vector_load_idx %arg6[%add3A_851] : memref<8192xi32, #tpu.memory_space<vmem>>[vector<16xi32>], vector<16xi32>,
      %le3A_853 = arith.cmpi sle, %gather3A_852, %add3A_816 : vector<16xi32>
      %select_n3A_854 = arith.select %le3A_853, %add3A_851, %select_n3A_848 : vector<16xi1>, vector<16xi32>
      %add3A_855 = arith.constant 32 : i32
      %add3A_856 = vector.broadcast %add3A_855 : i32 to vector<16xi32>
      %add3A_857 = arith.addi %select_n3A_854, %add3A_856 : vector<16xi32>
      %gather3A_858 = tpu.vector_load_idx %arg6[%add3A_857] : memref<8192xi32, #tpu.memory_space<vmem>>[vector<16xi32>], vector<16xi32>,
      %le3A_859 = arith.cmpi sle, %gather3A_858, %add3A_816 : vector<16xi32>
      %select_n3A_860 = arith.select %le3A_859, %add3A_857, %select_n3A_854 : vector<16xi1>, vector<16xi32>
      %add3A_861 = arith.constant 16 : i32
      %add3A_862 = vector.broadcast %add3A_861 : i32 to vector<16xi32>
      %add3A_863 = arith.addi %select_n3A_860, %add3A_862 : vector<16xi32>
      %gather3A_864 = tpu.vector_load_idx %arg6[%add3A_863] : memref<8192xi32, #tpu.memory_space<vmem>>[vector<16xi32>], vector<16xi32>,
      %le3A_865 = arith.cmpi sle, %gather3A_864, %add3A_816 : vector<16xi32>
      %select_n3A_866 = arith.select %le3A_865, %add3A_863, %select_n3A_860 : vector<16xi1>, vector<16xi32>
      %add3A_867 = arith.constant 8 : i32
      %add3A_868 = vector.broadcast %add3A_867 : i32 to vector<16xi32>
      %add3A_869 = arith.addi %select_n3A_866, %add3A_868 : vector<16xi32>
      %gather3A_870 = tpu.vector_load_idx %arg6[%add3A_869] : memref<8192xi32, #tpu.memory_space<vmem>>[vector<16xi32>], vector<16xi32>,
      %le3A_871 = arith.cmpi sle, %gather3A_870, %add3A_816 : vector<16xi32>
      %select_n3A_872 = arith.select %le3A_871, %add3A_869, %select_n3A_866 : vector<16xi1>, vector<16xi32>
      %add3A_873 = arith.constant 4 : i32
      %add3A_874 = vector.broadcast %add3A_873 : i32 to vector<16xi32>
      %add3A_875 = arith.addi %select_n3A_872, %add3A_874 : vector<16xi32>
      %gather3A_876 = tpu.vector_load_idx %arg6[%add3A_875] : memref<8192xi32, #tpu.memory_space<vmem>>[vector<16xi32>], vector<16xi32>,
      %le3A_877 = arith.cmpi sle, %gather3A_876, %add3A_816 : vector<16xi32>
      %select_n3A_878 = arith.select %le3A_877, %add3A_875, %select_n3A_872 : vector<16xi1>, vector<16xi32>
      %add3A_879 = arith.constant 2 : i32
      %add3A_880 = vector.broadcast %add3A_879 : i32 to vector<16xi32>
      %add3A_881 = arith.addi %select_n3A_878, %add3A_880 : vector<16xi32>
      %gather3A_882 = tpu.vector_load_idx %arg6[%add3A_881] : memref<8192xi32, #tpu.memory_space<vmem>>[vector<16xi32>], vector<16xi32>,
      %le3A_883 = arith.cmpi sle, %gather3A_882, %add3A_816 : vector<16xi32>
      %select_n3A_884 = arith.select %le3A_883, %add3A_881, %select_n3A_878 : vector<16xi1>, vector<16xi32>
      %add3A_885 = arith.constant 1 : i32
      %add3A_886 = vector.broadcast %add3A_885 : i32 to vector<16xi32>
      %add3A_887 = arith.addi %select_n3A_884, %add3A_886 : vector<16xi32>
      %gather3A_888 = tpu.vector_load_idx %arg6[%add3A_887] : memref<8192xi32, #tpu.memory_space<vmem>>[vector<16xi32>], vector<16xi32>,
      %le3A_889 = arith.cmpi sle, %gather3A_888, %add3A_816 : vector<16xi32>
      %select_n3A_890 = arith.select %le3A_889, %add3A_887, %select_n3A_884 : vector<16xi1>, vector<16xi32>
      %swap3A_891 = arith.index_cast %add3A_725 : i32 to index
      %swap3A_892 = arith.constant 16 : index
      %swap3A_893 = tpu.vector_load %arg8[%swap3A_891, %swap3A_892] {strides = array<i32>} : memref<50x128xi32, #tpu.memory_space<vmem>>, vector<16xi32>,
      tpu.vector_store %arg8[%swap3A_891, %swap3A_892], %select_n3A_890 {strides = array<i32>} : memref<50x128xi32, #tpu.memory_space<vmem>>, vector<16xi32>,
      %mul3A_894 = arith.constant 128 : i32
      %mul3A_895 = arith.muli %add3A_725, %mul3A_894 : i32
      %add3A_896 = arith.addi %mul3A_13, %mul3A_895 : i32
      %add3A_897 = arith.constant 32 : i32
      %add3A_898 = arith.addi %add3A_896, %add3A_897 : i32
      %add3A_899 = vector.broadcast %add3A_898 : i32 to vector<16xi32>
      %add3A_900 = arith.addi %add3A_899, %iota3A : vector<16xi32>
      %broadcast_in_dim3A_901 = arith.constant 0 : i32
      %broadcast_in_dim3A_902 = vector.broadcast %broadcast_in_dim3A_901 : i32 to vector<16xi32>
      %add3A_903 = arith.constant 2048 : i32
      %add3A_904 = vector.broadcast %add3A_903 : i32 to vector<16xi32>
      %add3A_905 = arith.addi %broadcast_in_dim3A_902, %add3A_904 : vector<16xi32>
      %gather3A_906 = tpu.vector_load_idx %arg6[%add3A_905] : memref<8192xi32, #tpu.memory_space<vmem>>[vector<16xi32>], vector<16xi32>,
      %le3A_907 = arith.cmpi sle, %gather3A_906, %add3A_900 : vector<16xi32>
      %select_n3A_908 = arith.select %le3A_907, %add3A_905, %broadcast_in_dim3A_902 : vector<16xi1>, vector<16xi32>
      %add3A_909 = arith.constant 1024 : i32
      %add3A_910 = vector.broadcast %add3A_909 : i32 to vector<16xi32>
      %add3A_911 = arith.addi %select_n3A_908, %add3A_910 : vector<16xi32>
      %gather3A_912 = tpu.vector_load_idx %arg6[%add3A_911] : memref<8192xi32, #tpu.memory_space<vmem>>[vector<16xi32>], vector<16xi32>,
      %le3A_913 = arith.cmpi sle, %gather3A_912, %add3A_900 : vector<16xi32>
      %select_n3A_914 = arith.select %le3A_913, %add3A_911, %select_n3A_908 : vector<16xi1>, vector<16xi32>
      %add3A_915 = arith.constant 512 : i32
      %add3A_916 = vector.broadcast %add3A_915 : i32 to vector<16xi32>
      %add3A_917 = arith.addi %select_n3A_914, %add3A_916 : vector<16xi32>
      %gather3A_918 = tpu.vector_load_idx %arg6[%add3A_917] : memref<8192xi32, #tpu.memory_space<vmem>>[vector<16xi32>], vector<16xi32>,
      %le3A_919 = arith.cmpi sle, %gather3A_918, %add3A_900 : vector<16xi32>
      %select_n3A_920 = arith.select %le3A_919, %add3A_917, %select_n3A_914 : vector<16xi1>, vector<16xi32>
      %add3A_921 = arith.constant 256 : i32
      %add3A_922 = vector.broadcast %add3A_921 : i32 to vector<16xi32>
      %add3A_923 = arith.addi %select_n3A_920, %add3A_922 : vector<16xi32>
      %gather3A_924 = tpu.vector_load_idx %arg6[%add3A_923] : memref<8192xi32, #tpu.memory_space<vmem>>[vector<16xi32>], vector<16xi32>,
      %le3A_925 = arith.cmpi sle, %gather3A_924, %add3A_900 : vector<16xi32>
      %select_n3A_926 = arith.select %le3A_925, %add3A_923, %select_n3A_920 : vector<16xi1>, vector<16xi32>
      %add3A_927 = arith.constant 128 : i32
      %add3A_928 = vector.broadcast %add3A_927 : i32 to vector<16xi32>
      %add3A_929 = arith.addi %select_n3A_926, %add3A_928 : vector<16xi32>
      %gather3A_930 = tpu.vector_load_idx %arg6[%add3A_929] : memref<8192xi32, #tpu.memory_space<vmem>>[vector<16xi32>], vector<16xi32>,
      %le3A_931 = arith.cmpi sle, %gather3A_930, %add3A_900 : vector<16xi32>
      %select_n3A_932 = arith.select %le3A_931, %add3A_929, %select_n3A_926 : vector<16xi1>, vector<16xi32>
      %add3A_933 = arith.constant 64 : i32
      %add3A_934 = vector.broadcast %add3A_933 : i32 to vector<16xi32>
      %add3A_935 = arith.addi %select_n3A_932, %add3A_934 : vector<16xi32>
      %gather3A_936 = tpu.vector_load_idx %arg6[%add3A_935] : memref<8192xi32, #tpu.memory_space<vmem>>[vector<16xi32>], vector<16xi32>,
      %le3A_937 = arith.cmpi sle, %gather3A_936, %add3A_900 : vector<16xi32>
      %select_n3A_938 = arith.select %le3A_937, %add3A_935, %select_n3A_932 : vector<16xi1>, vector<16xi32>
      %add3A_939 = arith.constant 32 : i32
      %add3A_940 = vector.broadcast %add3A_939 : i32 to vector<16xi32>
      %add3A_941 = arith.addi %select_n3A_938, %add3A_940 : vector<16xi32>
      %gather3A_942 = tpu.vector_load_idx %arg6[%add3A_941] : memref<8192xi32, #tpu.memory_space<vmem>>[vector<16xi32>], vector<16xi32>,
      %le3A_943 = arith.cmpi sle, %gather3A_942, %add3A_900 : vector<16xi32>
      %select_n3A_944 = arith.select %le3A_943, %add3A_941, %select_n3A_938 : vector<16xi1>, vector<16xi32>
      %add3A_945 = arith.constant 16 : i32
      %add3A_946 = vector.broadcast %add3A_945 : i32 to vector<16xi32>
      %add3A_947 = arith.addi %select_n3A_944, %add3A_946 : vector<16xi32>
      %gather3A_948 = tpu.vector_load_idx %arg6[%add3A_947] : memref<8192xi32, #tpu.memory_space<vmem>>[vector<16xi32>], vector<16xi32>,
      %le3A_949 = arith.cmpi sle, %gather3A_948, %add3A_900 : vector<16xi32>
      %select_n3A_950 = arith.select %le3A_949, %add3A_947, %select_n3A_944 : vector<16xi1>, vector<16xi32>
      %add3A_951 = arith.constant 8 : i32
      %add3A_952 = vector.broadcast %add3A_951 : i32 to vector<16xi32>
      %add3A_953 = arith.addi %select_n3A_950, %add3A_952 : vector<16xi32>
      %gather3A_954 = tpu.vector_load_idx %arg6[%add3A_953] : memref<8192xi32, #tpu.memory_space<vmem>>[vector<16xi32>], vector<16xi32>,
      %le3A_955 = arith.cmpi sle, %gather3A_954, %add3A_900 : vector<16xi32>
      %select_n3A_956 = arith.select %le3A_955, %add3A_953, %select_n3A_950 : vector<16xi1>, vector<16xi32>
      %add3A_957 = arith.constant 4 : i32
      %add3A_958 = vector.broadcast %add3A_957 : i32 to vector<16xi32>
      %add3A_959 = arith.addi %select_n3A_956, %add3A_958 : vector<16xi32>
      %gather3A_960 = tpu.vector_load_idx %arg6[%add3A_959] : memref<8192xi32, #tpu.memory_space<vmem>>[vector<16xi32>], vector<16xi32>,
      %le3A_961 = arith.cmpi sle, %gather3A_960, %add3A_900 : vector<16xi32>
      %select_n3A_962 = arith.select %le3A_961, %add3A_959, %select_n3A_956 : vector<16xi1>, vector<16xi32>
      %add3A_963 = arith.constant 2 : i32
      %add3A_964 = vector.broadcast %add3A_963 : i32 to vector<16xi32>
      %add3A_965 = arith.addi %select_n3A_962, %add3A_964 : vector<16xi32>
      %gather3A_966 = tpu.vector_load_idx %arg6[%add3A_965] : memref<8192xi32, #tpu.memory_space<vmem>>[vector<16xi32>], vector<16xi32>,
      %le3A_967 = arith.cmpi sle, %gather3A_966, %add3A_900 : vector<16xi32>
      %select_n3A_968 = arith.select %le3A_967, %add3A_965, %select_n3A_962 : vector<16xi1>, vector<16xi32>
      %add3A_969 = arith.constant 1 : i32
      %add3A_970 = vector.broadcast %add3A_969 : i32 to vector<16xi32>
      %add3A_971 = arith.addi %select_n3A_968, %add3A_970 : vector<16xi32>
      %gather3A_972 = tpu.vector_load_idx %arg6[%add3A_971] : memref<8192xi32, #tpu.memory_space<vmem>>[vector<16xi32>], vector<16xi32>,
      %le3A_973 = arith.cmpi sle, %gather3A_972, %add3A_900 : vector<16xi32>
      %select_n3A_974 = arith.select %le3A_973, %add3A_971, %select_n3A_968 : vector<16xi1>, vector<16xi32>
      %swap3A_975 = arith.index_cast %add3A_725 : i32 to index
      %swap3A_976 = arith.constant 32 : index
      %swap3A_977 = tpu.vector_load %arg8[%swap3A_975, %swap3A_976] {strides = array<i32>} : memref<50x128xi32, #tpu.memory_space<vmem>>, vector<16xi32>,
      tpu.vector_store %arg8[%swap3A_975, %swap3A_976], %select_n3A_974 {strides = array<i32>} : memref<50x128xi32, #tpu.memory_space<vmem>>, vector<16xi32>,
      %mul3A_978 = arith.constant 128 : i32
      %mul3A_979 = arith.muli %add3A_725, %mul3A_978 : i32
      %add3A_980 = arith.addi %mul3A_13, %mul3A_979 : i32
      %add3A_981 = arith.constant 48 : i32
      %add3A_982 = arith.addi %add3A_980, %add3A_981 : i32
      %add3A_983 = vector.broadcast %add3A_982 : i32 to vector<16xi32>
      %add3A_984 = arith.addi %add3A_983, %iota3A : vector<16xi32>
      %broadcast_in_dim3A_985 = arith.constant 0 : i32
      %broadcast_in_dim3A_986 = vector.broadcast %broadcast_in_dim3A_985 : i32 to vector<16xi32>
      %add3A_987 = arith.constant 2048 : i32
      %add3A_988 = vector.broadcast %add3A_987 : i32 to vector<16xi32>
      %add3A_989 = arith.addi %broadcast_in_dim3A_986, %add3A_988 : vector<16xi32>
      %gather3A_990 = tpu.vector_load_idx %arg6[%add3A_989] : memref<8192xi32, #tpu.memory_space<vmem>>[vector<16xi32>], vector<16xi32>,
      %le3A_991 = arith.cmpi sle, %gather3A_990, %add3A_984 : vector<16xi32>
      %select_n3A_992 = arith.select %le3A_991, %add3A_989, %broadcast_in_dim3A_986 : vector<16xi1>, vector<16xi32>
      %add3A_993 = arith.constant 1024 : i32
      %add3A_994 = vector.broadcast %add3A_993 : i32 to vector<16xi32>
      %add3A_995 = arith.addi %select_n3A_992, %add3A_994 : vector<16xi32>
      %gather3A_996 = tpu.vector_load_idx %arg6[%add3A_995] : memref<8192xi32, #tpu.memory_space<vmem>>[vector<16xi32>], vector<16xi32>,
      %le3A_997 = arith.cmpi sle, %gather3A_996, %add3A_984 : vector<16xi32>
      %select_n3A_998 = arith.select %le3A_997, %add3A_995, %select_n3A_992 : vector<16xi1>, vector<16xi32>
      %add3A_999 = arith.constant 512 : i32
      %add3A_1000 = vector.broadcast %add3A_999 : i32 to vector<16xi32>
      %add3A_1001 = arith.addi %select_n3A_998, %add3A_1000 : vector<16xi32>
      %gather3A_1002 = tpu.vector_load_idx %arg6[%add3A_1001] : memref<8192xi32, #tpu.memory_space<vmem>>[vector<16xi32>], vector<16xi32>,
      %le3A_1003 = arith.cmpi sle, %gather3A_1002, %add3A_984 : vector<16xi32>
      %select_n3A_1004 = arith.select %le3A_1003, %add3A_1001, %select_n3A_998 : vector<16xi1>, vector<16xi32>
      %add3A_1005 = arith.constant 256 : i32
      %add3A_1006 = vector.broadcast %add3A_1005 : i32 to vector<16xi32>
      %add3A_1007 = arith.addi %select_n3A_1004, %add3A_1006 : vector<16xi32>
      %gather3A_1008 = tpu.vector_load_idx %arg6[%add3A_1007] : memref<8192xi32, #tpu.memory_space<vmem>>[vector<16xi32>], vector<16xi32>,
      %le3A_1009 = arith.cmpi sle, %gather3A_1008, %add3A_984 : vector<16xi32>
      %select_n3A_1010 = arith.select %le3A_1009, %add3A_1007, %select_n3A_1004 : vector<16xi1>, vector<16xi32>
      %add3A_1011 = arith.constant 128 : i32
      %add3A_1012 = vector.broadcast %add3A_1011 : i32 to vector<16xi32>
      %add3A_1013 = arith.addi %select_n3A_1010, %add3A_1012 : vector<16xi32>
      %gather3A_1014 = tpu.vector_load_idx %arg6[%add3A_1013] : memref<8192xi32, #tpu.memory_space<vmem>>[vector<16xi32>], vector<16xi32>,
      %le3A_1015 = arith.cmpi sle, %gather3A_1014, %add3A_984 : vector<16xi32>
      %select_n3A_1016 = arith.select %le3A_1015, %add3A_1013, %select_n3A_1010 : vector<16xi1>, vector<16xi32>
      %add3A_1017 = arith.constant 64 : i32
      %add3A_1018 = vector.broadcast %add3A_1017 : i32 to vector<16xi32>
      %add3A_1019 = arith.addi %select_n3A_1016, %add3A_1018 : vector<16xi32>
      %gather3A_1020 = tpu.vector_load_idx %arg6[%add3A_1019] : memref<8192xi32, #tpu.memory_space<vmem>>[vector<16xi32>], vector<16xi32>,
      %le3A_1021 = arith.cmpi sle, %gather3A_1020, %add3A_984 : vector<16xi32>
      %select_n3A_1022 = arith.select %le3A_1021, %add3A_1019, %select_n3A_1016 : vector<16xi1>, vector<16xi32>
      %add3A_1023 = arith.constant 32 : i32
      %add3A_1024 = vector.broadcast %add3A_1023 : i32 to vector<16xi32>
      %add3A_1025 = arith.addi %select_n3A_1022, %add3A_1024 : vector<16xi32>
      %gather3A_1026 = tpu.vector_load_idx %arg6[%add3A_1025] : memref<8192xi32, #tpu.memory_space<vmem>>[vector<16xi32>], vector<16xi32>,
      %le3A_1027 = arith.cmpi sle, %gather3A_1026, %add3A_984 : vector<16xi32>
      %select_n3A_1028 = arith.select %le3A_1027, %add3A_1025, %select_n3A_1022 : vector<16xi1>, vector<16xi32>
      %add3A_1029 = arith.constant 16 : i32
      %add3A_1030 = vector.broadcast %add3A_1029 : i32 to vector<16xi32>
      %add3A_1031 = arith.addi %select_n3A_1028, %add3A_1030 : vector<16xi32>
      %gather3A_1032 = tpu.vector_load_idx %arg6[%add3A_1031] : memref<8192xi32, #tpu.memory_space<vmem>>[vector<16xi32>], vector<16xi32>,
      %le3A_1033 = arith.cmpi sle, %gather3A_1032, %add3A_984 : vector<16xi32>
      %select_n3A_1034 = arith.select %le3A_1033, %add3A_1031, %select_n3A_1028 : vector<16xi1>, vector<16xi32>
      %add3A_1035 = arith.constant 8 : i32
      %add3A_1036 = vector.broadcast %add3A_1035 : i32 to vector<16xi32>
      %add3A_1037 = arith.addi %select_n3A_1034, %add3A_1036 : vector<16xi32>
      %gather3A_1038 = tpu.vector_load_idx %arg6[%add3A_1037] : memref<8192xi32, #tpu.memory_space<vmem>>[vector<16xi32>], vector<16xi32>,
      %le3A_1039 = arith.cmpi sle, %gather3A_1038, %add3A_984 : vector<16xi32>
      %select_n3A_1040 = arith.select %le3A_1039, %add3A_1037, %select_n3A_1034 : vector<16xi1>, vector<16xi32>
      %add3A_1041 = arith.constant 4 : i32
      %add3A_1042 = vector.broadcast %add3A_1041 : i32 to vector<16xi32>
      %add3A_1043 = arith.addi %select_n3A_1040, %add3A_1042 : vector<16xi32>
      %gather3A_1044 = tpu.vector_load_idx %arg6[%add3A_1043] : memref<8192xi32, #tpu.memory_space<vmem>>[vector<16xi32>], vector<16xi32>,
      %le3A_1045 = arith.cmpi sle, %gather3A_1044, %add3A_984 : vector<16xi32>
      %select_n3A_1046 = arith.select %le3A_1045, %add3A_1043, %select_n3A_1040 : vector<16xi1>, vector<16xi32>
      %add3A_1047 = arith.constant 2 : i32
      %add3A_1048 = vector.broadcast %add3A_1047 : i32 to vector<16xi32>
      %add3A_1049 = arith.addi %select_n3A_1046, %add3A_1048 : vector<16xi32>
      %gather3A_1050 = tpu.vector_load_idx %arg6[%add3A_1049] : memref<8192xi32, #tpu.memory_space<vmem>>[vector<16xi32>], vector<16xi32>,
      %le3A_1051 = arith.cmpi sle, %gather3A_1050, %add3A_984 : vector<16xi32>
      %select_n3A_1052 = arith.select %le3A_1051, %add3A_1049, %select_n3A_1046 : vector<16xi1>, vector<16xi32>
      %add3A_1053 = arith.constant 1 : i32
      %add3A_1054 = vector.broadcast %add3A_1053 : i32 to vector<16xi32>
      %add3A_1055 = arith.addi %select_n3A_1052, %add3A_1054 : vector<16xi32>
      %gather3A_1056 = tpu.vector_load_idx %arg6[%add3A_1055] : memref<8192xi32, #tpu.memory_space<vmem>>[vector<16xi32>], vector<16xi32>,
      %le3A_1057 = arith.cmpi sle, %gather3A_1056, %add3A_984 : vector<16xi32>
      %select_n3A_1058 = arith.select %le3A_1057, %add3A_1055, %select_n3A_1052 : vector<16xi1>, vector<16xi32>
      %swap3A_1059 = arith.index_cast %add3A_725 : i32 to index
      %swap3A_1060 = arith.constant 48 : index
      %swap3A_1061 = tpu.vector_load %arg8[%swap3A_1059, %swap3A_1060] {strides = array<i32>} : memref<50x128xi32, #tpu.memory_space<vmem>>, vector<16xi32>,
      tpu.vector_store %arg8[%swap3A_1059, %swap3A_1060], %select_n3A_1058 {strides = array<i32>} : memref<50x128xi32, #tpu.memory_space<vmem>>, vector<16xi32>,
      %mul3A_1062 = arith.constant 128 : i32
      %mul3A_1063 = arith.muli %add3A_725, %mul3A_1062 : i32
      %add3A_1064 = arith.addi %mul3A_13, %mul3A_1063 : i32
      %add3A_1065 = arith.constant 64 : i32
      %add3A_1066 = arith.addi %add3A_1064, %add3A_1065 : i32
      %add3A_1067 = vector.broadcast %add3A_1066 : i32 to vector<16xi32>
      %add3A_1068 = arith.addi %add3A_1067, %iota3A : vector<16xi32>
      %broadcast_in_dim3A_1069 = arith.constant 0 : i32
      %broadcast_in_dim3A_1070 = vector.broadcast %broadcast_in_dim3A_1069 : i32 to vector<16xi32>
      %add3A_1071 = arith.constant 2048 : i32
      %add3A_1072 = vector.broadcast %add3A_1071 : i32 to vector<16xi32>
      %add3A_1073 = arith.addi %broadcast_in_dim3A_1070, %add3A_1072 : vector<16xi32>
      %gather3A_1074 = tpu.vector_load_idx %arg6[%add3A_1073] : memref<8192xi32, #tpu.memory_space<vmem>>[vector<16xi32>], vector<16xi32>,
      %le3A_1075 = arith.cmpi sle, %gather3A_1074, %add3A_1068 : vector<16xi32>
      %select_n3A_1076 = arith.select %le3A_1075, %add3A_1073, %broadcast_in_dim3A_1070 : vector<16xi1>, vector<16xi32>
      %add3A_1077 = arith.constant 1024 : i32
      %add3A_1078 = vector.broadcast %add3A_1077 : i32 to vector<16xi32>
      %add3A_1079 = arith.addi %select_n3A_1076, %add3A_1078 : vector<16xi32>
      %gather3A_1080 = tpu.vector_load_idx %arg6[%add3A_1079] : memref<8192xi32, #tpu.memory_space<vmem>>[vector<16xi32>], vector<16xi32>,
      %le3A_1081 = arith.cmpi sle, %gather3A_1080, %add3A_1068 : vector<16xi32>
      %select_n3A_1082 = arith.select %le3A_1081, %add3A_1079, %select_n3A_1076 : vector<16xi1>, vector<16xi32>
      %add3A_1083 = arith.constant 512 : i32
      %add3A_1084 = vector.broadcast %add3A_1083 : i32 to vector<16xi32>
      %add3A_1085 = arith.addi %select_n3A_1082, %add3A_1084 : vector<16xi32>
      %gather3A_1086 = tpu.vector_load_idx %arg6[%add3A_1085] : memref<8192xi32, #tpu.memory_space<vmem>>[vector<16xi32>], vector<16xi32>,
      %le3A_1087 = arith.cmpi sle, %gather3A_1086, %add3A_1068 : vector<16xi32>
      %select_n3A_1088 = arith.select %le3A_1087, %add3A_1085, %select_n3A_1082 : vector<16xi1>, vector<16xi32>
      %add3A_1089 = arith.constant 256 : i32
      %add3A_1090 = vector.broadcast %add3A_1089 : i32 to vector<16xi32>
      %add3A_1091 = arith.addi %select_n3A_1088, %add3A_1090 : vector<16xi32>
      %gather3A_1092 = tpu.vector_load_idx %arg6[%add3A_1091] : memref<8192xi32, #tpu.memory_space<vmem>>[vector<16xi32>], vector<16xi32>,
      %le3A_1093 = arith.cmpi sle, %gather3A_1092, %add3A_1068 : vector<16xi32>
      %select_n3A_1094 = arith.select %le3A_1093, %add3A_1091, %select_n3A_1088 : vector<16xi1>, vector<16xi32>
      %add3A_1095 = arith.constant 128 : i32
      %add3A_1096 = vector.broadcast %add3A_1095 : i32 to vector<16xi32>
      %add3A_1097 = arith.addi %select_n3A_1094, %add3A_1096 : vector<16xi32>
      %gather3A_1098 = tpu.vector_load_idx %arg6[%add3A_1097] : memref<8192xi32, #tpu.memory_space<vmem>>[vector<16xi32>], vector<16xi32>,
      %le3A_1099 = arith.cmpi sle, %gather3A_1098, %add3A_1068 : vector<16xi32>
      %select_n3A_1100 = arith.select %le3A_1099, %add3A_1097, %select_n3A_1094 : vector<16xi1>, vector<16xi32>
      %add3A_1101 = arith.constant 64 : i32
      %add3A_1102 = vector.broadcast %add3A_1101 : i32 to vector<16xi32>
      %add3A_1103 = arith.addi %select_n3A_1100, %add3A_1102 : vector<16xi32>
      %gather3A_1104 = tpu.vector_load_idx %arg6[%add3A_1103] : memref<8192xi32, #tpu.memory_space<vmem>>[vector<16xi32>], vector<16xi32>,
      %le3A_1105 = arith.cmpi sle, %gather3A_1104, %add3A_1068 : vector<16xi32>
      %select_n3A_1106 = arith.select %le3A_1105, %add3A_1103, %select_n3A_1100 : vector<16xi1>, vector<16xi32>
      %add3A_1107 = arith.constant 32 : i32
      %add3A_1108 = vector.broadcast %add3A_1107 : i32 to vector<16xi32>
      %add3A_1109 = arith.addi %select_n3A_1106, %add3A_1108 : vector<16xi32>
      %gather3A_1110 = tpu.vector_load_idx %arg6[%add3A_1109] : memref<8192xi32, #tpu.memory_space<vmem>>[vector<16xi32>], vector<16xi32>,
      %le3A_1111 = arith.cmpi sle, %gather3A_1110, %add3A_1068 : vector<16xi32>
      %select_n3A_1112 = arith.select %le3A_1111, %add3A_1109, %select_n3A_1106 : vector<16xi1>, vector<16xi32>
      %add3A_1113 = arith.constant 16 : i32
      %add3A_1114 = vector.broadcast %add3A_1113 : i32 to vector<16xi32>
      %add3A_1115 = arith.addi %select_n3A_1112, %add3A_1114 : vector<16xi32>
      %gather3A_1116 = tpu.vector_load_idx %arg6[%add3A_1115] : memref<8192xi32, #tpu.memory_space<vmem>>[vector<16xi32>], vector<16xi32>,
      %le3A_1117 = arith.cmpi sle, %gather3A_1116, %add3A_1068 : vector<16xi32>
      %select_n3A_1118 = arith.select %le3A_1117, %add3A_1115, %select_n3A_1112 : vector<16xi1>, vector<16xi32>
      %add3A_1119 = arith.constant 8 : i32
      %add3A_1120 = vector.broadcast %add3A_1119 : i32 to vector<16xi32>
      %add3A_1121 = arith.addi %select_n3A_1118, %add3A_1120 : vector<16xi32>
      %gather3A_1122 = tpu.vector_load_idx %arg6[%add3A_1121] : memref<8192xi32, #tpu.memory_space<vmem>>[vector<16xi32>], vector<16xi32>,
      %le3A_1123 = arith.cmpi sle, %gather3A_1122, %add3A_1068 : vector<16xi32>
      %select_n3A_1124 = arith.select %le3A_1123, %add3A_1121, %select_n3A_1118 : vector<16xi1>, vector<16xi32>
      %add3A_1125 = arith.constant 4 : i32
      %add3A_1126 = vector.broadcast %add3A_1125 : i32 to vector<16xi32>
      %add3A_1127 = arith.addi %select_n3A_1124, %add3A_1126 : vector<16xi32>
      %gather3A_1128 = tpu.vector_load_idx %arg6[%add3A_1127] : memref<8192xi32, #tpu.memory_space<vmem>>[vector<16xi32>], vector<16xi32>,
      %le3A_1129 = arith.cmpi sle, %gather3A_1128, %add3A_1068 : vector<16xi32>
      %select_n3A_1130 = arith.select %le3A_1129, %add3A_1127, %select_n3A_1124 : vector<16xi1>, vector<16xi32>
      %add3A_1131 = arith.constant 2 : i32
      %add3A_1132 = vector.broadcast %add3A_1131 : i32 to vector<16xi32>
      %add3A_1133 = arith.addi %select_n3A_1130, %add3A_1132 : vector<16xi32>
      %gather3A_1134 = tpu.vector_load_idx %arg6[%add3A_1133] : memref<8192xi32, #tpu.memory_space<vmem>>[vector<16xi32>], vector<16xi32>,
      %le3A_1135 = arith.cmpi sle, %gather3A_1134, %add3A_1068 : vector<16xi32>
      %select_n3A_1136 = arith.select %le3A_1135, %add3A_1133, %select_n3A_1130 : vector<16xi1>, vector<16xi32>
      %add3A_1137 = arith.constant 1 : i32
      %add3A_1138 = vector.broadcast %add3A_1137 : i32 to vector<16xi32>
      %add3A_1139 = arith.addi %select_n3A_1136, %add3A_1138 : vector<16xi32>
      %gather3A_1140 = tpu.vector_load_idx %arg6[%add3A_1139] : memref<8192xi32, #tpu.memory_space<vmem>>[vector<16xi32>], vector<16xi32>,
      %le3A_1141 = arith.cmpi sle, %gather3A_1140, %add3A_1068 : vector<16xi32>
      %select_n3A_1142 = arith.select %le3A_1141, %add3A_1139, %select_n3A_1136 : vector<16xi1>, vector<16xi32>
      %swap3A_1143 = arith.index_cast %add3A_725 : i32 to index
      %swap3A_1144 = arith.constant 64 : index
      %swap3A_1145 = tpu.vector_load %arg8[%swap3A_1143, %swap3A_1144] {strides = array<i32>} : memref<50x128xi32, #tpu.memory_space<vmem>>, vector<16xi32>,
      tpu.vector_store %arg8[%swap3A_1143, %swap3A_1144], %select_n3A_1142 {strides = array<i32>} : memref<50x128xi32, #tpu.memory_space<vmem>>, vector<16xi32>,
      %mul3A_1146 = arith.constant 128 : i32
      %mul3A_1147 = arith.muli %add3A_725, %mul3A_1146 : i32
      %add3A_1148 = arith.addi %mul3A_13, %mul3A_1147 : i32
      %add3A_1149 = arith.constant 80 : i32
      %add3A_1150 = arith.addi %add3A_1148, %add3A_1149 : i32
      %add3A_1151 = vector.broadcast %add3A_1150 : i32 to vector<16xi32>
      %add3A_1152 = arith.addi %add3A_1151, %iota3A : vector<16xi32>
      %broadcast_in_dim3A_1153 = arith.constant 0 : i32
      %broadcast_in_dim3A_1154 = vector.broadcast %broadcast_in_dim3A_1153 : i32 to vector<16xi32>
      %add3A_1155 = arith.constant 2048 : i32
      %add3A_1156 = vector.broadcast %add3A_1155 : i32 to vector<16xi32>
      %add3A_1157 = arith.addi %broadcast_in_dim3A_1154, %add3A_1156 : vector<16xi32>
      %gather3A_1158 = tpu.vector_load_idx %arg6[%add3A_1157] : memref<8192xi32, #tpu.memory_space<vmem>>[vector<16xi32>], vector<16xi32>,
      %le3A_1159 = arith.cmpi sle, %gather3A_1158, %add3A_1152 : vector<16xi32>
      %select_n3A_1160 = arith.select %le3A_1159, %add3A_1157, %broadcast_in_dim3A_1154 : vector<16xi1>, vector<16xi32>
      %add3A_1161 = arith.constant 1024 : i32
      %add3A_1162 = vector.broadcast %add3A_1161 : i32 to vector<16xi32>
      %add3A_1163 = arith.addi %select_n3A_1160, %add3A_1162 : vector<16xi32>
      %gather3A_1164 = tpu.vector_load_idx %arg6[%add3A_1163] : memref<8192xi32, #tpu.memory_space<vmem>>[vector<16xi32>], vector<16xi32>,
      %le3A_1165 = arith.cmpi sle, %gather3A_1164, %add3A_1152 : vector<16xi32>
      %select_n3A_1166 = arith.select %le3A_1165, %add3A_1163, %select_n3A_1160 : vector<16xi1>, vector<16xi32>
      %add3A_1167 = arith.constant 512 : i32
      %add3A_1168 = vector.broadcast %add3A_1167 : i32 to vector<16xi32>
      %add3A_1169 = arith.addi %select_n3A_1166, %add3A_1168 : vector<16xi32>
      %gather3A_1170 = tpu.vector_load_idx %arg6[%add3A_1169] : memref<8192xi32, #tpu.memory_space<vmem>>[vector<16xi32>], vector<16xi32>,
      %le3A_1171 = arith.cmpi sle, %gather3A_1170, %add3A_1152 : vector<16xi32>
      %select_n3A_1172 = arith.select %le3A_1171, %add3A_1169, %select_n3A_1166 : vector<16xi1>, vector<16xi32>
      %add3A_1173 = arith.constant 256 : i32
      %add3A_1174 = vector.broadcast %add3A_1173 : i32 to vector<16xi32>
      %add3A_1175 = arith.addi %select_n3A_1172, %add3A_1174 : vector<16xi32>
      %gather3A_1176 = tpu.vector_load_idx %arg6[%add3A_1175] : memref<8192xi32, #tpu.memory_space<vmem>>[vector<16xi32>], vector<16xi32>,
      %le3A_1177 = arith.cmpi sle, %gather3A_1176, %add3A_1152 : vector<16xi32>
      %select_n3A_1178 = arith.select %le3A_1177, %add3A_1175, %select_n3A_1172 : vector<16xi1>, vector<16xi32>
      %add3A_1179 = arith.constant 128 : i32
      %add3A_1180 = vector.broadcast %add3A_1179 : i32 to vector<16xi32>
      %add3A_1181 = arith.addi %select_n3A_1178, %add3A_1180 : vector<16xi32>
      %gather3A_1182 = tpu.vector_load_idx %arg6[%add3A_1181] : memref<8192xi32, #tpu.memory_space<vmem>>[vector<16xi32>], vector<16xi32>,
      %le3A_1183 = arith.cmpi sle, %gather3A_1182, %add3A_1152 : vector<16xi32>
      %select_n3A_1184 = arith.select %le3A_1183, %add3A_1181, %select_n3A_1178 : vector<16xi1>, vector<16xi32>
      %add3A_1185 = arith.constant 64 : i32
      %add3A_1186 = vector.broadcast %add3A_1185 : i32 to vector<16xi32>
      %add3A_1187 = arith.addi %select_n3A_1184, %add3A_1186 : vector<16xi32>
      %gather3A_1188 = tpu.vector_load_idx %arg6[%add3A_1187] : memref<8192xi32, #tpu.memory_space<vmem>>[vector<16xi32>], vector<16xi32>,
      %le3A_1189 = arith.cmpi sle, %gather3A_1188, %add3A_1152 : vector<16xi32>
      %select_n3A_1190 = arith.select %le3A_1189, %add3A_1187, %select_n3A_1184 : vector<16xi1>, vector<16xi32>
      %add3A_1191 = arith.constant 32 : i32
      %add3A_1192 = vector.broadcast %add3A_1191 : i32 to vector<16xi32>
      %add3A_1193 = arith.addi %select_n3A_1190, %add3A_1192 : vector<16xi32>
      %gather3A_1194 = tpu.vector_load_idx %arg6[%add3A_1193] : memref<8192xi32, #tpu.memory_space<vmem>>[vector<16xi32>], vector<16xi32>,
      %le3A_1195 = arith.cmpi sle, %gather3A_1194, %add3A_1152 : vector<16xi32>
      %select_n3A_1196 = arith.select %le3A_1195, %add3A_1193, %select_n3A_1190 : vector<16xi1>, vector<16xi32>
      %add3A_1197 = arith.constant 16 : i32
      %add3A_1198 = vector.broadcast %add3A_1197 : i32 to vector<16xi32>
      %add3A_1199 = arith.addi %select_n3A_1196, %add3A_1198 : vector<16xi32>
      %gather3A_1200 = tpu.vector_load_idx %arg6[%add3A_1199] : memref<8192xi32, #tpu.memory_space<vmem>>[vector<16xi32>], vector<16xi32>,
      %le3A_1201 = arith.cmpi sle, %gather3A_1200, %add3A_1152 : vector<16xi32>
      %select_n3A_1202 = arith.select %le3A_1201, %add3A_1199, %select_n3A_1196 : vector<16xi1>, vector<16xi32>
      %add3A_1203 = arith.constant 8 : i32
      %add3A_1204 = vector.broadcast %add3A_1203 : i32 to vector<16xi32>
      %add3A_1205 = arith.addi %select_n3A_1202, %add3A_1204 : vector<16xi32>
      %gather3A_1206 = tpu.vector_load_idx %arg6[%add3A_1205] : memref<8192xi32, #tpu.memory_space<vmem>>[vector<16xi32>], vector<16xi32>,
      %le3A_1207 = arith.cmpi sle, %gather3A_1206, %add3A_1152 : vector<16xi32>
      %select_n3A_1208 = arith.select %le3A_1207, %add3A_1205, %select_n3A_1202 : vector<16xi1>, vector<16xi32>
      %add3A_1209 = arith.constant 4 : i32
      %add3A_1210 = vector.broadcast %add3A_1209 : i32 to vector<16xi32>
      %add3A_1211 = arith.addi %select_n3A_1208, %add3A_1210 : vector<16xi32>
      %gather3A_1212 = tpu.vector_load_idx %arg6[%add3A_1211] : memref<8192xi32, #tpu.memory_space<vmem>>[vector<16xi32>], vector<16xi32>,
      %le3A_1213 = arith.cmpi sle, %gather3A_1212, %add3A_1152 : vector<16xi32>
      %select_n3A_1214 = arith.select %le3A_1213, %add3A_1211, %select_n3A_1208 : vector<16xi1>, vector<16xi32>
      %add3A_1215 = arith.constant 2 : i32
      %add3A_1216 = vector.broadcast %add3A_1215 : i32 to vector<16xi32>
      %add3A_1217 = arith.addi %select_n3A_1214, %add3A_1216 : vector<16xi32>
      %gather3A_1218 = tpu.vector_load_idx %arg6[%add3A_1217] : memref<8192xi32, #tpu.memory_space<vmem>>[vector<16xi32>], vector<16xi32>,
      %le3A_1219 = arith.cmpi sle, %gather3A_1218, %add3A_1152 : vector<16xi32>
      %select_n3A_1220 = arith.select %le3A_1219, %add3A_1217, %select_n3A_1214 : vector<16xi1>, vector<16xi32>
      %add3A_1221 = arith.constant 1 : i32
      %add3A_1222 = vector.broadcast %add3A_1221 : i32 to vector<16xi32>
      %add3A_1223 = arith.addi %select_n3A_1220, %add3A_1222 : vector<16xi32>
      %gather3A_1224 = tpu.vector_load_idx %arg6[%add3A_1223] : memref<8192xi32, #tpu.memory_space<vmem>>[vector<16xi32>], vector<16xi32>,
      %le3A_1225 = arith.cmpi sle, %gather3A_1224, %add3A_1152 : vector<16xi32>
      %select_n3A_1226 = arith.select %le3A_1225, %add3A_1223, %select_n3A_1220 : vector<16xi1>, vector<16xi32>
      %swap3A_1227 = arith.index_cast %add3A_725 : i32 to index
      %swap3A_1228 = arith.constant 80 : index
      %swap3A_1229 = tpu.vector_load %arg8[%swap3A_1227, %swap3A_1228] {strides = array<i32>} : memref<50x128xi32, #tpu.memory_space<vmem>>, vector<16xi32>,
      tpu.vector_store %arg8[%swap3A_1227, %swap3A_1228], %select_n3A_1226 {strides = array<i32>} : memref<50x128xi32, #tpu.memory_space<vmem>>, vector<16xi32>,
      %mul3A_1230 = arith.constant 128 : i32
      %mul3A_1231 = arith.muli %add3A_725, %mul3A_1230 : i32
      %add3A_1232 = arith.addi %mul3A_13, %mul3A_1231 : i32
      %add3A_1233 = arith.constant 96 : i32
      %add3A_1234 = arith.addi %add3A_1232, %add3A_1233 : i32
      %add3A_1235 = vector.broadcast %add3A_1234 : i32 to vector<16xi32>
      %add3A_1236 = arith.addi %add3A_1235, %iota3A : vector<16xi32>
      %broadcast_in_dim3A_1237 = arith.constant 0 : i32
      %broadcast_in_dim3A_1238 = vector.broadcast %broadcast_in_dim3A_1237 : i32 to vector<16xi32>
      %add3A_1239 = arith.constant 2048 : i32
      %add3A_1240 = vector.broadcast %add3A_1239 : i32 to vector<16xi32>
      %add3A_1241 = arith.addi %broadcast_in_dim3A_1238, %add3A_1240 : vector<16xi32>
      %gather3A_1242 = tpu.vector_load_idx %arg6[%add3A_1241] : memref<8192xi32, #tpu.memory_space<vmem>>[vector<16xi32>], vector<16xi32>,
      %le3A_1243 = arith.cmpi sle, %gather3A_1242, %add3A_1236 : vector<16xi32>
      %select_n3A_1244 = arith.select %le3A_1243, %add3A_1241, %broadcast_in_dim3A_1238 : vector<16xi1>, vector<16xi32>
      %add3A_1245 = arith.constant 1024 : i32
      %add3A_1246 = vector.broadcast %add3A_1245 : i32 to vector<16xi32>
      %add3A_1247 = arith.addi %select_n3A_1244, %add3A_1246 : vector<16xi32>
      %gather3A_1248 = tpu.vector_load_idx %arg6[%add3A_1247] : memref<8192xi32, #tpu.memory_space<vmem>>[vector<16xi32>], vector<16xi32>,
      %le3A_1249 = arith.cmpi sle, %gather3A_1248, %add3A_1236 : vector<16xi32>
      %select_n3A_1250 = arith.select %le3A_1249, %add3A_1247, %select_n3A_1244 : vector<16xi1>, vector<16xi32>
      %add3A_1251 = arith.constant 512 : i32
      %add3A_1252 = vector.broadcast %add3A_1251 : i32 to vector<16xi32>
      %add3A_1253 = arith.addi %select_n3A_1250, %add3A_1252 : vector<16xi32>
      %gather3A_1254 = tpu.vector_load_idx %arg6[%add3A_1253] : memref<8192xi32, #tpu.memory_space<vmem>>[vector<16xi32>], vector<16xi32>,
      %le3A_1255 = arith.cmpi sle, %gather3A_1254, %add3A_1236 : vector<16xi32>
      %select_n3A_1256 = arith.select %le3A_1255, %add3A_1253, %select_n3A_1250 : vector<16xi1>, vector<16xi32>
      %add3A_1257 = arith.constant 256 : i32
      %add3A_1258 = vector.broadcast %add3A_1257 : i32 to vector<16xi32>
      %add3A_1259 = arith.addi %select_n3A_1256, %add3A_1258 : vector<16xi32>
      %gather3A_1260 = tpu.vector_load_idx %arg6[%add3A_1259] : memref<8192xi32, #tpu.memory_space<vmem>>[vector<16xi32>], vector<16xi32>,
      %le3A_1261 = arith.cmpi sle, %gather3A_1260, %add3A_1236 : vector<16xi32>
      %select_n3A_1262 = arith.select %le3A_1261, %add3A_1259, %select_n3A_1256 : vector<16xi1>, vector<16xi32>
      %add3A_1263 = arith.constant 128 : i32
      %add3A_1264 = vector.broadcast %add3A_1263 : i32 to vector<16xi32>
      %add3A_1265 = arith.addi %select_n3A_1262, %add3A_1264 : vector<16xi32>
      %gather3A_1266 = tpu.vector_load_idx %arg6[%add3A_1265] : memref<8192xi32, #tpu.memory_space<vmem>>[vector<16xi32>], vector<16xi32>,
      %le3A_1267 = arith.cmpi sle, %gather3A_1266, %add3A_1236 : vector<16xi32>
      %select_n3A_1268 = arith.select %le3A_1267, %add3A_1265, %select_n3A_1262 : vector<16xi1>, vector<16xi32>
      %add3A_1269 = arith.constant 64 : i32
      %add3A_1270 = vector.broadcast %add3A_1269 : i32 to vector<16xi32>
      %add3A_1271 = arith.addi %select_n3A_1268, %add3A_1270 : vector<16xi32>
      %gather3A_1272 = tpu.vector_load_idx %arg6[%add3A_1271] : memref<8192xi32, #tpu.memory_space<vmem>>[vector<16xi32>], vector<16xi32>,
      %le3A_1273 = arith.cmpi sle, %gather3A_1272, %add3A_1236 : vector<16xi32>
      %select_n3A_1274 = arith.select %le3A_1273, %add3A_1271, %select_n3A_1268 : vector<16xi1>, vector<16xi32>
      %add3A_1275 = arith.constant 32 : i32
      %add3A_1276 = vector.broadcast %add3A_1275 : i32 to vector<16xi32>
      %add3A_1277 = arith.addi %select_n3A_1274, %add3A_1276 : vector<16xi32>
      %gather3A_1278 = tpu.vector_load_idx %arg6[%add3A_1277] : memref<8192xi32, #tpu.memory_space<vmem>>[vector<16xi32>], vector<16xi32>,
      %le3A_1279 = arith.cmpi sle, %gather3A_1278, %add3A_1236 : vector<16xi32>
      %select_n3A_1280 = arith.select %le3A_1279, %add3A_1277, %select_n3A_1274 : vector<16xi1>, vector<16xi32>
      %add3A_1281 = arith.constant 16 : i32
      %add3A_1282 = vector.broadcast %add3A_1281 : i32 to vector<16xi32>
      %add3A_1283 = arith.addi %select_n3A_1280, %add3A_1282 : vector<16xi32>
      %gather3A_1284 = tpu.vector_load_idx %arg6[%add3A_1283] : memref<8192xi32, #tpu.memory_space<vmem>>[vector<16xi32>], vector<16xi32>,
      %le3A_1285 = arith.cmpi sle, %gather3A_1284, %add3A_1236 : vector<16xi32>
      %select_n3A_1286 = arith.select %le3A_1285, %add3A_1283, %select_n3A_1280 : vector<16xi1>, vector<16xi32>
      %add3A_1287 = arith.constant 8 : i32
      %add3A_1288 = vector.broadcast %add3A_1287 : i32 to vector<16xi32>
      %add3A_1289 = arith.addi %select_n3A_1286, %add3A_1288 : vector<16xi32>
      %gather3A_1290 = tpu.vector_load_idx %arg6[%add3A_1289] : memref<8192xi32, #tpu.memory_space<vmem>>[vector<16xi32>], vector<16xi32>,
      %le3A_1291 = arith.cmpi sle, %gather3A_1290, %add3A_1236 : vector<16xi32>
      %select_n3A_1292 = arith.select %le3A_1291, %add3A_1289, %select_n3A_1286 : vector<16xi1>, vector<16xi32>
      %add3A_1293 = arith.constant 4 : i32
      %add3A_1294 = vector.broadcast %add3A_1293 : i32 to vector<16xi32>
      %add3A_1295 = arith.addi %select_n3A_1292, %add3A_1294 : vector<16xi32>
      %gather3A_1296 = tpu.vector_load_idx %arg6[%add3A_1295] : memref<8192xi32, #tpu.memory_space<vmem>>[vector<16xi32>], vector<16xi32>,
      %le3A_1297 = arith.cmpi sle, %gather3A_1296, %add3A_1236 : vector<16xi32>
      %select_n3A_1298 = arith.select %le3A_1297, %add3A_1295, %select_n3A_1292 : vector<16xi1>, vector<16xi32>
      %add3A_1299 = arith.constant 2 : i32
      %add3A_1300 = vector.broadcast %add3A_1299 : i32 to vector<16xi32>
      %add3A_1301 = arith.addi %select_n3A_1298, %add3A_1300 : vector<16xi32>
      %gather3A_1302 = tpu.vector_load_idx %arg6[%add3A_1301] : memref<8192xi32, #tpu.memory_space<vmem>>[vector<16xi32>], vector<16xi32>,
      %le3A_1303 = arith.cmpi sle, %gather3A_1302, %add3A_1236 : vector<16xi32>
      %select_n3A_1304 = arith.select %le3A_1303, %add3A_1301, %select_n3A_1298 : vector<16xi1>, vector<16xi32>
      %add3A_1305 = arith.constant 1 : i32
      %add3A_1306 = vector.broadcast %add3A_1305 : i32 to vector<16xi32>
      %add3A_1307 = arith.addi %select_n3A_1304, %add3A_1306 : vector<16xi32>
      %gather3A_1308 = tpu.vector_load_idx %arg6[%add3A_1307] : memref<8192xi32, #tpu.memory_space<vmem>>[vector<16xi32>], vector<16xi32>,
      %le3A_1309 = arith.cmpi sle, %gather3A_1308, %add3A_1236 : vector<16xi32>
      %select_n3A_1310 = arith.select %le3A_1309, %add3A_1307, %select_n3A_1304 : vector<16xi1>, vector<16xi32>
      %swap3A_1311 = arith.index_cast %add3A_725 : i32 to index
      %swap3A_1312 = arith.constant 96 : index
      %swap3A_1313 = tpu.vector_load %arg8[%swap3A_1311, %swap3A_1312] {strides = array<i32>} : memref<50x128xi32, #tpu.memory_space<vmem>>, vector<16xi32>,
      tpu.vector_store %arg8[%swap3A_1311, %swap3A_1312], %select_n3A_1310 {strides = array<i32>} : memref<50x128xi32, #tpu.memory_space<vmem>>, vector<16xi32>,
      %mul3A_1314 = arith.constant 128 : i32
      %mul3A_1315 = arith.muli %add3A_725, %mul3A_1314 : i32
      %add3A_1316 = arith.addi %mul3A_13, %mul3A_1315 : i32
      %add3A_1317 = arith.constant 112 : i32
      %add3A_1318 = arith.addi %add3A_1316, %add3A_1317 : i32
      %add3A_1319 = vector.broadcast %add3A_1318 : i32 to vector<16xi32>
      %add3A_1320 = arith.addi %add3A_1319, %iota3A : vector<16xi32>
      %broadcast_in_dim3A_1321 = arith.constant 0 : i32
      %broadcast_in_dim3A_1322 = vector.broadcast %broadcast_in_dim3A_1321 : i32 to vector<16xi32>
      %add3A_1323 = arith.constant 2048 : i32
      %add3A_1324 = vector.broadcast %add3A_1323 : i32 to vector<16xi32>
      %add3A_1325 = arith.addi %broadcast_in_dim3A_1322, %add3A_1324 : vector<16xi32>
      %gather3A_1326 = tpu.vector_load_idx %arg6[%add3A_1325] : memref<8192xi32, #tpu.memory_space<vmem>>[vector<16xi32>], vector<16xi32>,
      %le3A_1327 = arith.cmpi sle, %gather3A_1326, %add3A_1320 : vector<16xi32>
      %select_n3A_1328 = arith.select %le3A_1327, %add3A_1325, %broadcast_in_dim3A_1322 : vector<16xi1>, vector<16xi32>
      %add3A_1329 = arith.constant 1024 : i32
      %add3A_1330 = vector.broadcast %add3A_1329 : i32 to vector<16xi32>
      %add3A_1331 = arith.addi %select_n3A_1328, %add3A_1330 : vector<16xi32>
      %gather3A_1332 = tpu.vector_load_idx %arg6[%add3A_1331] : memref<8192xi32, #tpu.memory_space<vmem>>[vector<16xi32>], vector<16xi32>,
      %le3A_1333 = arith.cmpi sle, %gather3A_1332, %add3A_1320 : vector<16xi32>
      %select_n3A_1334 = arith.select %le3A_1333, %add3A_1331, %select_n3A_1328 : vector<16xi1>, vector<16xi32>
      %add3A_1335 = arith.constant 512 : i32
      %add3A_1336 = vector.broadcast %add3A_1335 : i32 to vector<16xi32>
      %add3A_1337 = arith.addi %select_n3A_1334, %add3A_1336 : vector<16xi32>
      %gather3A_1338 = tpu.vector_load_idx %arg6[%add3A_1337] : memref<8192xi32, #tpu.memory_space<vmem>>[vector<16xi32>], vector<16xi32>,
      %le3A_1339 = arith.cmpi sle, %gather3A_1338, %add3A_1320 : vector<16xi32>
      %select_n3A_1340 = arith.select %le3A_1339, %add3A_1337, %select_n3A_1334 : vector<16xi1>, vector<16xi32>
      %add3A_1341 = arith.constant 256 : i32
      %add3A_1342 = vector.broadcast %add3A_1341 : i32 to vector<16xi32>
      %add3A_1343 = arith.addi %select_n3A_1340, %add3A_1342 : vector<16xi32>
      %gather3A_1344 = tpu.vector_load_idx %arg6[%add3A_1343] : memref<8192xi32, #tpu.memory_space<vmem>>[vector<16xi32>], vector<16xi32>,
      %le3A_1345 = arith.cmpi sle, %gather3A_1344, %add3A_1320 : vector<16xi32>
      %select_n3A_1346 = arith.select %le3A_1345, %add3A_1343, %select_n3A_1340 : vector<16xi1>, vector<16xi32>
      %add3A_1347 = arith.constant 128 : i32
      %add3A_1348 = vector.broadcast %add3A_1347 : i32 to vector<16xi32>
      %add3A_1349 = arith.addi %select_n3A_1346, %add3A_1348 : vector<16xi32>
      %gather3A_1350 = tpu.vector_load_idx %arg6[%add3A_1349] : memref<8192xi32, #tpu.memory_space<vmem>>[vector<16xi32>], vector<16xi32>,
      %le3A_1351 = arith.cmpi sle, %gather3A_1350, %add3A_1320 : vector<16xi32>
      %select_n3A_1352 = arith.select %le3A_1351, %add3A_1349, %select_n3A_1346 : vector<16xi1>, vector<16xi32>
      %add3A_1353 = arith.constant 64 : i32
      %add3A_1354 = vector.broadcast %add3A_1353 : i32 to vector<16xi32>
      %add3A_1355 = arith.addi %select_n3A_1352, %add3A_1354 : vector<16xi32>
      %gather3A_1356 = tpu.vector_load_idx %arg6[%add3A_1355] : memref<8192xi32, #tpu.memory_space<vmem>>[vector<16xi32>], vector<16xi32>,
      %le3A_1357 = arith.cmpi sle, %gather3A_1356, %add3A_1320 : vector<16xi32>
      %select_n3A_1358 = arith.select %le3A_1357, %add3A_1355, %select_n3A_1352 : vector<16xi1>, vector<16xi32>
      %add3A_1359 = arith.constant 32 : i32
      %add3A_1360 = vector.broadcast %add3A_1359 : i32 to vector<16xi32>
      %add3A_1361 = arith.addi %select_n3A_1358, %add3A_1360 : vector<16xi32>
      %gather3A_1362 = tpu.vector_load_idx %arg6[%add3A_1361] : memref<8192xi32, #tpu.memory_space<vmem>>[vector<16xi32>], vector<16xi32>,
      %le3A_1363 = arith.cmpi sle, %gather3A_1362, %add3A_1320 : vector<16xi32>
      %select_n3A_1364 = arith.select %le3A_1363, %add3A_1361, %select_n3A_1358 : vector<16xi1>, vector<16xi32>
      %add3A_1365 = arith.constant 16 : i32
      %add3A_1366 = vector.broadcast %add3A_1365 : i32 to vector<16xi32>
      %add3A_1367 = arith.addi %select_n3A_1364, %add3A_1366 : vector<16xi32>
      %gather3A_1368 = tpu.vector_load_idx %arg6[%add3A_1367] : memref<8192xi32, #tpu.memory_space<vmem>>[vector<16xi32>], vector<16xi32>,
      %le3A_1369 = arith.cmpi sle, %gather3A_1368, %add3A_1320 : vector<16xi32>
      %select_n3A_1370 = arith.select %le3A_1369, %add3A_1367, %select_n3A_1364 : vector<16xi1>, vector<16xi32>
      %add3A_1371 = arith.constant 8 : i32
      %add3A_1372 = vector.broadcast %add3A_1371 : i32 to vector<16xi32>
      %add3A_1373 = arith.addi %select_n3A_1370, %add3A_1372 : vector<16xi32>
      %gather3A_1374 = tpu.vector_load_idx %arg6[%add3A_1373] : memref<8192xi32, #tpu.memory_space<vmem>>[vector<16xi32>], vector<16xi32>,
      %le3A_1375 = arith.cmpi sle, %gather3A_1374, %add3A_1320 : vector<16xi32>
      %select_n3A_1376 = arith.select %le3A_1375, %add3A_1373, %select_n3A_1370 : vector<16xi1>, vector<16xi32>
      %add3A_1377 = arith.constant 4 : i32
      %add3A_1378 = vector.broadcast %add3A_1377 : i32 to vector<16xi32>
      %add3A_1379 = arith.addi %select_n3A_1376, %add3A_1378 : vector<16xi32>
      %gather3A_1380 = tpu.vector_load_idx %arg6[%add3A_1379] : memref<8192xi32, #tpu.memory_space<vmem>>[vector<16xi32>], vector<16xi32>,
      %le3A_1381 = arith.cmpi sle, %gather3A_1380, %add3A_1320 : vector<16xi32>
      %select_n3A_1382 = arith.select %le3A_1381, %add3A_1379, %select_n3A_1376 : vector<16xi1>, vector<16xi32>
      %add3A_1383 = arith.constant 2 : i32
      %add3A_1384 = vector.broadcast %add3A_1383 : i32 to vector<16xi32>
      %add3A_1385 = arith.addi %select_n3A_1382, %add3A_1384 : vector<16xi32>
      %gather3A_1386 = tpu.vector_load_idx %arg6[%add3A_1385] : memref<8192xi32, #tpu.memory_space<vmem>>[vector<16xi32>], vector<16xi32>,
      %le3A_1387 = arith.cmpi sle, %gather3A_1386, %add3A_1320 : vector<16xi32>
      %select_n3A_1388 = arith.select %le3A_1387, %add3A_1385, %select_n3A_1382 : vector<16xi1>, vector<16xi32>
      %add3A_1389 = arith.constant 1 : i32
      %add3A_1390 = vector.broadcast %add3A_1389 : i32 to vector<16xi32>
      %add3A_1391 = arith.addi %select_n3A_1388, %add3A_1390 : vector<16xi32>
      %gather3A_1392 = tpu.vector_load_idx %arg6[%add3A_1391] : memref<8192xi32, #tpu.memory_space<vmem>>[vector<16xi32>], vector<16xi32>,
      %le3A_1393 = arith.cmpi sle, %gather3A_1392, %add3A_1320 : vector<16xi32>
      %select_n3A_1394 = arith.select %le3A_1393, %add3A_1391, %select_n3A_1388 : vector<16xi1>, vector<16xi32>
      %swap3A_1395 = arith.index_cast %add3A_725 : i32 to index
      %swap3A_1396 = arith.constant 112 : index
      %swap3A_1397 = tpu.vector_load %arg8[%swap3A_1395, %swap3A_1396] {strides = array<i32>} : memref<50x128xi32, #tpu.memory_space<vmem>>, vector<16xi32>,
      tpu.vector_store %arg8[%swap3A_1395, %swap3A_1396], %select_n3A_1394 {strides = array<i32>} : memref<50x128xi32, #tpu.memory_space<vmem>>, vector<16xi32>,
      %dma_wait3A_1398 = arith.constant 0 : i32
      %dma_wait3A_1399 = arith.constant 0 : i32
      %dma_wait3A_1400 = tpu.memref_slice %arg4[%dma_wait3A_1398, %dma_wait3A_1399] : memref<1000000x64xf32, #tpu.memory_space<hbm>> -> memref<128x64xf32, #tpu.memory_space<hbm>>
      %dma_wait3A_1401 = arith.constant 0 : i32
      %dma_wait3A_1402 = arith.constant 0 : i32
      %dma_wait3A_1403 = tpu.memref_slice %arg4[%dma_wait3A_1401, %dma_wait3A_1402] : memref<1000000x64xf32, #tpu.memory_space<hbm>> -> memref<128x64xf32, #tpu.memory_space<hbm>>
      tpu.wait_dma2 semaphore(%arg15 : memref<!tpu.dma_semaphore, #tpu.memory_space<semaphore_mem>>) src(%dma_wait3A_1403 : memref<128x64xf32, #tpu.memory_space<hbm>>) dst(%arg10 : memref<128x64xf32, #tpu.memory_space<vmem>>)
      %add3A_1404 = arith.constant 1 : i32
      %add3A_1405 = arith.addi %mul3A_36, %add3A_1404 : i32
      "tpu.region"() ({
        %run_scoped3A = tpu.sem_alloc : memref<!tpu.dma_semaphore, #tpu.memory_space<semaphore_mem>>
        %dma_start3A_1406 = arith.constant 0 : i32
        %dma_start3A_1407 = tpu.memref_slice %arg8[%add3A_1405, %dma_start3A_1406] : memref<50x128xi32, #tpu.memory_space<vmem>> -> memref<1x128xi32, #tpu.memory_space<vmem>>
        %dma_start3A_1408 = tpu.memref_squeeze %dma_start3A_1407 : memref<1x128xi32, #tpu.memory_space<vmem>> -> memref<128xi32, #tpu.memory_space<vmem>>
        %dma_start3A_1409 = arith.constant 0 : i32
        %dma_start3A_1410 = arith.constant 0 : i32
        %dma_start3A_1411 = tpu.memref_slice %arg12[%dma_start3A_1409, %dma_start3A_1410] : memref<4096x64xf32, #tpu.memory_space<vmem_shared>> -> memref<4096x64xf32, #tpu.memory_space<vmem_shared>>
        tpu.enqueue_indirect_dma source(%arg10 : memref<128x64xf32, #tpu.memory_space<vmem>>) target(%dma_start3A_1411 : memref<4096x64xf32, #tpu.memory_space<vmem_shared>>) offsets(%dma_start3A_1408 : memref<128xi32, #tpu.memory_space<vmem>>) semaphore(%run_scoped3A : memref<!tpu.dma_semaphore, #tpu.memory_space<semaphore_mem>>) {add = true}
        %dma_wait3A_1412 = arith.constant 0 : i32
        %dma_wait3A_1413 = tpu.memref_slice %arg8[%add3A_1405, %dma_wait3A_1412] : memref<50x128xi32, #tpu.memory_space<vmem>> -> memref<1x128xi32, #tpu.memory_space<vmem>>
        %dma_wait3A_1414 = tpu.memref_squeeze %dma_wait3A_1413 : memref<1x128xi32, #tpu.memory_space<vmem>> -> memref<128xi32, #tpu.memory_space<vmem>>
        %dma_wait3A_1415 = arith.constant 0 : i32
        %dma_wait3A_1416 = arith.constant 0 : i32
        %dma_wait3A_1417 = tpu.memref_slice %arg12[%dma_wait3A_1415, %dma_wait3A_1416] : memref<4096x64xf32, #tpu.memory_space<vmem_shared>> -> memref<4096x64xf32, #tpu.memory_space<vmem_shared>>
        tpu.wait_indirect_dma semaphore(%run_scoped3A : memref<!tpu.dma_semaphore, #tpu.memory_space<semaphore_mem>>) src(%arg10 : memref<128x64xf32, #tpu.memory_space<vmem>>) dst(%dma_wait3A_1417 : memref<4096x64xf32, #tpu.memory_space<vmem_shared>>)
        tpu.yield
      }) : () -> ()
    }
    %scan3A_25 = arith.constant 25 : i32
    %barrier3A_26 = arith.constant 0 : index
    tpu.barrier barrier_id(%barrier3A_26)
    %mul3A_27 = arith.constant 256 : i32
    %mul3A_28 = arith.muli %arg1, %mul3A_27 : i32
    "tpu.region"() ({
      %run_scoped3A = tpu.sem_alloc : memref<!tpu.dma_semaphore, #tpu.memory_space<semaphore_mem>>
      %dma_start3A_34 = arith.constant 0 : i32
      %dma_start3A_35 = tpu.memref_slice %arg12[%mul3A_28, %dma_start3A_34] : memref<4096x64xf32, #tpu.memory_space<vmem_shared>> -> memref<256x64xf32, #tpu.memory_space<vmem_shared>>
      %dma_start3A_36 = arith.constant 0 : i32
      %dma_start3A_37 = tpu.memref_slice %arg12[%mul3A_28, %dma_start3A_36] : memref<4096x64xf32, #tpu.memory_space<vmem_shared>> -> memref<256x64xf32, #tpu.memory_space<vmem_shared>>
      tpu.enqueue_dma source(%dma_start3A_37 : memref<256x64xf32, #tpu.memory_space<vmem_shared>>) target(%arg11 : memref<256x64xf32, #tpu.memory_space<vmem>>) target_semaphore(%run_scoped3A : memref<!tpu.dma_semaphore, #tpu.memory_space<semaphore_mem>>)
      %dma_wait3A_38 = arith.constant 0 : i32
      %dma_wait3A_39 = tpu.memref_slice %arg12[%mul3A_28, %dma_wait3A_38] : memref<4096x64xf32, #tpu.memory_space<vmem_shared>> -> memref<256x64xf32, #tpu.memory_space<vmem_shared>>
      %dma_wait3A_40 = arith.constant 0 : i32
      %dma_wait3A_41 = tpu.memref_slice %arg12[%mul3A_28, %dma_wait3A_40] : memref<4096x64xf32, #tpu.memory_space<vmem_shared>> -> memref<256x64xf32, #tpu.memory_space<vmem_shared>>
      tpu.wait_dma2 semaphore(%run_scoped3A : memref<!tpu.dma_semaphore, #tpu.memory_space<semaphore_mem>>) src(%dma_wait3A_41 : memref<256x64xf32, #tpu.memory_space<vmem_shared>>) dst(%arg11 : memref<256x64xf32, #tpu.memory_space<vmem>>)
      tpu.yield
    }) : () -> ()
    %mul3A_29 = arith.constant 4096 : i32
    %mul3A_30 = arith.muli %arg0, %mul3A_29 : i32
    %mul3A_31 = arith.constant 256 : i32
    %mul3A_32 = arith.muli %arg1, %mul3A_31 : i32
    %add3A_33 = arith.addi %mul3A_30, %mul3A_32 : i32
    "tpu.region"() ({
      %run_scoped3A = tpu.sem_alloc : memref<!tpu.dma_semaphore, #tpu.memory_space<semaphore_mem>>
      %dma_start3A_34 = arith.constant 0 : i32
      %dma_start3A_35 = tpu.memref_slice %arg5[%add3A_33, %dma_start3A_34] : memref<8192x64xf32, #tpu.memory_space<hbm>> -> memref<256x64xf32, #tpu.memory_space<hbm>>
      %dma_start3A_36 = arith.constant 0 : i32
      %dma_start3A_37 = tpu.memref_slice %arg5[%add3A_33, %dma_start3A_36] : memref<8192x64xf32, #tpu.memory_space<hbm>> -> memref<256x64xf32, #tpu.memory_space<hbm>>
      tpu.enqueue_dma source(%arg11 : memref<256x64xf32, #tpu.memory_space<vmem>>) target(%dma_start3A_37 : memref<256x64xf32, #tpu.memory_space<hbm>>) target_semaphore(%run_scoped3A : memref<!tpu.dma_semaphore, #tpu.memory_space<semaphore_mem>>)
      %dma_wait3A_38 = arith.constant 0 : i32
      %dma_wait3A_39 = tpu.memref_slice %arg5[%add3A_33, %dma_wait3A_38] : memref<8192x64xf32, #tpu.memory_space<hbm>> -> memref<256x64xf32, #tpu.memory_space<hbm>>
      %dma_wait3A_40 = arith.constant 0 : i32
      %dma_wait3A_41 = tpu.memref_slice %arg5[%add3A_33, %dma_wait3A_40] : memref<8192x64xf32, #tpu.memory_space<hbm>> -> memref<256x64xf32, #tpu.memory_space<hbm>>
      tpu.wait_dma2 semaphore(%run_scoped3A : memref<!tpu.dma_semaphore, #tpu.memory_space<semaphore_mem>>) src(%arg11 : memref<256x64xf32, #tpu.memory_space<vmem>>) dst(%dma_wait3A_41 : memref<256x64xf32, #tpu.memory_space<hbm>>)
      tpu.yield
    }) : () -> ()
    return
  }
}

module attributes {stable_mosaic.version = 14 : i64} {
  func.func @_tower_body(%arg0: i32, %arg1: memref<512x64xf32, #tpu.memory_space<vmem>>, %arg2: memref<512x64xf32, #tpu.memory_space<vmem>>, %arg3: memref<512x1xi32, #tpu.memory_space<vmem>>, %arg4: memref<512x1xi32, #tpu.memory_space<vmem>>, %arg5: memref<64x512xf32, #tpu.memory_space<vmem>>, %arg6: memref<1x512xf32, #tpu.memory_space<vmem>>, %arg7: memref<1x512xf32, #tpu.memory_space<vmem>>, %arg8: memref<1x512xf32, #tpu.memory_space<vmem>>, %arg9: memref<512x256xf32, #tpu.memory_space<vmem>>, %arg10: memref<1x256xf32, #tpu.memory_space<vmem>>, %arg11: memref<1x256xf32, #tpu.memory_space<vmem>>, %arg12: memref<1x256xf32, #tpu.memory_space<vmem>>, %arg13: memref<256x128xf32, #tpu.memory_space<vmem>>, %arg14: memref<1x128xf32, #tpu.memory_space<vmem>>, %arg15: memref<512x128xf32, #tpu.memory_space<vmem>>) attributes {dimension_semantics = [#tpu.dimension_semantics<arbitrary>], iteration_bounds = array<i64: 8>, scalar_prefetch = 0 : i64, scratch_operands = 0 : i64, tpu.core_type = #tpu.core_type<tc>, window_params = [{transform_indices = @transform_0, window_bounds = array<i64: 512, 64>}, {transform_indices = @transform_1, window_bounds = array<i64: 512, 64>}, {transform_indices = @transform_2, window_bounds = array<i64: 512, 1>}, {transform_indices = @transform_3, window_bounds = array<i64: 512, 1>}, {pipeline_mode = #tpu.pipeline_mode<synchronous>, transform_indices = @transform_4, window_bounds = array<i64: 64, 512>}, {pipeline_mode = #tpu.pipeline_mode<synchronous>, transform_indices = @transform_5, window_bounds = array<i64: 1, 512>}, {pipeline_mode = #tpu.pipeline_mode<synchronous>, transform_indices = @transform_6, window_bounds = array<i64: 1, 512>}, {pipeline_mode = #tpu.pipeline_mode<synchronous>, transform_indices = @transform_7, window_bounds = array<i64: 1, 512>}, {pipeline_mode = #tpu.pipeline_mode<synchronous>, transform_indices = @transform_8, window_bounds = array<i64: 512, 256>}, {pipeline_mode = #tpu.pipeline_mode<synchronous>, transform_indices = @transform_9, window_bounds = array<i64: 1, 256>}, {pipeline_mode = #tpu.pipeline_mode<synchronous>, transform_indices = @transform_10, window_bounds = array<i64: 1, 256>}, {pipeline_mode = #tpu.pipeline_mode<synchronous>, transform_indices = @transform_11, window_bounds = array<i64: 1, 256>}, {pipeline_mode = #tpu.pipeline_mode<synchronous>, transform_indices = @transform_12, window_bounds = array<i64: 256, 128>}, {pipeline_mode = #tpu.pipeline_mode<synchronous>, transform_indices = @transform_13, window_bounds = array<i64: 1, 128>}, {transform_indices = @transform_14, window_bounds = array<i64: 512, 128>}]} {
    %get3A = arith.constant 0 : index
    %get3A_0 = arith.constant 0 : index
    %get3A_1 = vector.load %arg4[%get3A, %get3A_0] : memref<512x1xi32, #tpu.memory_space<vmem>>, vector<512x1xi32>
    %get3A_2 = arith.constant 0 : index
    %get3A_3 = arith.constant 0 : index
    %get3A_4 = vector.load %arg3[%get3A_2, %get3A_3] : memref<512x1xi32, #tpu.memory_space<vmem>>, vector<512x1xi32>
    %sub3A = arith.subi %get3A_1, %get3A_4 : vector<512x1xi32>
    %convert_element_type3A = arith.sitofp %sub3A : vector<512x1xi32> to vector<512x1xf32>
    %max3A = arith.constant 1.000000e+00 : f32
    %max3A_5 = vector.broadcast %max3A : f32 to vector<512x1xf32>
    %max3A_6 = arith.maximumf %convert_element_type3A, %max3A_5 : vector<512x1xf32>
    %div3A = arith.constant 1.000000e+00 : f32
    %div3A_7 = vector.broadcast %div3A : f32 to vector<512x1xf32>
    %div3A_8 = arith.divf %div3A_7, %max3A_6 : vector<512x1xf32>
    %get3A_9 = arith.constant 0 : index
    %get3A_10 = arith.constant 0 : index
    %get3A_11 = vector.load %arg1[%get3A_9, %get3A_10] : memref<512x64xf32, #tpu.memory_space<vmem>>, vector<512x64xf32>
    %get3A_12 = arith.constant 0 : index
    %get3A_13 = arith.constant 0 : index
    %get3A_14 = vector.load %arg2[%get3A_12, %get3A_13] : memref<512x64xf32, #tpu.memory_space<vmem>>, vector<512x64xf32>
    %add3A = arith.addf %get3A_11, %get3A_14 : vector<512x64xf32>
    %mul3A = vector.broadcast %div3A_8 : vector<512x1xf32> to vector<512x64xf32>
    %mul3A_15 = arith.mulf %add3A, %mul3A : vector<512x64xf32>
    %get3A_16 = arith.constant 0 : index
    %get3A_17 = arith.constant 0 : index
    %get3A_18 = vector.load %arg5[%get3A_16, %get3A_17] : memref<64x512xf32, #tpu.memory_space<vmem>>, vector<64x512xf32>
    %dot_general3A = arith.constant dense<0.000000e+00> : vector<512x512xf32>
    %dot_general3A_19 = tpu.matmul %mul3A_15, %get3A_18, %dot_general3A {dimension_numbers = #tpu.dot_dimension_numbers<[1], [0], [0], [1], [0, 0, 1, 1], [], []>, transpose_lhs_hint = false} : vector<512x64xf32>, vector<64x512xf32>, vector<512x512xf32> -> vector<512x512xf32>
    %get3A_20 = arith.constant 0 : index
    %get3A_21 = arith.constant 0 : index
    %get3A_22 = vector.load %arg6[%get3A_20, %get3A_21] : memref<1x512xf32, #tpu.memory_space<vmem>>, vector<1x512xf32>
    %add3A_23 = vector.broadcast %get3A_22 : vector<1x512xf32> to vector<512x512xf32>
    %add3A_24 = arith.addf %dot_general3A_19, %add3A_23 : vector<512x512xf32>
    %get3A_25 = arith.constant 0 : index
    %get3A_26 = arith.constant 0 : index
    %get3A_27 = vector.load %arg7[%get3A_25, %get3A_26] : memref<1x512xf32, #tpu.memory_space<vmem>>, vector<1x512xf32>
    %get3A_28 = arith.constant 0 : index
    %get3A_29 = arith.constant 0 : index
    %get3A_30 = vector.load %arg8[%get3A_28, %get3A_29] : memref<1x512xf32, #tpu.memory_space<vmem>>, vector<1x512xf32>
    %reduce_sum3A = arith.constant dense<0.000000e+00> : vector<512xf32>
    %reduce_sum3A_31 = vector.multi_reduction <add>, %add3A_24, %reduce_sum3A [1] : vector<512x512xf32> to vector<512xf32>
    %broadcast_in_dim3A = vector.shape_cast %reduce_sum3A_31 : vector<512xf32> to vector<512x1xf32>
    %div3A_32 = arith.constant 5.120000e+02 : f32
    %div3A_33 = vector.broadcast %div3A_32 : f32 to vector<512x1xf32>
    %div3A_34 = arith.divf %broadcast_in_dim3A, %div3A_33 : vector<512x1xf32>
    %jit3A = arith.constant 0 : i32
    %reduce_sum3A_35 = arith.constant dense<0.000000e+00> : vector<512xf32>
    %reduce_sum3A_36 = vector.multi_reduction <add>, %add3A_24, %reduce_sum3A_35 [1] : vector<512x512xf32> to vector<512xf32>
    %broadcast_in_dim3A_37 = vector.shape_cast %reduce_sum3A_36 : vector<512xf32> to vector<512x1xf32>
    %div3A_38 = arith.constant 5.120000e+02 : f32
    %div3A_39 = vector.broadcast %div3A_38 : f32 to vector<512x1xf32>
    %div3A_40 = arith.divf %broadcast_in_dim3A_37, %div3A_39 : vector<512x1xf32>
    %sub3A_41 = vector.broadcast %div3A_40 : vector<512x1xf32> to vector<512x512xf32>
    %sub3A_42 = arith.subf %add3A_24, %sub3A_41 : vector<512x512xf32>
    %square3A = arith.mulf %sub3A_42, %sub3A_42 : vector<512x512xf32>
    %convert_element_type3A_43 = arith.sitofp %jit3A : i32 to f32
    %sub3A_44 = arith.constant 5.120000e+02 : f32
    %sub3A_45 = arith.subf %sub3A_44, %convert_element_type3A_43 : f32
    %reduce_sum3A_46 = arith.constant dense<0.000000e+00> : vector<512xf32>
    %reduce_sum3A_47 = vector.multi_reduction <add>, %square3A, %reduce_sum3A_46 [1] : vector<512x512xf32> to vector<512xf32>
    %broadcast_in_dim3A_48 = vector.shape_cast %reduce_sum3A_47 : vector<512xf32> to vector<512x1xf32>
    %div3A_49 = vector.broadcast %sub3A_45 : f32 to vector<512x1xf32>
    %div3A_50 = arith.divf %broadcast_in_dim3A_48, %div3A_49 : vector<512x1xf32>
    %gt3A = arith.constant 0.000000e+00 : f32
    %gt3A_51 = arith.cmpf ogt, %sub3A_45, %gt3A : f32
    %jit3A_52 = arith.constant 0x7FC00000 : f32
    %broadcast_in_dim3A_53 = vector.broadcast %jit3A_52 : f32 to vector<512x1xf32>
    %select_n3A = arith.select %gt3A_51, %div3A_50, %broadcast_in_dim3A_53 : vector<512x1xf32>
    %sub3A_54 = vector.broadcast %div3A_34 : vector<512x1xf32> to vector<512x512xf32>
    %sub3A_55 = arith.subf %add3A_24, %sub3A_54 : vector<512x512xf32>
    %add3A_56 = arith.constant 9.99999974E-6 : f32
    %add3A_57 = vector.broadcast %add3A_56 : f32 to vector<512x1xf32>
    %add3A_58 = arith.addf %select_n3A, %add3A_57 : vector<512x1xf32>
    %sqrt3A = math.sqrt %add3A_58 : vector<512x1xf32>
    %div3A_59 = vector.broadcast %sqrt3A : vector<512x1xf32> to vector<512x512xf32>
    %div3A_60 = arith.divf %sub3A_55, %div3A_59 : vector<512x512xf32>
    %mul3A_61 = vector.broadcast %get3A_27 : vector<1x512xf32> to vector<512x512xf32>
    %mul3A_62 = arith.mulf %div3A_60, %mul3A_61 : vector<512x512xf32>
    %add3A_63 = vector.broadcast %get3A_30 : vector<1x512xf32> to vector<512x512xf32>
    %add3A_64 = arith.addf %mul3A_62, %add3A_63 : vector<512x512xf32>
    %max3A_65 = arith.constant 0.000000e+00 : f32
    %max3A_66 = vector.broadcast %max3A_65 : f32 to vector<512x512xf32>
    %max3A_67 = arith.maximumf %add3A_64, %max3A_66 : vector<512x512xf32>
    %get3A_68 = arith.constant 0 : index
    %get3A_69 = arith.constant 0 : index
    %get3A_70 = vector.load %arg9[%get3A_68, %get3A_69] : memref<512x256xf32, #tpu.memory_space<vmem>>, vector<512x256xf32>
    %dot_general3A_71 = arith.constant dense<0.000000e+00> : vector<512x256xf32>
    %dot_general3A_72 = tpu.matmul %max3A_67, %get3A_70, %dot_general3A_71 {dimension_numbers = #tpu.dot_dimension_numbers<[1], [0], [0], [1], [0, 0, 1, 1], [], []>, transpose_lhs_hint = false} : vector<512x512xf32>, vector<512x256xf32>, vector<512x256xf32> -> vector<512x256xf32>
    %get3A_73 = arith.constant 0 : index
    %get3A_74 = arith.constant 0 : index
    %get3A_75 = vector.load %arg10[%get3A_73, %get3A_74] : memref<1x256xf32, #tpu.memory_space<vmem>>, vector<1x256xf32>
    %add3A_76 = vector.broadcast %get3A_75 : vector<1x256xf32> to vector<512x256xf32>
    %add3A_77 = arith.addf %dot_general3A_72, %add3A_76 : vector<512x256xf32>
    %get3A_78 = arith.constant 0 : index
    %get3A_79 = arith.constant 0 : index
    %get3A_80 = vector.load %arg11[%get3A_78, %get3A_79] : memref<1x256xf32, #tpu.memory_space<vmem>>, vector<1x256xf32>
    %get3A_81 = arith.constant 0 : index
    %get3A_82 = arith.constant 0 : index
    %get3A_83 = vector.load %arg12[%get3A_81, %get3A_82] : memref<1x256xf32, #tpu.memory_space<vmem>>, vector<1x256xf32>
    %reduce_sum3A_84 = arith.constant dense<0.000000e+00> : vector<512xf32>
    %reduce_sum3A_85 = vector.multi_reduction <add>, %add3A_77, %reduce_sum3A_84 [1] : vector<512x256xf32> to vector<512xf32>
    %broadcast_in_dim3A_86 = vector.shape_cast %reduce_sum3A_85 : vector<512xf32> to vector<512x1xf32>
    %div3A_87 = arith.constant 2.560000e+02 : f32
    %div3A_88 = vector.broadcast %div3A_87 : f32 to vector<512x1xf32>
    %div3A_89 = arith.divf %broadcast_in_dim3A_86, %div3A_88 : vector<512x1xf32>
    %jit3A_90 = arith.constant 0 : i32
    %reduce_sum3A_91 = arith.constant dense<0.000000e+00> : vector<512xf32>
    %reduce_sum3A_92 = vector.multi_reduction <add>, %add3A_77, %reduce_sum3A_91 [1] : vector<512x256xf32> to vector<512xf32>
    %broadcast_in_dim3A_93 = vector.shape_cast %reduce_sum3A_92 : vector<512xf32> to vector<512x1xf32>
    %div3A_94 = arith.constant 2.560000e+02 : f32
    %div3A_95 = vector.broadcast %div3A_94 : f32 to vector<512x1xf32>
    %div3A_96 = arith.divf %broadcast_in_dim3A_93, %div3A_95 : vector<512x1xf32>
    %sub3A_97 = vector.broadcast %div3A_96 : vector<512x1xf32> to vector<512x256xf32>
    %sub3A_98 = arith.subf %add3A_77, %sub3A_97 : vector<512x256xf32>
    %square3A_99 = arith.mulf %sub3A_98, %sub3A_98 : vector<512x256xf32>
    %convert_element_type3A_100 = arith.sitofp %jit3A_90 : i32 to f32
    %sub3A_101 = arith.constant 2.560000e+02 : f32
    %sub3A_102 = arith.subf %sub3A_101, %convert_element_type3A_100 : f32
    %reduce_sum3A_103 = arith.constant dense<0.000000e+00> : vector<512xf32>
    %reduce_sum3A_104 = vector.multi_reduction <add>, %square3A_99, %reduce_sum3A_103 [1] : vector<512x256xf32> to vector<512xf32>
    %broadcast_in_dim3A_105 = vector.shape_cast %reduce_sum3A_104 : vector<512xf32> to vector<512x1xf32>
    %div3A_106 = vector.broadcast %sub3A_102 : f32 to vector<512x1xf32>
    %div3A_107 = arith.divf %broadcast_in_dim3A_105, %div3A_106 : vector<512x1xf32>
    %gt3A_108 = arith.constant 0.000000e+00 : f32
    %gt3A_109 = arith.cmpf ogt, %sub3A_102, %gt3A_108 : f32
    %jit3A_110 = arith.constant 0x7FC00000 : f32
    %broadcast_in_dim3A_111 = vector.broadcast %jit3A_110 : f32 to vector<512x1xf32>
    %select_n3A_112 = arith.select %gt3A_109, %div3A_107, %broadcast_in_dim3A_111 : vector<512x1xf32>
    %sub3A_113 = vector.broadcast %div3A_89 : vector<512x1xf32> to vector<512x256xf32>
    %sub3A_114 = arith.subf %add3A_77, %sub3A_113 : vector<512x256xf32>
    %add3A_115 = arith.constant 9.99999974E-6 : f32
    %add3A_116 = vector.broadcast %add3A_115 : f32 to vector<512x1xf32>
    %add3A_117 = arith.addf %select_n3A_112, %add3A_116 : vector<512x1xf32>
    %sqrt3A_118 = math.sqrt %add3A_117 : vector<512x1xf32>
    %div3A_119 = vector.broadcast %sqrt3A_118 : vector<512x1xf32> to vector<512x256xf32>
    %div3A_120 = arith.divf %sub3A_114, %div3A_119 : vector<512x256xf32>
    %mul3A_121 = vector.broadcast %get3A_80 : vector<1x256xf32> to vector<512x256xf32>
    %mul3A_122 = arith.mulf %div3A_120, %mul3A_121 : vector<512x256xf32>
    %add3A_123 = vector.broadcast %get3A_83 : vector<1x256xf32> to vector<512x256xf32>
    %add3A_124 = arith.addf %mul3A_122, %add3A_123 : vector<512x256xf32>
    %max3A_125 = arith.constant 0.000000e+00 : f32
    %max3A_126 = vector.broadcast %max3A_125 : f32 to vector<512x256xf32>
    %max3A_127 = arith.maximumf %add3A_124, %max3A_126 : vector<512x256xf32>
    %get3A_128 = arith.constant 0 : index
    %get3A_129 = arith.constant 0 : index
    %get3A_130 = vector.load %arg13[%get3A_128, %get3A_129] : memref<256x128xf32, #tpu.memory_space<vmem>>, vector<256x128xf32>
    %dot_general3A_131 = arith.constant dense<0.000000e+00> : vector<512x128xf32>
    %dot_general3A_132 = tpu.matmul %max3A_127, %get3A_130, %dot_general3A_131 {dimension_numbers = #tpu.dot_dimension_numbers<[1], [0], [0], [1], [0, 0, 1, 1], [], []>, transpose_lhs_hint = false} : vector<512x256xf32>, vector<256x128xf32>, vector<512x128xf32> -> vector<512x128xf32>
    %get3A_133 = arith.constant 0 : index
    %get3A_134 = arith.constant 0 : index
    %get3A_135 = vector.load %arg14[%get3A_133, %get3A_134] : memref<1x128xf32, #tpu.memory_space<vmem>>, vector<1x128xf32>
    %add3A_136 = vector.broadcast %get3A_135 : vector<1x128xf32> to vector<512x128xf32>
    %add3A_137 = arith.addf %dot_general3A_132, %add3A_136 : vector<512x128xf32>
    %swap3A = arith.constant 0 : index
    %swap3A_138 = arith.constant 0 : index
    %swap3A_139 = vector.load %arg15[%swap3A, %swap3A_138] : memref<512x128xf32, #tpu.memory_space<vmem>>, vector<512x128xf32>
    tpu.vector_store %arg15[%swap3A, %swap3A_138], %add3A_137 {strides = array<i32>} : memref<512x128xf32, #tpu.memory_space<vmem>>, vector<512x128xf32>,
    return
  }
  func.func @transform_0(%arg0: i32) -> (i32, i32) {
    %c0_i32 = arith.constant 0 : i32
    %c0_i32_0 = arith.constant 0 : i32
    return %arg0, %c0_i32 : i32, i32
  }
  func.func @transform_1(%arg0: i32) -> (i32, i32) {
    %c0_i32 = arith.constant 0 : i32
    %c0_i32_0 = arith.constant 0 : i32
    return %arg0, %c0_i32 : i32, i32
  }
  func.func @transform_2(%arg0: i32) -> (i32, i32) {
    %c0_i32 = arith.constant 0 : i32
    %c0_i32_0 = arith.constant 0 : i32
    return %arg0, %c0_i32 : i32, i32
  }
  func.func @transform_3(%arg0: i32) -> (i32, i32) {
    %c0_i32 = arith.constant 0 : i32
    %c0_i32_0 = arith.constant 0 : i32
    return %arg0, %c0_i32 : i32, i32
  }
  func.func @transform_4(%arg0: i32) -> (i32, i32) {
    %c0_i32 = arith.constant 0 : i32
    %c0_i32_0 = arith.constant 0 : i32
    %c0_i32_1 = arith.constant 0 : i32
    return %c0_i32, %c0_i32_0 : i32, i32
  }
  func.func @transform_5(%arg0: i32) -> (i32, i32) {
    %c0_i32 = arith.constant 0 : i32
    %c0_i32_0 = arith.constant 0 : i32
    %c0_i32_1 = arith.constant 0 : i32
    return %c0_i32, %c0_i32_0 : i32, i32
  }
  func.func @transform_6(%arg0: i32) -> (i32, i32) {
    %c0_i32 = arith.constant 0 : i32
    %c0_i32_0 = arith.constant 0 : i32
    %c0_i32_1 = arith.constant 0 : i32
    return %c0_i32, %c0_i32_0 : i32, i32
  }
  func.func @transform_7(%arg0: i32) -> (i32, i32) {
    %c0_i32 = arith.constant 0 : i32
    %c0_i32_0 = arith.constant 0 : i32
    %c0_i32_1 = arith.constant 0 : i32
    return %c0_i32, %c0_i32_0 : i32, i32
  }
  func.func @transform_8(%arg0: i32) -> (i32, i32) {
    %c0_i32 = arith.constant 0 : i32
    %c0_i32_0 = arith.constant 0 : i32
    %c0_i32_1 = arith.constant 0 : i32
    return %c0_i32, %c0_i32_0 : i32, i32
  }
  func.func @transform_9(%arg0: i32) -> (i32, i32) {
    %c0_i32 = arith.constant 0 : i32
    %c0_i32_0 = arith.constant 0 : i32
    %c0_i32_1 = arith.constant 0 : i32
    return %c0_i32, %c0_i32_0 : i32, i32
  }
  func.func @transform_10(%arg0: i32) -> (i32, i32) {
    %c0_i32 = arith.constant 0 : i32
    %c0_i32_0 = arith.constant 0 : i32
    %c0_i32_1 = arith.constant 0 : i32
    return %c0_i32, %c0_i32_0 : i32, i32
  }
  func.func @transform_11(%arg0: i32) -> (i32, i32) {
    %c0_i32 = arith.constant 0 : i32
    %c0_i32_0 = arith.constant 0 : i32
    %c0_i32_1 = arith.constant 0 : i32
    return %c0_i32, %c0_i32_0 : i32, i32
  }
  func.func @transform_12(%arg0: i32) -> (i32, i32) {
    %c0_i32 = arith.constant 0 : i32
    %c0_i32_0 = arith.constant 0 : i32
    %c0_i32_1 = arith.constant 0 : i32
    return %c0_i32, %c0_i32_0 : i32, i32
  }
  func.func @transform_13(%arg0: i32) -> (i32, i32) {
    %c0_i32 = arith.constant 0 : i32
    %c0_i32_0 = arith.constant 0 : i32
    %c0_i32_1 = arith.constant 0 : i32
    return %c0_i32, %c0_i32_0 : i32, i32
  }
  func.func @transform_14(%arg0: i32) -> (i32, i32) {
    %c0_i32 = arith.constant 0 : i32
    %c0_i32_0 = arith.constant 0 : i32
    return %arg0, %c0_i32 : i32, i32
  }
}

</mosaic_0001>

<sc_bundles>
// kernel: kernel.4.cloned.1.call-start
scs
__scs_entry_jumppad:
0x0: {  	(pc) =	sbr.rel $0x88, $3  }
0x1: {  	(tag) =	ssettag $0x0;
	lr =	simm.s32 $0x1  }
0x2: {  	[smem:$0x3F94] =	sst lr;
	_ =	strace $0xD0000000  }
0x3: {  	_ = 	snop  }
0x4: {  	_ = 	snop  }
0x5: {  	_ = 	snop  }
0x6: {  	_ = 	snop  }
0x7: {  	_ = 	snop  }
__scs_overlays_trampoline_lowered:
0x8: {  	[smem:$0x3FA3] =	sst s0  }
0x9: {  	[smem:$0x3FA4] =	sst s1  }
0xa: {  	[smem:$0x3FA5] =	sst s2  }
0xb: {  	[smem:$0x3FA6] =	sst s3  }
0xc: {  	[smem:$0x3FA7] =	sst s4  }
0xd: {  	[smem:$0x3FA8] =	sst s5  }
0xe: {  	[smem:$0x3FA9] =	sst s6  }
0xf: {  	[smem:$0x3FAA] =	sst s7  }
0x10: {  	[smem:$0x3FAB] =	sst s8  }
0x11: {  	[smem:$0x3FAC] =	sst s9;
	s0 =	simm.s32 @!p0 $0x0  }
0x12: {  	s1 =	sld [smem:$0x3F92];
	s0 =	simm.s32 @p0 $0x1  }
0x13: {  	[smem:$0x3FAD] =	sst s0;
	s0 =	simm.s32 @!p1 $0x0  }
0x14: {  	s2 =	sld [smem:$0x3F91];
	s0 =	simm.s32 @p1 $0x1  }
0x15: {  	[smem:$0x3FAE] =	sst s0;
	s0 =	simm.s32 @!p2 $0x0  }
0x16: {  	s3 =	sld [smem:$0x3FDB];
	s0 =	simm.s32 @p2 $0x1  }
0x17: {  	s4 =	simm.s32 $0x1BF5;
	[smem:$0x3FB0] =	sst s0  }
0x18: {  	s0 =	sld [smem:$0x3F93];
	_ =	swait.ge [sflag:s4], $0x0  }
0x19: {  	s7 =	sld [smem:$0x3F94]  }
0x1a: {  	s8 =	sadd.s32 $0xFFFFE003, lr  }
0x1b: {  	s9 =	sadd.s32 $0xFFFFFEF7, lr;
	s5 =	simm.s32 $0xFFFFFFFF;
	p2 =	slt.u32 s8, $0xFFFFF086  }
0x1c: {  	p1 =	slt.u32 s9, $0xF7A;
	s5 =	simm.s32 @!p2 $0x0  }
0x1d: {  	s5 =	simm.s32 @p1 $0x1;
	p0 =	seq.s32 s7, s2  }
0x1e: {  	s7 =	smul.u32 @!p0 $0xF7A, s2;
	p2 =	seq.s32 @!p0 s5, $0x0  }
0x1f: {  	s9 =	smul.u32 $0xF7A, s1;
	s8 =	simm.s32 @!p0 $0x1BF5;
	p2 =	por !p2, p0  }
0x20: {  	[sflag:s8] =	ssyncset.s32 @!p0 $0xFFFFF086;
	s6 =	sadd.s32 @!p0 s3, s7;
	s7 =	simm.s32 @!p0 $0x108  }
0x21: {  	s3 =	sadd.s32 s3, s9;
	s6 =	sadd.s32 @!p0 $0x88, s6;
	s7 =	simm.s32 @p2 $0x1082  }
0x22: {  	[simem:s7], [sflag:s8] =	dma.local @!p0 [hbm:s6], $0xF7A  }
0x23: {  	s9 =	sor.u32 $0xD0000000, s2;
	s6 =	simm.s32 $0x108;
	_ =	swait.ge @!p0 [sflag:s8], $0x0  }
0x24: {  	s3 =	sadd.s32 $0x88, s3;
	s6 =	simm.s32 @!p1 $0x1082;
	[sflag:s4] =	ssyncset.s32 $0xFFFFF086  }
0x25: {  	[simem:s6], [sflag:s4] =	dma.local [hbm:s3], $0xF7A  }
0x26: {  	[smem:$0x3F94] =	sst s1;
	(tag) =	ssettag s2;
	_ =	strace s9  }
0x27: {  	s1 =	sld [smem:$0x3FA4]  }
0x28: {  	s2 =	sld [smem:$0x3FA5]  }
0x29: {  	s4 =	sld [smem:$0x3FA7]  }
0x2a: {  	p0 =	seq.s32 s5, $0x0;
	s5 =	sld [smem:$0x3FA8]  }
0x2b: {  	s6 =	sld [smem:$0x3FA9]  }
0x2c: {  	s7 =	sld [smem:$0x3FAA]  }
0x2d: {  	s3 =	simm.s32 $0x108;
	s8 =	sld [smem:$0x3FAB]  }
0x2e: {  	s3 =	simm.s32 @!p0 $0x1082;
	s9 =	sld [smem:$0x3FAC]  }
0x2f: {  	lr =	sadd.s32 s0, s3;
	s0 =	sld [smem:$0x3FA3]  }
0x30: {  	s3 =	sld [smem:$0x3FA6]  }
0x31: {  	[smem:$0x3FAF] =	sst s10  }
0x32: {  	s10 =	sld [smem:$0x3FAD];
	_ =	sdelay $0x3  }
0x33: {  	p0 =	seq.s32 s10, $0x1;
	s10 =	sld [smem:$0x3FAF];
	_ =	sdelay $0x3  }
0x34: {  	[smem:$0x3FAF] =	sst s10  }
0x35: {  	s10 =	sld [smem:$0x3FAE];
	_ =	sdelay $0x3  }
0x36: {  	p1 =	seq.s32 s10, $0x1;
	s10 =	sld [smem:$0x3FAF];
	_ =	sdelay $0x3  }
0x37: {  	[smem:$0x3FAF] =	sst s10  }
0x38: {  	s10 =	sld [smem:$0x3FB0]  }
0x39: {  	_ = 	snop;
	(pc) =	sbr.ind lr, $3  }
0x3a: {  	_ = 	snop  }
0x3b: {  	_ = 	snop  }
0x3c: {  	p2 =	seq.s32 s10, $0x1;
	s10 =	sld [smem:$0x3FAF]  }
0x3d: {  	_ =	shalt  }
0x3e: {  	_ =	shalt  }
0x3f: {  	_ =	shalt  }
0x40: {  	_ =	shalt  }
0x41: {  	_ =	shalt  }
0x42: {  	_ =	shalt  }
0x43: {  	_ =	shalt  }
0x44: {  	_ =	shalt  }
0x45: {  	_ =	shalt  }
0x46: {  	_ =	shalt  }
0x47: {  	_ =	shalt  }
0x48: {  	_ =	shalt  }
0x49: {  	_ =	shalt  }
0x4a: {  	_ =	shalt  }
0x4b: {  	_ =	shalt  }
0x4c: {  	_ =	shalt  }
0x4d: {  	_ =	shalt  }
0x4e: {  	_ =	shalt  }
0x4f: {  	_ =	shalt  }
0x50: {  	_ =	shalt  }
0x51: {  	_ =	shalt  }
0x52: {  	_ =	shalt  }
0x53: {  	_ =	shalt  }
0x54: {  	_ =	shalt  }
0x55: {  	_ =	shalt  }
0x56: {  	_ =	shalt  }
0x57: {  	_ =	shalt  }
0x58: {  	_ =	shalt  }
0x59: {  	_ =	shalt  }
0x5a: {  	_ =	shalt  }
0x5b: {  	_ =	shalt  }
0x5c: {  	_ =	shalt  }
0x5d: {  	_ =	shalt  }
0x5e: {  	_ =	shalt  }
0x5f: {  	_ =	shalt  }
0x60: {  	_ =	shalt  }
0x61: {  	_ =	shalt  }
0x62: {  	_ =	shalt  }
0x63: {  	_ =	shalt  }
0x64: {  	_ =	shalt  }
0x65: {  	_ =	shalt  }
0x66: {  	_ =	shalt  }
0x67: {  	_ =	shalt  }
0x68: {  	_ =	shalt  }
0x69: {  	_ =	shalt  }
0x6a: {  	_ =	shalt  }
0x6b: {  	_ =	shalt  }
0x6c: {  	_ =	shalt  }
0x6d: {  	_ =	shalt  }
0x6e: {  	_ =	shalt  }
0x6f: {  	_ =	shalt  }
0x70: {  	_ =	shalt  }
0x71: {  	_ =	shalt  }
0x72: {  	_ =	shalt  }
0x73: {  	_ =	shalt  }
0x74: {  	_ =	shalt  }
0x75: {  	_ =	shalt  }
0x76: {  	_ =	shalt  }
0x77: {  	_ =	shalt  }
0x78: {  	_ =	shalt  }
0x79: {  	_ =	shalt  }
0x7a: {  	_ =	shalt  }
0x7b: {  	_ =	shalt  }
0x7c: {  	_ =	shalt  }
0x7d: {  	_ =	shalt  }
0x7e: {  	_ =	shalt  }
0x7f: {  	_ =	shalt  }
0x80: {  	_ =	shalt  }
0x81: {  	_ =	shalt  }
0x82: {  	_ =	shalt  }
0x83: {  	_ =	shalt  }
0x84: {  	_ =	shalt  }
0x85: {  	_ =	shalt  }
0x86: {  	_ =	shalt  }
0x87: {  	_ =	shalt  }
.Lfunc_end0:
.L_simem_size_0:
called_computation_lowered:
.L_overlay_start_0:
0x88: {  	s2 =	sld [smem:$0x3FD9]  }
0x89: {  	s3 =	sld [smem:$0x3FFE];
	_ =	sdelay $0x1  }
0x8a: {  	s1 =	srdreg.scid  }
0x8b: {  	s0 =	sand.u32 $0x1, s1  }
0x8c: {  	s17 =	sshll.u32 s0, $0xA;
	s2 =	sadd.s32 s3, s2  }
0x8d: {  	s2 =	sadd.s32 s2, s17  }
0x8e: {  	[smem:$0x3FBB] =	sst s2  }
0x8f: {  	_ = 	snop  }
0x90: {  	s2 =	sld [smem:$0x3FC9]  }
0x91: {  	s18 =	sld [smem:$0x3FD0];
	(tm) =	ssettm $0x1  }
0x92: {  	s4 =	sld [smem:$0x3FFB];
	_ =	sdelay $0x3  }
0x93: {  	_ =	strace s4  }
0x94: {  	s4 =	sld [smem:$0x3FFC];
	_ =	sdelay $0x3  }
0x95: {  	_ =	strace s4  }
0x96: {  	s4 =	sld [smem:$0x3FFD];
	_ =	sdelay $0x3  }
0x97: {  	_ =	strace s4  }
0x98: {  	_ =	strace $0x8FFFFFFF  }
0x99: {  	s19 =	sld [smem:$0x3FDB];
	_ =	sdelay $0x1  }
0x9a: {  	s5 =	simm.s32 $_scs_section_size  }
0x9b: {  	s6 =	simm.s32 $_size__tile_overlayer_lowered;
	s7 =	simm.s32 $_tile_overlayer_lowered  }
0x9c: {  	s22 =	simm.s32 $0x1BFF;
	s21 =	sshll.u32 s7, $0x1;
	s4 =	sadd.s32 s5, s19  }
0x9d: {  	s8 =	simm.s32 $0x0;
	s20 =	sshll.u32 s6, $0x1;
	s6 =	sadd.s32 s21, s4  }
0x9e: {  	[timem:s8], [sflag:s22] =	dma.local [hbm:s6], s20  }
0x9f: {  	_ =	swait.ge [sflag:s22], s20  }
0xa0: {  	s5 =	ssub.s32 $0x0, s20;
	[sflag:s22] =	ssyncset.done $0x0  }
0xa1: {  	[sflag:s22] =	ssyncadd.s32 s5;
	_ =	sdelay $0x1  }
0xa2: {  	s23 =	simm.s32 $0x1B8B  }
0xa3: {  	_ =	swait.ge [sflag:s23], $0x1  }
0xa4: {  	[sflag:s23] =	ssyncset.done $0x0  }
0xa5: {  	s25 =	simm.s32 $0x1B8E;
	s24 =	sld [smem:$0x3FFE];
	[sflag:s23] =	ssyncadd.s32 $0xFFFFFFFF  }
0xa6: {  	s26 =	simm.s32 $execute0_lowered;
	[smem:$0x3FD2] =	sst s25  }
0xa7: {  	s6 =	sshll.u32 s26, $0x1;
	_ =	strace $0x80000046;
	[dreg:$0x1] =	wrdreg $0xFFFFFFFF  }
0xa8: {  	s28 =	simm.s32 $_size_execute0_lowered;
	s4 =	sadd.s32 s4, s6;
	[dreg:$0x0] =	wrdreg $0x0  }
0xa9: {  	s6 =	sshll.u32 s28, $0x1;
	[dreg:$0x2] =	wrdreg s4  }
0xaa: {  	[dreg:$0x3] =	wrdreg s6  }
0xab: {  	[dreg:$0x4] =	wrdreg $0xC0  }
0xac: {  	_ =	task [dreg:s8], $0x5FFFF  }
0xad: {  	[dreg:$0x1] =	wrdreg $0xFFFFFFFF  }
0xae: {  	[dreg:$0x0] =	wrdreg $0x60  }
0xaf: {  	[dreg:$0x2] =	wrdreg s2  }
0xb0: {  	[dreg:$0x3] =	wrdreg s18  }
0xb1: {  	[dreg:$0x4] =	wrdreg s24  }
0xb2: {  	[dreg:$0x5] =	wrdreg $0xD2000  }
0xb3: {  	[dreg:$0x6] =	wrdreg $0x9  }
0xb4: {  	_ =	task.clear_ibuf [dreg:s8], $0x7FFFF;
	_ =	strace $0x90000046  }
0xb5: {  	s29 =	simm.s32 $0x9;
	_ =	strace $0x80000048  }
0xb6: {  	_ =	swait.ge [sflag:s29], $0x1  }
0xb7: {  	[sflag:s29] =	ssyncadd.s32 $0xFFFFFFFF  }
0xb8: {  	_ =	strace $0x90000048  }
0xb9: {  	_ =	sfence  }
0xba: {  	s30 =	sld [smem:$0x0];
	_ =	sdelay $0x2  }
0xbb: {  	s31 =	sshll.u32 s1, $0xD;
	s1 =	sshrl.u32 s1, $0x2  }
0xbc: {  	s3 =	sand.u32 $0x4000, s31;
	s1 =	sadd.s32 s1, s30  }
0xbd: {  	s0 =	sor.u32 s3, s0;
	s1 =	sshll.u32 s1, $0x11  }
0xbe: {  	s0 =	sor.u32 s1, s0  }
0xbf: {  	s0 =	sadd.s32 $0x8F2B, s0  }
0xc0: {  	[sflag:s0] =	ssyncadd.remote.s32 $0x1  }
0xc1: {  	_ =	sfence.sel $0xFFFF  }
0xc2: {  	[dreg:$0x0] =	wrdreg $0xFFFFFFFF;
	(pc) =	sbr.abs _section_cstart, $3  }
0xc3: {  	[dreg:$0x1] =	wrdreg $0xFFFFFFFF  }
0xc4: {  	_ =	task.clear_ibuf [dreg:s8], $0x2FFFF;
	_ =	strace $0x9FFFFFFF  }
0xc5: {  	(tm) =	ssettm $0x7FFFFFFF  }
tec
execute0_lowered:
.L_overlay_start_1:
0x0: {  	(tag) =	ssettag $0x1  }
0x1: {  	s6 =	rddreg [dreg:$0x0]  }
0x2: {  	s1 =	rddreg [dreg:$0x1]  }
0x3: {  	s7 =	rddreg [dreg:$0x2]  }
0x4: {  	s3 =	rddreg [dreg:$0x3]  }
0x5: {  	s0 =	rddreg [dreg:$0x4];
	s4 =	simm.s32 $0x0  }
0x6: {  	s2 =	stileid.u32;
	s5 =	srdreg.scid;
	s14 =	simm.s32 $0x80  }
0x7: {  	s15 =	simm.s32 $0x5200;
	s16 =	simm.s32 $0x7200;
	s17 =	simm.s32 $0x2  }
0x8: {  	s18 =	simm.s32 $0x3;
	s19 =	simm.s32 $0x0;
	[smem:$0x7FF] =	sst s4  }
0x9: {  	s8 =	sand.u32 $0x1, s5;
	s9 =	sshll.u32 s2, $0x1;
	s5 =	sadd.s32 $0xF44200, s7  }
0xa: {  	s11 =	sshll.u32 s2, $0xB;
	s28 =	smul.u32 $0x3200, s2;
	s30 =	sshll.u32 s2, $0xE  }
0xb: {  	_ =	strace $0x80000047;
	s10 =	ssub.s32 $0x2, s8;
	s9 =	sor.u32 s8, s9  }
0xc: {  	s7 =	sadd.s32 s11, s7;
	s29 =	sshll.u32 s8, $0xF;
	s13 =	smul.u32 $0x1900, s8  }
0xd: {  	s12 =	sshrl.u32 s10, $0x1;
	s9 =	smul.u32 $0x1900, s9;
	s31 =	sadd.s32 s29, s7  }
0xe: {  	s7 =	sadd.s32 s30, s3;
	s10 =	ssub.s32 s10, s12;
	s8 =	sadd.s32 $0x1E00, s31  }
0xf: {  	v2 =	vimm.s32 $0x800;
	s11 =	sadd.s32 s13, s28;
	s12 =	simm.s32 $0x9200;
	s13 =	simm.s32 $0x1  }
0x10: {  	s9 =	sshrl.u32 s9, $0x3;
	[dreg:$0x5] =	wrdreg s11;
	s11 =	simm.s32 $0x2000  }
0x11: {  	v0 =	vimm.f32 $0.0e+00;
	v1 =	vlaneseq.u32;
	s6 =	sadd.s32 s6, s9;
	s9 =	smax.u32 s10, $0x1;
	s10 =	simm.s32 $0x4  }
.LBB2_1:
0x12: {  	[tilespmem:s4], [sflag:$0x4] =	stream.linear.gather [hbm4b:s1+s4], $0x2000, $0x38;
	[tilespmem:$0x11200] =	vst v63  }
0x13: {  	_ =	swait.ge [sflag:s10], $0x2000  }
0x14: {  	[sflag:s10] =	ssyncset.done $0x0  }
0x15: {  	s21 =	simm.s32 $0x100;
	s20 =	simm.s32 $0x0;
	[sflag:s10] =	ssyncadd.s32 $0xFFFFE000  }
0x16: {  	[tilespmem:s11], [sflag:$0x1] =	stream.linear.gather [hbm4b:s6+s4], $0x1900, $0x38;
	[tilespmem:$0x11200] =	vst v63  }
.LBB2_2:
0x17: {  	p0 =	sne.s32 s21, $0xFF00;
	[tilespmem:s20+$0x9230] =	vst v0;
	s22 =	smov.u32 s21;
	s21 =	sadd.s32 $0x100, s21  }
.Ltmp0:
0x18: {  	[tilespmem:s20+$0x9220] =	vst v0;
	(pc) =	sbr.rel @p0 .LBB2_2-.Ltmp0, $3  }
0x19: {  	[tilespmem:s20+$0x9200] =	vst v0  }
0x1a: {  	[tilespmem:s20+$0x9210] =	vst v0;
	_ =	sdelay $0x1  }
0x1b: {  	s20 =	sshra.s32 s22, $0x2  }
0x1c: {  	[tilespmem:s20+$0x9230] =	vst v0  }
0x1d: {  	[tilespmem:s20+$0x9220] =	vst v0  }
0x1e: {  	[tilespmem:s20+$0x9200] =	vst v0  }
0x1f: {  	[tilespmem:s20+$0x9210] =	vst v0  }
0x20: {  	[spmem:s7] =	stream.linear.scatter [tilespmem:s12], [sflag:$0x4], $0x4000, $0x38;
	[tilespmem:$0x11200] =	vst v63  }
0x21: {  	_ =	swait.ge [sflag:s10], $0x4000  }
0x22: {  	[sflag:s10] =	ssyncset.done $0x0  }
0x23: {  	[sflag:s10] =	ssyncadd.s32 $0xFFFFC000  }
0x24: {  	_ =	swait.ge [sflag:s13], $0x1900  }
0x25: {  	[sflag:s13] =	ssyncset.done $0x0  }
0x26: {  	s20 =	simm.s32 $0x2100;
	[sflag:s13] =	ssyncadd.s32 $0xFFFFE700  }
0x27: {  	[tilespmem:s15], [sflag:$0x2] =	stream.indirect.gather [hbm4b:s5+s14], $0x40, s11, s14, $0xb8;
	[tilespmem:$0x11200] =	vst v63  }
0x28: {  	s21 =	simm.s32 $0x0;
	s22 =	simm.s32 $0x3980;
	[bflag:$0x0] =	sbarrier.arrive $0xFFFF  }
.LBB2_4:
0x29: {  	s23 =	sadd.s32 $0xFFFFFF80, s20  }
0x2a: {  	[tilespmem:s16], [sflag:$0x3] =	stream.indirect.gather [hbm4b:s5+s14], $0x40, s23, s14, $0xb8;
	[tilespmem:$0x11200] =	vst v63  }
0x2b: {  	v3 =	vld.idx.msk [tilespmem:v2+s4+$0x0], $0xffff;
	_ =	sdelay $0x1  }
0x2c: {  	s29 =	rddreg [dreg:$0x5]  }
0x2d: {  	s23 =	sadd.s32 s21, s29  }
0x2e: {  	v4 =	vor.u32 s23, v1  }
0x2f: {  	vm0 =	vgt.s32 v3, v4  }
0x30: {  	v3 =	vsel vm0, $0x0, v2  }
0x31: {  	v5 =	vor.u32 $0x400, v3;
	_ =	sdelay $0x4  }
0x32: {  	v6 =	vld.idx.msk [tilespmem:v5+s4+$0x0], $0xffff;
	_ =	sdelay $0x4  }
0x33: {  	vm5 =	vgt.s32 v6, v4  }
0x34: {  	v3 =	vsel vm5, v3, v5  }
0x35: {  	v5 =	vor.u32 $0x200, v3;
	_ =	sdelay $0x4  }
0x36: {  	v24 =	vld.idx.msk [tilespmem:v5+s4+$0x0], $0xffff;
	_ =	sdelay $0x4  }
0x37: {  	vm6 =	vgt.s32 v24, v4  }
0x38: {  	v3 =	vsel vm6, v3, v5  }
0x39: {  	v5 =	vor.u32 $0x100, v3;
	_ =	sdelay $0x4  }
0x3a: {  	v25 =	vld.idx.msk [tilespmem:v5+s4+$0x0], $0xffff;
	_ =	sdelay $0x4  }
0x3b: {  	vm7 =	vgt.s32 v25, v4  }
0x3c: {  	v3 =	vsel vm7, v3, v5  }
0x3d: {  	v5 =	vadd.s32 $0x80, v3;
	_ =	sdelay $0x4  }
0x3e: {  	v26 =	vld.idx.msk [tilespmem:v5+s4+$0x0], $0xffff;
	_ =	sdelay $0x4  }
0x3f: {  	vm8 =	vgt.s32 v26, v4  }
0x40: {  	v3 =	vsel vm8, v3, v5  }
0x41: {  	v5 =	vadd.s32 $0x40, v3;
	_ =	sdelay $0x4  }
0x42: {  	v27 =	vld.idx.msk [tilespmem:v5+s4+$0x0], $0xffff;
	_ =	sdelay $0x4  }
0x43: {  	vm9 =	vgt.s32 v27, v4  }
0x44: {  	v3 =	vsel vm9, v3, v5  }
0x45: {  	v5 =	vadd.s32 $0x20, v3;
	_ =	sdelay $0x4  }
0x46: {  	v28 =	vld.idx.msk [tilespmem:v5+s4+$0x0], $0xffff;
	_ =	sdelay $0x4  }
0x47: {  	vm10 =	vgt.s32 v28, v4  }
0x48: {  	v3 =	vsel vm10, v3, v5  }
0x49: {  	v5 =	vadd.s32 $0x10, v3;
	_ =	sdelay $0x4  }
0x4a: {  	v29 =	vld.idx.msk [tilespmem:v5+s4+$0x0], $0xffff;
	_ =	sdelay $0x4  }
0x4b: {  	vm11 =	vgt.s32 v29, v4  }
0x4c: {  	v3 =	vsel vm11, v3, v5  }
0x4d: {  	v5 =	vadd.s32 $0x8, v3;
	_ =	sdelay $0x4  }
0x4e: {  	v30 =	vld.idx.msk [tilespmem:v5+s4+$0x0], $0xffff;
	_ =	sdelay $0x4  }
0x4f: {  	vm12 =	vgt.s32 v30, v4  }
0x50: {  	v3 =	vsel vm12, v3, v5  }
0x51: {  	v5 =	vadd.s32 $0x4, v3;
	_ =	sdelay $0x4  }
0x52: {  	v31 =	vld.idx.msk [tilespmem:v5+s4+$0x0], $0xffff;
	_ =	sdelay $0x4  }
0x53: {  	vm13 =	vgt.s32 v31, v4  }
0x54: {  	v3 =	vsel vm13, v3, v5  }
0x55: {  	v5 =	vadd.s32 $0x2, v3;
	_ =	sdelay $0x4  }
0x56: {  	v32 =	vld.idx.msk [tilespmem:v5+s4+$0x0], $0xffff;
	_ =	sdelay $0x4  }
0x57: {  	vm14 =	vgt.s32 v32, v4  }
0x58: {  	v3 =	vsel vm14, v3, v5  }
0x59: {  	v5 =	vadd.s32 $0x1, v3;
	_ =	sdelay $0x4  }
0x5a: {  	v33 =	vld.idx.msk [tilespmem:v5+s4+$0x0], $0xffff;
	_ =	sdelay $0x4  }
0x5b: {  	vm15 =	vgt.s32 v33, v4  }
0x5c: {  	v3 =	vsel vm15, v3, v5  }
0x5d: {  	[tilespmem:s22+$0xFFFFFF80] =	vst v3  }
0x5e: {  	v3 =	vld.idx.msk [tilespmem:v2+s4+$0x0], $0xffff;
	_ =	sdelay $0x2  }
0x5f: {  	s24 =	sadd.s32 $0x10, s23  }
0x60: {  	v34 =	vor.u32 s24, v1  }
0x61: {  	vm4 =	vgt.s32 v3, v34  }
0x62: {  	v3 =	vsel vm4, $0x0, v2  }
0x63: {  	v35 =	vor.u32 $0x400, v3;
	_ =	sdelay $0x4  }
0x64: {  	v36 =	vld.idx.msk [tilespmem:v35+s4+$0x0], $0xffff;
	_ =	sdelay $0x4  }
0x65: {  	vm5 =	vgt.s32 v36, v34  }
0x66: {  	v3 =	vsel vm5, v3, v35  }
0x67: {  	v5 =	vor.u32 $0x200, v3;
	_ =	sdelay $0x4  }
0x68: {  	v37 =	vld.idx.msk [tilespmem:v5+s4+$0x0], $0xffff;
	_ =	sdelay $0x4  }
0x69: {  	vm6 =	vgt.s32 v37, v34  }
0x6a: {  	v3 =	vsel vm6, v3, v5  }
0x6b: {  	v5 =	vor.u32 $0x100, v3;
	_ =	sdelay $0x4  }
0x6c: {  	v38 =	vld.idx.msk [tilespmem:v5+s4+$0x0], $0xffff;
	_ =	sdelay $0x4  }
0x6d: {  	vm7 =	vgt.s32 v38, v34  }
0x6e: {  	v3 =	vsel vm7, v3, v5  }
0x6f: {  	v5 =	vadd.s32 $0x80, v3;
	_ =	sdelay $0x4  }
0x70: {  	v39 =	vld.idx.msk [tilespmem:v5+s4+$0x0], $0xffff;
	_ =	sdelay $0x4  }
0x71: {  	vm8 =	vgt.s32 v39, v34  }
0x72: {  	v3 =	vsel vm8, v3, v5  }
0x73: {  	v5 =	vadd.s32 $0x40, v3;
	_ =	sdelay $0x4  }
0x74: {  	v40 =	vld.idx.msk [tilespmem:v5+s4+$0x0], $0xffff;
	_ =	sdelay $0x4  }
0x75: {  	vm9 =	vgt.s32 v40, v34  }
0x76: {  	v3 =	vsel vm9, v3, v5  }
0x77: {  	v5 =	vadd.s32 $0x20, v3;
	_ =	sdelay $0x4  }
0x78: {  	v41 =	vld.idx.msk [tilespmem:v5+s4+$0x0], $0xffff;
	_ =	sdelay $0x4  }
0x79: {  	vm10 =	vgt.s32 v41, v34  }
0x7a: {  	v3 =	vsel vm10, v3, v5  }
0x7b: {  	v5 =	vadd.s32 $0x10, v3;
	_ =	sdelay $0x4  }
0x7c: {  	v42 =	vld.idx.msk [tilespmem:v5+s4+$0x0], $0xffff;
	_ =	sdelay $0x4  }
0x7d: {  	vm11 =	vgt.s32 v42, v34  }
0x7e: {  	v3 =	vsel vm11, v3, v5  }
0x7f: {  	v5 =	vadd.s32 $0x8, v3;
	_ =	sdelay $0x4  }
0x80: {  	v43 =	vld.idx.msk [tilespmem:v5+s4+$0x0], $0xffff;
	_ =	sdelay $0x4  }
0x81: {  	vm12 =	vgt.s32 v43, v34  }
0x82: {  	v3 =	vsel vm12, v3, v5  }
0x83: {  	v5 =	vadd.s32 $0x4, v3;
	_ =	sdelay $0x4  }
0x84: {  	v44 =	vld.idx.msk [tilespmem:v5+s4+$0x0], $0xffff;
	_ =	sdelay $0x4  }
0x85: {  	vm13 =	vgt.s32 v44, v34  }
0x86: {  	v3 =	vsel vm13, v3, v5  }
0x87: {  	v5 =	vadd.s32 $0x2, v3;
	_ =	sdelay $0x4  }
0x88: {  	v45 =	vld.idx.msk [tilespmem:v5+s4+$0x0], $0xffff;
	_ =	sdelay $0x4  }
0x89: {  	vm14 =	vgt.s32 v45, v34  }
0x8a: {  	v3 =	vsel vm14, v3, v5  }
0x8b: {  	v5 =	vadd.s32 $0x1, v3;
	_ =	sdelay $0x4  }
0x8c: {  	v46 =	vld.idx.msk [tilespmem:v5+s4+$0x0], $0xffff;
	_ =	sdelay $0x4  }
0x8d: {  	vm15 =	vgt.s32 v46, v34  }
0x8e: {  	v3 =	vsel vm15, v3, v5  }
0x8f: {  	[tilespmem:s22+$0xFFFFFF90] =	vst v3  }
0x90: {  	v3 =	vld.idx.msk [tilespmem:v2+s4+$0x0], $0xffff;
	_ =	sdelay $0x2  }
0x91: {  	s30 =	sadd.s32 $0x20, s23  }
0x92: {  	v47 =	vor.u32 s30, v1  }
0x93: {  	vm4 =	vgt.s32 v3, v47  }
0x94: {  	v3 =	vsel vm4, $0x0, v2  }
0x95: {  	v48 =	vor.u32 $0x400, v3;
	_ =	sdelay $0x4  }
0x96: {  	v49 =	vld.idx.msk [tilespmem:v48+s4+$0x0], $0xffff;
	_ =	sdelay $0x4  }
0x97: {  	vm5 =	vgt.s32 v49, v47  }
0x98: {  	v3 =	vsel vm5, v3, v48  }
0x99: {  	v5 =	vor.u32 $0x200, v3;
	_ =	sdelay $0x4  }
0x9a: {  	v50 =	vld.idx.msk [tilespmem:v5+s4+$0x0], $0xffff;
	_ =	sdelay $0x4  }
0x9b: {  	vm6 =	vgt.s32 v50, v47  }
0x9c: {  	v3 =	vsel vm6, v3, v5  }
0x9d: {  	v5 =	vor.u32 $0x100, v3;
	_ =	sdelay $0x4  }
0x9e: {  	v51 =	vld.idx.msk [tilespmem:v5+s4+$0x0], $0xffff;
	_ =	sdelay $0x4  }
0x9f: {  	vm7 =	vgt.s32 v51, v47  }
0xa0: {  	v3 =	vsel vm7, v3, v5  }
0xa1: {  	v5 =	vadd.s32 $0x80, v3;
	_ =	sdelay $0x4  }
0xa2: {  	v52 =	vld.idx.msk [tilespmem:v5+s4+$0x0], $0xffff;
	_ =	sdelay $0x4  }
0xa3: {  	vm8 =	vgt.s32 v52, v47  }
0xa4: {  	v3 =	vsel vm8, v3, v5  }
0xa5: {  	v5 =	vadd.s32 $0x40, v3;
	_ =	sdelay $0x4  }
0xa6: {  	v53 =	vld.idx.msk [tilespmem:v5+s4+$0x0], $0xffff;
	_ =	sdelay $0x4  }
0xa7: {  	vm9 =	vgt.s32 v53, v47  }
0xa8: {  	v3 =	vsel vm9, v3, v5  }
0xa9: {  	v5 =	vadd.s32 $0x20, v3;
	_ =	sdelay $0x4  }
0xaa: {  	v54 =	vld.idx.msk [tilespmem:v5+s4+$0x0], $0xffff;
	_ =	sdelay $0x4  }
0xab: {  	vm10 =	vgt.s32 v54, v47  }
0xac: {  	v3 =	vsel vm10, v3, v5  }
0xad: {  	v5 =	vadd.s32 $0x10, v3;
	_ =	sdelay $0x4  }
0xae: {  	v55 =	vld.idx.msk [tilespmem:v5+s4+$0x0], $0xffff;
	_ =	sdelay $0x4  }
0xaf: {  	vm11 =	vgt.s32 v55, v47  }
0xb0: {  	v3 =	vsel vm11, v3, v5  }
0xb1: {  	v5 =	vadd.s32 $0x8, v3;
	_ =	sdelay $0x4  }
0xb2: {  	v56 =	vld.idx.msk [tilespmem:v5+s4+$0x0], $0xffff;
	_ =	sdelay $0x4  }
0xb3: {  	vm12 =	vgt.s32 v56, v47  }
0xb4: {  	v3 =	vsel vm12, v3, v5  }
0xb5: {  	v5 =	vadd.s32 $0x4, v3;
	_ =	sdelay $0x4  }
0xb6: {  	v57 =	vld.idx.msk [tilespmem:v5+s4+$0x0], $0xffff;
	_ =	sdelay $0x4  }
0xb7: {  	vm13 =	vgt.s32 v57, v47  }
0xb8: {  	v3 =	vsel vm13, v3, v5  }
0xb9: {  	v5 =	vadd.s32 $0x2, v3;
	_ =	sdelay $0x4  }
0xba: {  	v58 =	vld.idx.msk [tilespmem:v5+s4+$0x0], $0xffff;
	_ =	sdelay $0x4  }
0xbb: {  	vm14 =	vgt.s32 v58, v47  }
0xbc: {  	v3 =	vsel vm14, v3, v5  }
0xbd: {  	v5 =	vadd.s32 $0x1, v3;
	_ =	sdelay $0x4  }
0xbe: {  	v59 =	vld.idx.msk [tilespmem:v5+s4+$0x0], $0xffff;
	_ =	sdelay $0x4  }
0xbf: {  	vm15 =	vgt.s32 v59, v47  }
0xc0: {  	v3 =	vsel vm15, v3, v5  }
0xc1: {  	[tilespmem:s22+$0xFFFFFFA0] =	vst v3  }
0xc2: {  	v3 =	vld.idx.msk [tilespmem:v2+s4+$0x0], $0xffff;
	_ =	sdelay $0x2  }
0xc3: {  	s31 =	sadd.s32 $0x30, s23  }
0xc4: {  	v60 =	vor.u32 s31, v1  }
0xc5: {  	vm4 =	vgt.s32 v3, v60  }
0xc6: {  	v3 =	vsel vm4, $0x0, v2  }
0xc7: {  	v61 =	vor.u32 $0x400, v3;
	_ =	sdelay $0x4  }
0xc8: {  	v62 =	vld.idx.msk [tilespmem:v61+s4+$0x0], $0xffff;
	_ =	sdelay $0x4  }
0xc9: {  	vm5 =	vgt.s32 v62, v60  }
0xca: {  	v3 =	vsel vm5, v3, v61  }
0xcb: {  	v5 =	vor.u32 $0x200, v3;
	_ =	sdelay $0x4  }
0xcc: {  	v63 =	vld.idx.msk [tilespmem:v5+s4+$0x0], $0xffff;
	_ =	sdelay $0x4  }
0xcd: {  	vm6 =	vgt.s32 v63, v60  }
0xce: {  	v3 =	vsel vm6, v3, v5  }
0xcf: {  	v5 =	vor.u32 $0x100, v3;
	_ =	sdelay $0x4  }
0xd0: {  	v9 =	vld.idx.msk [tilespmem:v5+s4+$0x0], $0xffff;
	_ =	sdelay $0x4  }
0xd1: {  	vm7 =	vgt.s32 v9, v60  }
0xd2: {  	v3 =	vsel vm7, v3, v5  }
0xd3: {  	v5 =	vadd.s32 $0x80, v3;
	_ =	sdelay $0x4  }
0xd4: {  	v10 =	vld.idx.msk [tilespmem:v5+s4+$0x0], $0xffff;
	_ =	sdelay $0x4  }
0xd5: {  	vm8 =	vgt.s32 v10, v60  }
0xd6: {  	v3 =	vsel vm8, v3, v5  }
0xd7: {  	v5 =	vadd.s32 $0x40, v3;
	_ =	sdelay $0x4  }
0xd8: {  	v11 =	vld.idx.msk [tilespmem:v5+s4+$0x0], $0xffff;
	_ =	sdelay $0x4  }
0xd9: {  	vm9 =	vgt.s32 v11, v60  }
0xda: {  	v3 =	vsel vm9, v3, v5  }
0xdb: {  	v5 =	vadd.s32 $0x20, v3;
	_ =	sdelay $0x4  }
0xdc: {  	v12 =	vld.idx.msk [tilespmem:v5+s4+$0x0], $0xffff;
	_ =	sdelay $0x4  }
0xdd: {  	vm10 =	vgt.s32 v12, v60  }
0xde: {  	v3 =	vsel vm10, v3, v5  }
0xdf: {  	v5 =	vadd.s32 $0x10, v3;
	_ =	sdelay $0x4  }
0xe0: {  	v13 =	vld.idx.msk [tilespmem:v5+s4+$0x0], $0xffff;
	_ =	sdelay $0x4  }
0xe1: {  	vm11 =	vgt.s32 v13, v60  }
0xe2: {  	v3 =	vsel vm11, v3, v5  }
0xe3: {  	v5 =	vadd.s32 $0x8, v3;
	_ =	sdelay $0x4  }
0xe4: {  	v14 =	vld.idx.msk [tilespmem:v5+s4+$0x0], $0xffff;
	_ =	sdelay $0x4  }
0xe5: {  	vm12 =	vgt.s32 v14, v60  }
0xe6: {  	v3 =	vsel vm12, v3, v5  }
0xe7: {  	v5 =	vadd.s32 $0x4, v3;
	_ =	sdelay $0x4  }
0xe8: {  	v15 =	vld.idx.msk [tilespmem:v5+s4+$0x0], $0xffff;
	_ =	sdelay $0x4  }
0xe9: {  	vm13 =	vgt.s32 v15, v60  }
0xea: {  	v3 =	vsel vm13, v3, v5  }
0xeb: {  	v5 =	vadd.s32 $0x2, v3;
	_ =	sdelay $0x4  }
0xec: {  	v16 =	vld.idx.msk [tilespmem:v5+s4+$0x0], $0xffff;
	_ =	sdelay $0x4  }
0xed: {  	vm14 =	vgt.s32 v16, v60  }
0xee: {  	v3 =	vsel vm14, v3, v5  }
0xef: {  	v5 =	vadd.s32 $0x1, v3;
	_ =	sdelay $0x4  }
0xf0: {  	v17 =	vld.idx.msk [tilespmem:v5+s4+$0x0], $0xffff;
	_ =	sdelay $0x4  }
0xf1: {  	vm15 =	vgt.s32 v17, v60  }
0xf2: {  	v3 =	vsel vm15, v3, v5  }
0xf3: {  	[tilespmem:s22+$0xFFFFFFB0] =	vst v3  }
0xf4: {  	v3 =	vld.idx.msk [tilespmem:v2+s4+$0x0], $0xffff;
	_ =	sdelay $0x2  }
0xf5: {  	s25 =	sadd.s32 $0x40, s23  }
0xf6: {  	v18 =	vor.u32 s25, v1  }
0xf7: {  	vm4 =	vgt.s32 v3, v18  }
0xf8: {  	v3 =	vsel vm4, $0x0, v2  }
0xf9: {  	v19 =	vor.u32 $0x400, v3;
	_ =	sdelay $0x4  }
0xfa: {  	v20 =	vld.idx.msk [tilespmem:v19+s4+$0x0], $0xffff;
	_ =	sdelay $0x4  }
0xfb: {  	vm5 =	vgt.s32 v20, v18  }
0xfc: {  	v3 =	vsel vm5, v3, v19  }
0xfd: {  	v5 =	vor.u32 $0x200, v3;
	_ =	sdelay $0x4  }
0xfe: {  	v21 =	vld.idx.msk [tilespmem:v5+s4+$0x0], $0xffff;
	_ =	sdelay $0x4  }
0xff: {  	vm6 =	vgt.s32 v21, v18  }
0x100: {  	v3 =	vsel vm6, v3, v5  }
0x101: {  	v5 =	vor.u32 $0x100, v3;
	_ =	sdelay $0x4  }
0x102: {  	v22 =	vld.idx.msk [tilespmem:v5+s4+$0x0], $0xffff;
	_ =	sdelay $0x4  }
0x103: {  	vm7 =	vgt.s32 v22, v18  }
0x104: {  	v3 =	vsel vm7, v3, v5  }
0x105: {  	v5 =	vadd.s32 $0x80, v3;
	_ =	sdelay $0x4  }
0x106: {  	v23 =	vld.idx.msk [tilespmem:v5+s4+$0x0], $0xffff;
	_ =	sdelay $0x4  }
0x107: {  	vm8 =	vgt.s32 v23, v18  }
0x108: {  	v3 =	vsel vm8, v3, v5  }
0x109: {  	v5 =	vadd.s32 $0x40, v3;
	_ =	sdelay $0x4  }
0x10a: {  	v24 =	vld.idx.msk [tilespmem:v5+s4+$0x0], $0xffff;
	_ =	sdelay $0x4  }
0x10b: {  	vm9 =	vgt.s32 v24, v18  }
0x10c: {  	v3 =	vsel vm9, v3, v5  }
0x10d: {  	v5 =	vadd.s32 $0x20, v3;
	_ =	sdelay $0x4  }
0x10e: {  	v25 =	vld.idx.msk [tilespmem:v5+s4+$0x0], $0xffff;
	_ =	sdelay $0x4  }
0x10f: {  	vm10 =	vgt.s32 v25, v18  }
0x110: {  	v3 =	vsel vm10, v3, v5  }
0x111: {  	v5 =	vadd.s32 $0x10, v3;
	_ =	sdelay $0x4  }
0x112: {  	v26 =	vld.idx.msk [tilespmem:v5+s4+$0x0], $0xffff;
	_ =	sdelay $0x4  }
0x113: {  	vm11 =	vgt.s32 v26, v18  }
0x114: {  	v3 =	vsel vm11, v3, v5  }
0x115: {  	v5 =	vadd.s32 $0x8, v3;
	_ =	sdelay $0x4  }
0x116: {  	v27 =	vld.idx.msk [tilespmem:v5+s4+$0x0], $0xffff;
	_ =	sdelay $0x4  }
0x117: {  	vm12 =	vgt.s32 v27, v18  }
0x118: {  	v3 =	vsel vm12, v3, v5  }
0x119: {  	v5 =	vadd.s32 $0x4, v3;
	_ =	sdelay $0x4  }
0x11a: {  	v28 =	vld.idx.msk [tilespmem:v5+s4+$0x0], $0xffff;
	_ =	sdelay $0x4  }
0x11b: {  	vm13 =	vgt.s32 v28, v18  }
0x11c: {  	v3 =	vsel vm13, v3, v5  }
0x11d: {  	v5 =	vadd.s32 $0x2, v3;
	_ =	sdelay $0x4  }
0x11e: {  	v29 =	vld.idx.msk [tilespmem:v5+s4+$0x0], $0xffff;
	_ =	sdelay $0x4  }
0x11f: {  	vm14 =	vgt.s32 v29, v18  }
0x120: {  	v3 =	vsel vm14, v3, v5  }
0x121: {  	v5 =	vadd.s32 $0x1, v3;
	_ =	sdelay $0x4  }
0x122: {  	v30 =	vld.idx.msk [tilespmem:v5+s4+$0x0], $0xffff;
	_ =	sdelay $0x4  }
0x123: {  	vm15 =	vgt.s32 v30, v18  }
0x124: {  	v3 =	vsel vm15, v3, v5  }
0x125: {  	[tilespmem:s22+$0xFFFFFFC0] =	vst v3  }
0x126: {  	v3 =	vld.idx.msk [tilespmem:v2+s4+$0x0], $0xffff;
	_ =	sdelay $0x2  }
0x127: {  	s26 =	sadd.s32 $0x50, s23  }
0x128: {  	v31 =	vor.u32 s26, v1  }
0x129: {  	vm4 =	vgt.s32 v3, v31  }
0x12a: {  	v3 =	vsel vm4, $0x0, v2  }
0x12b: {  	v32 =	vor.u32 $0x400, v3;
	_ =	sdelay $0x4  }
0x12c: {  	v33 =	vld.idx.msk [tilespmem:v32+s4+$0x0], $0xffff;
	_ =	sdelay $0x4  }
0x12d: {  	vm5 =	vgt.s32 v33, v31  }
0x12e: {  	v3 =	vsel vm5, v3, v32  }
0x12f: {  	v5 =	vor.u32 $0x200, v3;
	_ =	sdelay $0x4  }
0x130: {  	v34 =	vld.idx.msk [tilespmem:v5+s4+$0x0], $0xffff;
	_ =	sdelay $0x4  }
0x131: {  	vm6 =	vgt.s32 v34, v31  }
0x132: {  	v3 =	vsel vm6, v3, v5  }
0x133: {  	v5 =	vor.u32 $0x100, v3;
	_ =	sdelay $0x4  }
0x134: {  	v35 =	vld.idx.msk [tilespmem:v5+s4+$0x0], $0xffff;
	_ =	sdelay $0x4  }
0x135: {  	vm7 =	vgt.s32 v35, v31  }
0x136: {  	v3 =	vsel vm7, v3, v5  }
0x137: {  	v5 =	vadd.s32 $0x80, v3;
	_ =	sdelay $0x4  }
0x138: {  	v36 =	vld.idx.msk [tilespmem:v5+s4+$0x0], $0xffff;
	_ =	sdelay $0x4  }
0x139: {  	vm8 =	vgt.s32 v36, v31  }
0x13a: {  	v3 =	vsel vm8, v3, v5  }
0x13b: {  	v5 =	vadd.s32 $0x40, v3;
	_ =	sdelay $0x4  }
0x13c: {  	v37 =	vld.idx.msk [tilespmem:v5+s4+$0x0], $0xffff;
	_ =	sdelay $0x4  }
0x13d: {  	vm9 =	vgt.s32 v37, v31  }
0x13e: {  	v3 =	vsel vm9, v3, v5  }
0x13f: {  	v5 =	vadd.s32 $0x20, v3;
	_ =	sdelay $0x4  }
0x140: {  	v38 =	vld.idx.msk [tilespmem:v5+s4+$0x0], $0xffff;
	_ =	sdelay $0x4  }
0x141: {  	vm10 =	vgt.s32 v38, v31  }
0x142: {  	v3 =	vsel vm10, v3, v5  }
0x143: {  	v5 =	vadd.s32 $0x10, v3;
	_ =	sdelay $0x4  }
0x144: {  	v39 =	vld.idx.msk [tilespmem:v5+s4+$0x0], $0xffff;
	_ =	sdelay $0x4  }
0x145: {  	vm11 =	vgt.s32 v39, v31  }
0x146: {  	v3 =	vsel vm11, v3, v5  }
0x147: {  	v5 =	vadd.s32 $0x8, v3;
	_ =	sdelay $0x4  }
0x148: {  	v40 =	vld.idx.msk [tilespmem:v5+s4+$0x0], $0xffff;
	_ =	sdelay $0x4  }
0x149: {  	vm12 =	vgt.s32 v40, v31  }
0x14a: {  	v3 =	vsel vm12, v3, v5  }
0x14b: {  	v5 =	vadd.s32 $0x4, v3;
	_ =	sdelay $0x4  }
0x14c: {  	v41 =	vld.idx.msk [tilespmem:v5+s4+$0x0], $0xffff;
	_ =	sdelay $0x4  }
0x14d: {  	vm13 =	vgt.s32 v41, v31  }
0x14e: {  	v3 =	vsel vm13, v3, v5  }
0x14f: {  	v5 =	vadd.s32 $0x2, v3;
	_ =	sdelay $0x4  }
0x150: {  	v42 =	vld.idx.msk [tilespmem:v5+s4+$0x0], $0xffff;
	_ =	sdelay $0x4  }
0x151: {  	vm14 =	vgt.s32 v42, v31  }
0x152: {  	v3 =	vsel vm14, v3, v5  }
0x153: {  	v5 =	vadd.s32 $0x1, v3;
	_ =	sdelay $0x4  }
0x154: {  	v43 =	vld.idx.msk [tilespmem:v5+s4+$0x0], $0xffff;
	_ =	sdelay $0x4  }
0x155: {  	vm15 =	vgt.s32 v43, v31  }
0x156: {  	v3 =	vsel vm15, v3, v5  }
0x157: {  	[tilespmem:s22+$0xFFFFFFD0] =	vst v3  }
0x158: {  	v3 =	vld.idx.msk [tilespmem:v2+s4+$0x0], $0xffff;
	_ =	sdelay $0x2  }
0x159: {  	s28 =	sadd.s32 $0x60, s23  }
0x15a: {  	v44 =	vor.u32 s28, v1  }
0x15b: {  	vm4 =	vgt.s32 v3, v44  }
0x15c: {  	v3 =	vsel vm4, $0x0, v2  }
0x15d: {  	v45 =	vor.u32 $0x400, v3;
	_ =	sdelay $0x4  }
0x15e: {  	v46 =	vld.idx.msk [tilespmem:v45+s4+$0x0], $0xffff;
	_ =	sdelay $0x4  }
0x15f: {  	vm5 =	vgt.s32 v46, v44  }
0x160: {  	v3 =	vsel vm5, v3, v45  }
0x161: {  	v5 =	vor.u32 $0x200, v3;
	_ =	sdelay $0x4  }
0x162: {  	v47 =	vld.idx.msk [tilespmem:v5+s4+$0x0], $0xffff;
	_ =	sdelay $0x4  }
0x163: {  	vm6 =	vgt.s32 v47, v44  }
0x164: {  	v3 =	vsel vm6, v3, v5  }
0x165: {  	v5 =	vor.u32 $0x100, v3;
	_ =	sdelay $0x4  }
0x166: {  	v48 =	vld.idx.msk [tilespmem:v5+s4+$0x0], $0xffff;
	_ =	sdelay $0x4  }
0x167: {  	vm7 =	vgt.s32 v48, v44  }
0x168: {  	v3 =	vsel vm7, v3, v5  }
0x169: {  	v5 =	vadd.s32 $0x80, v3;
	_ =	sdelay $0x4  }
0x16a: {  	v49 =	vld.idx.msk [tilespmem:v5+s4+$0x0], $0xffff;
	_ =	sdelay $0x4  }
0x16b: {  	vm8 =	vgt.s32 v49, v44  }
0x16c: {  	v3 =	vsel vm8, v3, v5  }
0x16d: {  	v5 =	vadd.s32 $0x40, v3;
	_ =	sdelay $0x4  }
0x16e: {  	v50 =	vld.idx.msk [tilespmem:v5+s4+$0x0], $0xffff;
	_ =	sdelay $0x4  }
0x16f: {  	vm9 =	vgt.s32 v50, v44  }
0x170: {  	v3 =	vsel vm9, v3, v5  }
0x171: {  	v5 =	vadd.s32 $0x20, v3;
	_ =	sdelay $0x4  }
0x172: {  	v51 =	vld.idx.msk [tilespmem:v5+s4+$0x0], $0xffff;
	_ =	sdelay $0x4  }
0x173: {  	vm10 =	vgt.s32 v51, v44  }
0x174: {  	v3 =	vsel vm10, v3, v5  }
0x175: {  	v5 =	vadd.s32 $0x10, v3;
	_ =	sdelay $0x4  }
0x176: {  	v52 =	vld.idx.msk [tilespmem:v5+s4+$0x0], $0xffff;
	_ =	sdelay $0x4  }
0x177: {  	vm11 =	vgt.s32 v52, v44  }
0x178: {  	v3 =	vsel vm11, v3, v5  }
0x179: {  	v5 =	vadd.s32 $0x8, v3;
	_ =	sdelay $0x4  }
0x17a: {  	v53 =	vld.idx.msk [tilespmem:v5+s4+$0x0], $0xffff;
	_ =	sdelay $0x4  }
0x17b: {  	vm12 =	vgt.s32 v53, v44  }
0x17c: {  	v3 =	vsel vm12, v3, v5  }
0x17d: {  	v5 =	vadd.s32 $0x4, v3;
	_ =	sdelay $0x4  }
0x17e: {  	v54 =	vld.idx.msk [tilespmem:v5+s4+$0x0], $0xffff;
	_ =	sdelay $0x4  }
0x17f: {  	vm13 =	vgt.s32 v54, v44  }
0x180: {  	v3 =	vsel vm13, v3, v5  }
0x181: {  	v5 =	vadd.s32 $0x2, v3;
	_ =	sdelay $0x4  }
0x182: {  	v55 =	vld.idx.msk [tilespmem:v5+s4+$0x0], $0xffff;
	_ =	sdelay $0x4  }
0x183: {  	vm14 =	vgt.s32 v55, v44  }
0x184: {  	v3 =	vsel vm14, v3, v5  }
0x185: {  	v5 =	vadd.s32 $0x1, v3;
	_ =	sdelay $0x4  }
0x186: {  	v56 =	vld.idx.msk [tilespmem:v5+s4+$0x0], $0xffff;
	_ =	sdelay $0x4  }
0x187: {  	vm15 =	vgt.s32 v56, v44  }
0x188: {  	v3 =	vsel vm15, v3, v5  }
0x189: {  	[tilespmem:s22+$0xFFFFFFE0] =	vst v3  }
0x18a: {  	v3 =	vld.idx.msk [tilespmem:v2+s4+$0x0], $0xffff;
	_ =	sdelay $0x2  }
0x18b: {  	s29 =	sadd.s32 $0x70, s23  }
0x18c: {  	v57 =	vor.u32 s29, v1  }
0x18d: {  	vm4 =	vgt.s32 v3, v57  }
0x18e: {  	v3 =	vsel vm4, $0x0, v2  }
0x18f: {  	v58 =	vor.u32 $0x400, v3;
	_ =	sdelay $0x4  }
0x190: {  	v59 =	vld.idx.msk [tilespmem:v58+s4+$0x0], $0xffff;
	_ =	sdelay $0x4  }
0x191: {  	vm5 =	vgt.s32 v59, v57  }
0x192: {  	v3 =	vsel vm5, v3, v58  }
0x193: {  	v5 =	vor.u32 $0x200, v3;
	_ =	sdelay $0x4  }
0x194: {  	v60 =	vld.idx.msk [tilespmem:v5+s4+$0x0], $0xffff;
	_ =	sdelay $0x4  }
0x195: {  	vm6 =	vgt.s32 v60, v57  }
0x196: {  	v3 =	vsel vm6, v3, v5  }
0x197: {  	v5 =	vor.u32 $0x100, v3;
	_ =	sdelay $0x4  }
0x198: {  	v61 =	vld.idx.msk [tilespmem:v5+s4+$0x0], $0xffff;
	_ =	sdelay $0x4  }
0x199: {  	vm7 =	vgt.s32 v61, v57  }
0x19a: {  	v3 =	vsel vm7, v3, v5  }
0x19b: {  	v5 =	vadd.s32 $0x80, v3;
	_ =	sdelay $0x4  }
0x19c: {  	v62 =	vld.idx.msk [tilespmem:v5+s4+$0x0], $0xffff;
	_ =	sdelay $0x4  }
0x19d: {  	vm8 =	vgt.s32 v62, v57  }
0x19e: {  	v3 =	vsel vm8, v3, v5  }
0x19f: {  	v5 =	vadd.s32 $0x40, v3;
	_ =	sdelay $0x4  }
0x1a0: {  	v63 =	vld.idx.msk [tilespmem:v5+s4+$0x0], $0xffff;
	_ =	sdelay $0x4  }
0x1a1: {  	vm9 =	vgt.s32 v63, v57  }
0x1a2: {  	v3 =	vsel vm9, v3, v5  }
0x1a3: {  	v5 =	vadd.s32 $0x20, v3;
	_ =	sdelay $0x4  }
0x1a4: {  	v9 =	vld.idx.msk [tilespmem:v5+s4+$0x0], $0xffff;
	_ =	sdelay $0x4  }
0x1a5: {  	vm10 =	vgt.s32 v9, v57  }
0x1a6: {  	v3 =	vsel vm10, v3, v5  }
0x1a7: {  	v5 =	vadd.s32 $0x10, v3;
	_ =	sdelay $0x4  }
0x1a8: {  	v10 =	vld.idx.msk [tilespmem:v5+s4+$0x0], $0xffff;
	_ =	sdelay $0x4  }
0x1a9: {  	vm11 =	vgt.s32 v10, v57  }
0x1aa: {  	v3 =	vsel vm11, v3, v5  }
0x1ab: {  	v5 =	vadd.s32 $0x8, v3;
	_ =	sdelay $0x4  }
0x1ac: {  	v11 =	vld.idx.msk [tilespmem:v5+s4+$0x0], $0xffff;
	_ =	sdelay $0x4  }
0x1ad: {  	vm12 =	vgt.s32 v11, v57  }
0x1ae: {  	v3 =	vsel vm12, v3, v5  }
0x1af: {  	v5 =	vadd.s32 $0x4, v3;
	_ =	sdelay $0x4  }
0x1b0: {  	v12 =	vld.idx.msk [tilespmem:v5+s4+$0x0], $0xffff;
	_ =	sdelay $0x4  }
0x1b1: {  	vm13 =	vgt.s32 v12, v57  }
0x1b2: {  	v3 =	vsel vm13, v3, v5  }
0x1b3: {  	v5 =	vadd.s32 $0x2, v3;
	_ =	sdelay $0x4  }
0x1b4: {  	v13 =	vld.idx.msk [tilespmem:v5+s4+$0x0], $0xffff;
	_ =	sdelay $0x4  }
0x1b5: {  	vm14 =	vgt.s32 v13, v57  }
0x1b6: {  	v3 =	vsel vm14, v3, v5  }
0x1b7: {  	v5 =	vadd.s32 $0x1, v3;
	_ =	sdelay $0x4  }
0x1b8: {  	v14 =	vld.idx.msk [tilespmem:v5+s4+$0x0], $0xffff;
	_ =	sdelay $0x4  }
0x1b9: {  	vm15 =	vgt.s32 v14, v57  }
0x1ba: {  	v3 =	vsel vm15, v3, v5  }
0x1bb: {  	[tilespmem:s22+$0xFFFFFFF0] =	vst v3  }
0x1bc: {  	_ =	swait.ge [sflag:s17], $0x2000  }
0x1bd: {  	[sflag:s17] =	ssyncset.done $0x0  }
0x1be: {  	s30 =	sadd.s32 $0xFFFFFF80, s22;
	[sflag:s17] =	ssyncadd.s32 $0xFFFFE000  }
0x1bf: {  	[spmem:s3] =	stream.indirect.scatter.add.f32 [tilespmem:s15], [sflag:$0x4], $0x40, s30, s14, $0xb8;
	[tilespmem:$0x11200] =	vst v63  }
0x1c0: {  	_ =	swait.ge [sflag:s10], $0x2000  }
0x1c1: {  	p0 =	seq.s32 s21, $0x1800;
	[sflag:s10] =	ssyncset.done $0x0  }
0x1c2: {  	s24 =	simm.s32 @!p0 $0x80;
	s25 =	simm.s32 @!p0 $0x5200;
	[sflag:s10] =	ssyncadd.s32 $0xFFFFE000  }
0x1c3: {  	[tilespmem:s25], [sflag:$0x2] =	stream.indirect.gather @!p0 [hbm4b:s5+s24], $0x40, s20, s24, $0xb8;
	[tilespmem:$0x11200] =	vst v63  }
0x1c4: {  	v3 =	vld.idx.msk [tilespmem:v2+s4+$0x0], $0xffff;
	_ =	sdelay $0x2  }
0x1c5: {  	s31 =	sadd.s32 $0x80, s23  }
0x1c6: {  	v15 =	vor.u32 s31, v1  }
0x1c7: {  	vm4 =	vgt.s32 v3, v15  }
0x1c8: {  	v3 =	vsel vm4, $0x0, v2  }
0x1c9: {  	v16 =	vor.u32 $0x400, v3;
	_ =	sdelay $0x4  }
0x1ca: {  	v17 =	vld.idx.msk [tilespmem:v16+s4+$0x0], $0xffff;
	_ =	sdelay $0x4  }
0x1cb: {  	vm5 =	vgt.s32 v17, v15  }
0x1cc: {  	v3 =	vsel vm5, v3, v16  }
0x1cd: {  	v5 =	vor.u32 $0x200, v3;
	_ =	sdelay $0x4  }
0x1ce: {  	v18 =	vld.idx.msk [tilespmem:v5+s4+$0x0], $0xffff;
	_ =	sdelay $0x4  }
0x1cf: {  	vm6 =	vgt.s32 v18, v15  }
0x1d0: {  	v3 =	vsel vm6, v3, v5  }
0x1d1: {  	v5 =	vor.u32 $0x100, v3;
	_ =	sdelay $0x4  }
0x1d2: {  	v19 =	vld.idx.msk [tilespmem:v5+s4+$0x0], $0xffff;
	_ =	sdelay $0x4  }
0x1d3: {  	vm7 =	vgt.s32 v19, v15  }
0x1d4: {  	v3 =	vsel vm7, v3, v5  }
0x1d5: {  	v5 =	vadd.s32 $0x80, v3;
	_ =	sdelay $0x4  }
0x1d6: {  	v20 =	vld.idx.msk [tilespmem:v5+s4+$0x0], $0xffff;
	_ =	sdelay $0x4  }
0x1d7: {  	vm8 =	vgt.s32 v20, v15  }
0x1d8: {  	v3 =	vsel vm8, v3, v5  }
0x1d9: {  	v5 =	vadd.s32 $0x40, v3;
	_ =	sdelay $0x4  }
0x1da: {  	v21 =	vld.idx.msk [tilespmem:v5+s4+$0x0], $0xffff;
	_ =	sdelay $0x4  }
0x1db: {  	vm9 =	vgt.s32 v21, v15  }
0x1dc: {  	v3 =	vsel vm9, v3, v5  }
0x1dd: {  	v5 =	vadd.s32 $0x20, v3;
	_ =	sdelay $0x4  }
0x1de: {  	v22 =	vld.idx.msk [tilespmem:v5+s4+$0x0], $0xffff;
	_ =	sdelay $0x4  }
0x1df: {  	vm10 =	vgt.s32 v22, v15  }
0x1e0: {  	v3 =	vsel vm10, v3, v5  }
0x1e1: {  	v5 =	vadd.s32 $0x10, v3;
	_ =	sdelay $0x4  }
0x1e2: {  	v23 =	vld.idx.msk [tilespmem:v5+s4+$0x0], $0xffff;
	_ =	sdelay $0x4  }
0x1e3: {  	vm11 =	vgt.s32 v23, v15  }
0x1e4: {  	v3 =	vsel vm11, v3, v5  }
0x1e5: {  	v5 =	vadd.s32 $0x8, v3;
	_ =	sdelay $0x4  }
0x1e6: {  	v24 =	vld.idx.msk [tilespmem:v5+s4+$0x0], $0xffff;
	_ =	sdelay $0x4  }
0x1e7: {  	vm12 =	vgt.s32 v24, v15  }
0x1e8: {  	v3 =	vsel vm12, v3, v5  }
0x1e9: {  	v5 =	vadd.s32 $0x4, v3;
	_ =	sdelay $0x4  }
0x1ea: {  	v25 =	vld.idx.msk [tilespmem:v5+s4+$0x0], $0xffff;
	_ =	sdelay $0x4  }
0x1eb: {  	vm13 =	vgt.s32 v25, v15  }
0x1ec: {  	v3 =	vsel vm13, v3, v5  }
0x1ed: {  	v5 =	vadd.s32 $0x2, v3;
	_ =	sdelay $0x4  }
0x1ee: {  	v26 =	vld.idx.msk [tilespmem:v5+s4+$0x0], $0xffff;
	_ =	sdelay $0x4  }
0x1ef: {  	vm14 =	vgt.s32 v26, v15  }
0x1f0: {  	v3 =	vsel vm14, v3, v5  }
0x1f1: {  	v5 =	vadd.s32 $0x1, v3;
	_ =	sdelay $0x4  }
0x1f2: {  	v27 =	vld.idx.msk [tilespmem:v5+s4+$0x0], $0xffff;
	_ =	sdelay $0x4  }
0x1f3: {  	vm15 =	vgt.s32 v27, v15  }
0x1f4: {  	v3 =	vsel vm15, v3, v5  }
0x1f5: {  	[tilespmem:s22+$0x0] =	vst v3  }
0x1f6: {  	v3 =	vld.idx.msk [tilespmem:v2+s4+$0x0], $0xffff;
	_ =	sdelay $0x2  }
0x1f7: {  	s25 =	sadd.s32 $0x90, s23  }
0x1f8: {  	v28 =	vor.u32 s25, v1  }
0x1f9: {  	vm4 =	vgt.s32 v3, v28  }
0x1fa: {  	v3 =	vsel vm4, $0x0, v2  }
0x1fb: {  	v29 =	vor.u32 $0x400, v3;
	_ =	sdelay $0x4  }
0x1fc: {  	v30 =	vld.idx.msk [tilespmem:v29+s4+$0x0], $0xffff;
	_ =	sdelay $0x4  }
0x1fd: {  	vm5 =	vgt.s32 v30, v28  }
0x1fe: {  	v3 =	vsel vm5, v3, v29  }
0x1ff: {  	v5 =	vor.u32 $0x200, v3;
	_ =	sdelay $0x4  }
0x200: {  	v31 =	vld.idx.msk [tilespmem:v5+s4+$0x0], $0xffff;
	_ =	sdelay $0x4  }
0x201: {  	vm6 =	vgt.s32 v31, v28  }
0x202: {  	v3 =	vsel vm6, v3, v5  }
0x203: {  	v5 =	vor.u32 $0x100, v3;
	_ =	sdelay $0x4  }
0x204: {  	v32 =	vld.idx.msk [tilespmem:v5+s4+$0x0], $0xffff;
	_ =	sdelay $0x4  }
0x205: {  	vm7 =	vgt.s32 v32, v28  }
0x206: {  	v3 =	vsel vm7, v3, v5  }
0x207: {  	v5 =	vadd.s32 $0x80, v3;
	_ =	sdelay $0x4  }
0x208: {  	v33 =	vld.idx.msk [tilespmem:v5+s4+$0x0], $0xffff;
	_ =	sdelay $0x4  }
0x209: {  	vm8 =	vgt.s32 v33, v28  }
0x20a: {  	v3 =	vsel vm8, v3, v5  }
0x20b: {  	v5 =	vadd.s32 $0x40, v3;
	_ =	sdelay $0x4  }
0x20c: {  	v34 =	vld.idx.msk [tilespmem:v5+s4+$0x0], $0xffff;
	_ =	sdelay $0x4  }
0x20d: {  	vm9 =	vgt.s32 v34, v28  }
0x20e: {  	v3 =	vsel vm9, v3, v5  }
0x20f: {  	v5 =	vadd.s32 $0x20, v3;
	_ =	sdelay $0x4  }
0x210: {  	v35 =	vld.idx.msk [tilespmem:v5+s4+$0x0], $0xffff;
	_ =	sdelay $0x4  }
0x211: {  	vm10 =	vgt.s32 v35, v28  }
0x212: {  	v3 =	vsel vm10, v3, v5  }
0x213: {  	v5 =	vadd.s32 $0x10, v3;
	_ =	sdelay $0x4  }
0x214: {  	v36 =	vld.idx.msk [tilespmem:v5+s4+$0x0], $0xffff;
	_ =	sdelay $0x4  }
0x215: {  	vm11 =	vgt.s32 v36, v28  }
0x216: {  	v3 =	vsel vm11, v3, v5  }
0x217: {  	v5 =	vadd.s32 $0x8, v3;
	_ =	sdelay $0x4  }
0x218: {  	v37 =	vld.idx.msk [tilespmem:v5+s4+$0x0], $0xffff;
	_ =	sdelay $0x4  }
0x219: {  	vm12 =	vgt.s32 v37, v28  }
0x21a: {  	v3 =	vsel vm12, v3, v5  }
0x21b: {  	v5 =	vadd.s32 $0x4, v3;
	_ =	sdelay $0x4  }
0x21c: {  	v38 =	vld.idx.msk [tilespmem:v5+s4+$0x0], $0xffff;
	_ =	sdelay $0x4  }
0x21d: {  	vm13 =	vgt.s32 v38, v28  }
0x21e: {  	v3 =	vsel vm13, v3, v5  }
0x21f: {  	v5 =	vadd.s32 $0x2, v3;
	_ =	sdelay $0x4  }
0x220: {  	v39 =	vld.idx.msk [tilespmem:v5+s4+$0x0], $0xffff;
	_ =	sdelay $0x4  }
0x221: {  	vm14 =	vgt.s32 v39, v28  }
0x222: {  	v3 =	vsel vm14, v3, v5  }
0x223: {  	v5 =	vadd.s32 $0x1, v3;
	_ =	sdelay $0x4  }
0x224: {  	v40 =	vld.idx.msk [tilespmem:v5+s4+$0x0], $0xffff;
	_ =	sdelay $0x4  }
0x225: {  	vm15 =	vgt.s32 v40, v28  }
0x226: {  	v3 =	vsel vm15, v3, v5  }
0x227: {  	[tilespmem:s22+$0x10] =	vst v3  }
0x228: {  	v3 =	vld.idx.msk [tilespmem:v2+s4+$0x0], $0xffff;
	_ =	sdelay $0x2  }
0x229: {  	s26 =	sadd.s32 $0xA0, s23  }
0x22a: {  	v41 =	vor.u32 s26, v1  }
0x22b: {  	vm4 =	vgt.s32 v3, v41  }
0x22c: {  	v3 =	vsel vm4, $0x0, v2  }
0x22d: {  	v42 =	vor.u32 $0x400, v3;
	_ =	sdelay $0x4  }
0x22e: {  	v43 =	vld.idx.msk [tilespmem:v42+s4+$0x0], $0xffff;
	_ =	sdelay $0x4  }
0x22f: {  	vm5 =	vgt.s32 v43, v41  }
0x230: {  	v3 =	vsel vm5, v3, v42  }
0x231: {  	v5 =	vor.u32 $0x200, v3;
	_ =	sdelay $0x4  }
0x232: {  	v44 =	vld.idx.msk [tilespmem:v5+s4+$0x0], $0xffff;
	_ =	sdelay $0x4  }
0x233: {  	vm6 =	vgt.s32 v44, v41  }
0x234: {  	v3 =	vsel vm6, v3, v5  }
0x235: {  	v5 =	vor.u32 $0x100, v3;
	_ =	sdelay $0x4  }
0x236: {  	v45 =	vld.idx.msk [tilespmem:v5+s4+$0x0], $0xffff;
	_ =	sdelay $0x4  }
0x237: {  	vm7 =	vgt.s32 v45, v41  }
0x238: {  	v3 =	vsel vm7, v3, v5  }
0x239: {  	v5 =	vadd.s32 $0x80, v3;
	_ =	sdelay $0x4  }
0x23a: {  	v46 =	vld.idx.msk [tilespmem:v5+s4+$0x0], $0xffff;
	_ =	sdelay $0x4  }
0x23b: {  	vm8 =	vgt.s32 v46, v41  }
0x23c: {  	v3 =	vsel vm8, v3, v5  }
0x23d: {  	v5 =	vadd.s32 $0x40, v3;
	_ =	sdelay $0x4  }
0x23e: {  	v47 =	vld.idx.msk [tilespmem:v5+s4+$0x0], $0xffff;
	_ =	sdelay $0x4  }
0x23f: {  	vm9 =	vgt.s32 v47, v41  }
0x240: {  	v3 =	vsel vm9, v3, v5  }
0x241: {  	v5 =	vadd.s32 $0x20, v3;
	_ =	sdelay $0x4  }
0x242: {  	v48 =	vld.idx.msk [tilespmem:v5+s4+$0x0], $0xffff;
	_ =	sdelay $0x4  }
0x243: {  	vm10 =	vgt.s32 v48, v41  }
0x244: {  	v3 =	vsel vm10, v3, v5  }
0x245: {  	v5 =	vadd.s32 $0x10, v3;
	_ =	sdelay $0x4  }
0x246: {  	v49 =	vld.idx.msk [tilespmem:v5+s4+$0x0], $0xffff;
	_ =	sdelay $0x4  }
0x247: {  	vm11 =	vgt.s32 v49, v41  }
0x248: {  	v3 =	vsel vm11, v3, v5  }
0x249: {  	v5 =	vadd.s32 $0x8, v3;
	_ =	sdelay $0x4  }
0x24a: {  	v50 =	vld.idx.msk [tilespmem:v5+s4+$0x0], $0xffff;
	_ =	sdelay $0x4  }
0x24b: {  	vm12 =	vgt.s32 v50, v41  }
0x24c: {  	v3 =	vsel vm12, v3, v5  }
0x24d: {  	v5 =	vadd.s32 $0x4, v3;
	_ =	sdelay $0x4  }
0x24e: {  	v51 =	vld.idx.msk [tilespmem:v5+s4+$0x0], $0xffff;
	_ =	sdelay $0x4  }
0x24f: {  	vm13 =	vgt.s32 v51, v41  }
0x250: {  	v3 =	vsel vm13, v3, v5  }
0x251: {  	v5 =	vadd.s32 $0x2, v3;
	_ =	sdelay $0x4  }
0x252: {  	v52 =	vld.idx.msk [tilespmem:v5+s4+$0x0], $0xffff;
	_ =	sdelay $0x4  }
0x253: {  	vm14 =	vgt.s32 v52, v41  }
0x254: {  	v3 =	vsel vm14, v3, v5  }
0x255: {  	v5 =	vadd.s32 $0x1, v3;
	_ =	sdelay $0x4  }
0x256: {  	v53 =	vld.idx.msk [tilespmem:v5+s4+$0x0], $0xffff;
	_ =	sdelay $0x4  }
0x257: {  	vm15 =	vgt.s32 v53, v41  }
0x258: {  	v3 =	vsel vm15, v3, v5  }
0x259: {  	[tilespmem:s22+$0x20] =	vst v3  }
0x25a: {  	v3 =	vld.idx.msk [tilespmem:v2+s4+$0x0], $0xffff;
	_ =	sdelay $0x2  }
0x25b: {  	s28 =	sadd.s32 $0xB0, s23  }
0x25c: {  	v54 =	vor.u32 s28, v1  }
0x25d: {  	vm4 =	vgt.s32 v3, v54  }
0x25e: {  	v3 =	vsel vm4, $0x0, v2  }
0x25f: {  	v55 =	vor.u32 $0x400, v3;
	_ =	sdelay $0x4  }
0x260: {  	v56 =	vld.idx.msk [tilespmem:v55+s4+$0x0], $0xffff;
	_ =	sdelay $0x4  }
0x261: {  	vm5 =	vgt.s32 v56, v54  }
0x262: {  	v3 =	vsel vm5, v3, v55  }
0x263: {  	v5 =	vor.u32 $0x200, v3;
	_ =	sdelay $0x4  }
0x264: {  	v57 =	vld.idx.msk [tilespmem:v5+s4+$0x0], $0xffff;
	_ =	sdelay $0x4  }
0x265: {  	vm6 =	vgt.s32 v57, v54  }
0x266: {  	v3 =	vsel vm6, v3, v5  }
0x267: {  	v5 =	vor.u32 $0x100, v3;
	_ =	sdelay $0x4  }
0x268: {  	v58 =	vld.idx.msk [tilespmem:v5+s4+$0x0], $0xffff;
	_ =	sdelay $0x4  }
0x269: {  	vm7 =	vgt.s32 v58, v54  }
0x26a: {  	v3 =	vsel vm7, v3, v5  }
0x26b: {  	v5 =	vadd.s32 $0x80, v3;
	_ =	sdelay $0x4  }
0x26c: {  	v59 =	vld.idx.msk [tilespmem:v5+s4+$0x0], $0xffff;
	_ =	sdelay $0x4  }
0x26d: {  	vm8 =	vgt.s32 v59, v54  }
0x26e: {  	v3 =	vsel vm8, v3, v5  }
0x26f: {  	v5 =	vadd.s32 $0x40, v3;
	_ =	sdelay $0x4  }
0x270: {  	v60 =	vld.idx.msk [tilespmem:v5+s4+$0x0], $0xffff;
	_ =	sdelay $0x4  }
0x271: {  	vm9 =	vgt.s32 v60, v54  }
0x272: {  	v3 =	vsel vm9, v3, v5  }
0x273: {  	v5 =	vadd.s32 $0x20, v3;
	_ =	sdelay $0x4  }
0x274: {  	v61 =	vld.idx.msk [tilespmem:v5+s4+$0x0], $0xffff;
	_ =	sdelay $0x4  }
0x275: {  	vm10 =	vgt.s32 v61, v54  }
0x276: {  	v3 =	vsel vm10, v3, v5  }
0x277: {  	v5 =	vadd.s32 $0x10, v3;
	_ =	sdelay $0x4  }
0x278: {  	v62 =	vld.idx.msk [tilespmem:v5+s4+$0x0], $0xffff;
	_ =	sdelay $0x4  }
0x279: {  	vm11 =	vgt.s32 v62, v54  }
0x27a: {  	v3 =	vsel vm11, v3, v5  }
0x27b: {  	v5 =	vadd.s32 $0x8, v3;
	_ =	sdelay $0x4  }
0x27c: {  	v63 =	vld.idx.msk [tilespmem:v5+s4+$0x0], $0xffff;
	_ =	sdelay $0x4  }
0x27d: {  	vm12 =	vgt.s32 v63, v54  }
0x27e: {  	v3 =	vsel vm12, v3, v5  }
0x27f: {  	v5 =	vadd.s32 $0x4, v3;
	_ =	sdelay $0x4  }
0x280: {  	v9 =	vld.idx.msk [tilespmem:v5+s4+$0x0], $0xffff;
	_ =	sdelay $0x4  }
0x281: {  	vm13 =	vgt.s32 v9, v54  }
0x282: {  	v3 =	vsel vm13, v3, v5  }
0x283: {  	v5 =	vadd.s32 $0x2, v3;
	_ =	sdelay $0x4  }
0x284: {  	v10 =	vld.idx.msk [tilespmem:v5+s4+$0x0], $0xffff;
	_ =	sdelay $0x4  }
0x285: {  	vm14 =	vgt.s32 v10, v54  }
0x286: {  	v3 =	vsel vm14, v3, v5  }
0x287: {  	v5 =	vadd.s32 $0x1, v3;
	_ =	sdelay $0x4  }
0x288: {  	v11 =	vld.idx.msk [tilespmem:v5+s4+$0x0], $0xffff;
	_ =	sdelay $0x4  }
0x289: {  	vm15 =	vgt.s32 v11, v54  }
0x28a: {  	v3 =	vsel vm15, v3, v5  }
0x28b: {  	[tilespmem:s22+$0x30] =	vst v3  }
0x28c: {  	v3 =	vld.idx.msk [tilespmem:v2+s4+$0x0], $0xffff;
	_ =	sdelay $0x2  }
0x28d: {  	s29 =	sadd.s32 $0xC0, s23  }
0x28e: {  	v12 =	vor.u32 s29, v1  }
0x28f: {  	vm4 =	vgt.s32 v3, v12  }
0x290: {  	v3 =	vsel vm4, $0x0, v2  }
0x291: {  	v13 =	vor.u32 $0x400, v3;
	_ =	sdelay $0x4  }
0x292: {  	v14 =	vld.idx.msk [tilespmem:v13+s4+$0x0], $0xffff;
	_ =	sdelay $0x4  }
0x293: {  	vm5 =	vgt.s32 v14, v12  }
0x294: {  	v3 =	vsel vm5, v3, v13  }
0x295: {  	v5 =	vor.u32 $0x200, v3;
	_ =	sdelay $0x4  }
0x296: {  	v15 =	vld.idx.msk [tilespmem:v5+s4+$0x0], $0xffff;
	_ =	sdelay $0x4  }
0x297: {  	vm6 =	vgt.s32 v15, v12  }
0x298: {  	v3 =	vsel vm6, v3, v5  }
0x299: {  	v5 =	vor.u32 $0x100, v3;
	_ =	sdelay $0x4  }
0x29a: {  	v16 =	vld.idx.msk [tilespmem:v5+s4+$0x0], $0xffff;
	_ =	sdelay $0x4  }
0x29b: {  	vm7 =	vgt.s32 v16, v12  }
0x29c: {  	v3 =	vsel vm7, v3, v5  }
0x29d: {  	v5 =	vadd.s32 $0x80, v3;
	_ =	sdelay $0x4  }
0x29e: {  	v17 =	vld.idx.msk [tilespmem:v5+s4+$0x0], $0xffff;
	_ =	sdelay $0x4  }
0x29f: {  	vm8 =	vgt.s32 v17, v12  }
0x2a0: {  	v3 =	vsel vm8, v3, v5  }
0x2a1: {  	v5 =	vadd.s32 $0x40, v3;
	_ =	sdelay $0x4  }
0x2a2: {  	v18 =	vld.idx.msk [tilespmem:v5+s4+$0x0], $0xffff;
	_ =	sdelay $0x4  }
0x2a3: {  	vm9 =	vgt.s32 v18, v12  }
0x2a4: {  	v3 =	vsel vm9, v3, v5  }
0x2a5: {  	v5 =	vadd.s32 $0x20, v3;
	_ =	sdelay $0x4  }
0x2a6: {  	v19 =	vld.idx.msk [tilespmem:v5+s4+$0x0], $0xffff;
	_ =	sdelay $0x4  }
0x2a7: {  	vm10 =	vgt.s32 v19, v12  }
0x2a8: {  	v3 =	vsel vm10, v3, v5  }
0x2a9: {  	v5 =	vadd.s32 $0x10, v3;
	_ =	sdelay $0x4  }
0x2aa: {  	v20 =	vld.idx.msk [tilespmem:v5+s4+$0x0], $0xffff;
	_ =	sdelay $0x4  }
0x2ab: {  	vm11 =	vgt.s32 v20, v12  }
0x2ac: {  	v3 =	vsel vm11, v3, v5  }
0x2ad: {  	v5 =	vadd.s32 $0x8, v3;
	_ =	sdelay $0x4  }
0x2ae: {  	v21 =	vld.idx.msk [tilespmem:v5+s4+$0x0], $0xffff;
	_ =	sdelay $0x4  }
0x2af: {  	vm12 =	vgt.s32 v21, v12  }
0x2b0: {  	v3 =	vsel vm12, v3, v5  }
0x2b1: {  	v5 =	vadd.s32 $0x4, v3;
	_ =	sdelay $0x4  }
0x2b2: {  	v22 =	vld.idx.msk [tilespmem:v5+s4+$0x0], $0xffff;
	_ =	sdelay $0x4  }
0x2b3: {  	vm13 =	vgt.s32 v22, v12  }
0x2b4: {  	v3 =	vsel vm13, v3, v5  }
0x2b5: {  	v5 =	vadd.s32 $0x2, v3;
	_ =	sdelay $0x4  }
0x2b6: {  	v23 =	vld.idx.msk [tilespmem:v5+s4+$0x0], $0xffff;
	_ =	sdelay $0x4  }
0x2b7: {  	vm14 =	vgt.s32 v23, v12  }
0x2b8: {  	v3 =	vsel vm14, v3, v5  }
0x2b9: {  	v5 =	vadd.s32 $0x1, v3;
	_ =	sdelay $0x4  }
0x2ba: {  	v24 =	vld.idx.msk [tilespmem:v5+s4+$0x0], $0xffff;
	_ =	sdelay $0x4  }
0x2bb: {  	vm15 =	vgt.s32 v24, v12  }
0x2bc: {  	v3 =	vsel vm15, v3, v5  }
0x2bd: {  	[tilespmem:s22+$0x40] =	vst v3  }
0x2be: {  	v3 =	vld.idx.msk [tilespmem:v2+s4+$0x0], $0xffff;
	_ =	sdelay $0x2  }
0x2bf: {  	s30 =	sadd.s32 $0xD0, s23  }
0x2c0: {  	v25 =	vor.u32 s30, v1  }
0x2c1: {  	vm4 =	vgt.s32 v3, v25  }
0x2c2: {  	v3 =	vsel vm4, $0x0, v2  }
0x2c3: {  	v26 =	vor.u32 $0x400, v3;
	_ =	sdelay $0x4  }
0x2c4: {  	v27 =	vld.idx.msk [tilespmem:v26+s4+$0x0], $0xffff;
	_ =	sdelay $0x4  }
0x2c5: {  	vm5 =	vgt.s32 v27, v25  }
0x2c6: {  	v3 =	vsel vm5, v3, v26  }
0x2c7: {  	v5 =	vor.u32 $0x200, v3;
	_ =	sdelay $0x4  }
0x2c8: {  	v28 =	vld.idx.msk [tilespmem:v5+s4+$0x0], $0xffff;
	_ =	sdelay $0x4  }
0x2c9: {  	vm6 =	vgt.s32 v28, v25  }
0x2ca: {  	v3 =	vsel vm6, v3, v5  }
0x2cb: {  	v5 =	vor.u32 $0x100, v3;
	_ =	sdelay $0x4  }
0x2cc: {  	v29 =	vld.idx.msk [tilespmem:v5+s4+$0x0], $0xffff;
	_ =	sdelay $0x4  }
0x2cd: {  	vm7 =	vgt.s32 v29, v25  }
0x2ce: {  	v3 =	vsel vm7, v3, v5  }
0x2cf: {  	v5 =	vadd.s32 $0x80, v3;
	_ =	sdelay $0x4  }
0x2d0: {  	v30 =	vld.idx.msk [tilespmem:v5+s4+$0x0], $0xffff;
	_ =	sdelay $0x4  }
0x2d1: {  	vm8 =	vgt.s32 v30, v25  }
0x2d2: {  	v3 =	vsel vm8, v3, v5  }
0x2d3: {  	v5 =	vadd.s32 $0x40, v3;
	_ =	sdelay $0x4  }
0x2d4: {  	v31 =	vld.idx.msk [tilespmem:v5+s4+$0x0], $0xffff;
	_ =	sdelay $0x4  }
0x2d5: {  	vm9 =	vgt.s32 v31, v25  }
0x2d6: {  	v3 =	vsel vm9, v3, v5  }
0x2d7: {  	v5 =	vadd.s32 $0x20, v3;
	_ =	sdelay $0x4  }
0x2d8: {  	v32 =	vld.idx.msk [tilespmem:v5+s4+$0x0], $0xffff;
	_ =	sdelay $0x4  }
0x2d9: {  	vm10 =	vgt.s32 v32, v25  }
0x2da: {  	v3 =	vsel vm10, v3, v5  }
0x2db: {  	v5 =	vadd.s32 $0x10, v3;
	_ =	sdelay $0x4  }
0x2dc: {  	v33 =	vld.idx.msk [tilespmem:v5+s4+$0x0], $0xffff;
	_ =	sdelay $0x4  }
0x2dd: {  	vm11 =	vgt.s32 v33, v25  }
0x2de: {  	v3 =	vsel vm11, v3, v5  }
0x2df: {  	v5 =	vadd.s32 $0x8, v3;
	_ =	sdelay $0x4  }
0x2e0: {  	v34 =	vld.idx.msk [tilespmem:v5+s4+$0x0], $0xffff;
	_ =	sdelay $0x4  }
0x2e1: {  	vm12 =	vgt.s32 v34, v25  }
0x2e2: {  	v3 =	vsel vm12, v3, v5  }
0x2e3: {  	v5 =	vadd.s32 $0x4, v3;
	_ =	sdelay $0x4  }
0x2e4: {  	v35 =	vld.idx.msk [tilespmem:v5+s4+$0x0], $0xffff;
	_ =	sdelay $0x4  }
0x2e5: {  	vm13 =	vgt.s32 v35, v25  }
0x2e6: {  	v3 =	vsel vm13, v3, v5  }
0x2e7: {  	v5 =	vadd.s32 $0x2, v3;
	_ =	sdelay $0x4  }
0x2e8: {  	v36 =	vld.idx.msk [tilespmem:v5+s4+$0x0], $0xffff;
	_ =	sdelay $0x4  }
0x2e9: {  	vm14 =	vgt.s32 v36, v25  }
0x2ea: {  	v3 =	vsel vm14, v3, v5  }
0x2eb: {  	v5 =	vadd.s32 $0x1, v3;
	_ =	sdelay $0x4  }
0x2ec: {  	v37 =	vld.idx.msk [tilespmem:v5+s4+$0x0], $0xffff;
	_ =	sdelay $0x4  }
0x2ed: {  	vm15 =	vgt.s32 v37, v25  }
0x2ee: {  	v3 =	vsel vm15, v3, v5  }
0x2ef: {  	[tilespmem:s22+$0x50] =	vst v3  }
0x2f0: {  	v3 =	vld.idx.msk [tilespmem:v2+s4+$0x0], $0xffff;
	_ =	sdelay $0x2  }
0x2f1: {  	s31 =	sadd.s32 $0xE0, s23  }
0x2f2: {  	v38 =	vor.u32 s31, v1  }
0x2f3: {  	vm4 =	vgt.s32 v3, v38  }
0x2f4: {  	v3 =	vsel vm4, $0x0, v2  }
0x2f5: {  	v39 =	vor.u32 $0x400, v3;
	_ =	sdelay $0x4  }
0x2f6: {  	v40 =	vld.idx.msk [tilespmem:v39+s4+$0x0], $0xffff;
	_ =	sdelay $0x4  }
0x2f7: {  	vm5 =	vgt.s32 v40, v38  }
0x2f8: {  	v3 =	vsel vm5, v3, v39  }
0x2f9: {  	v5 =	vor.u32 $0x200, v3;
	_ =	sdelay $0x4  }
0x2fa: {  	v41 =	vld.idx.msk [tilespmem:v5+s4+$0x0], $0xffff;
	_ =	sdelay $0x4  }
0x2fb: {  	vm6 =	vgt.s32 v41, v38  }
0x2fc: {  	v3 =	vsel vm6, v3, v5  }
0x2fd: {  	v5 =	vor.u32 $0x100, v3;
	_ =	sdelay $0x4  }
0x2fe: {  	v42 =	vld.idx.msk [tilespmem:v5+s4+$0x0], $0xffff;
	_ =	sdelay $0x4  }
0x2ff: {  	vm7 =	vgt.s32 v42, v38  }
0x300: {  	v3 =	vsel vm7, v3, v5  }
0x301: {  	v5 =	vadd.s32 $0x80, v3;
	_ =	sdelay $0x4  }
0x302: {  	v43 =	vld.idx.msk [tilespmem:v5+s4+$0x0], $0xffff;
	_ =	sdelay $0x4  }
0x303: {  	vm8 =	vgt.s32 v43, v38  }
0x304: {  	v3 =	vsel vm8, v3, v5  }
0x305: {  	v5 =	vadd.s32 $0x40, v3;
	_ =	sdelay $0x4  }
0x306: {  	v44 =	vld.idx.msk [tilespmem:v5+s4+$0x0], $0xffff;
	_ =	sdelay $0x4  }
0x307: {  	vm9 =	vgt.s32 v44, v38  }
0x308: {  	v3 =	vsel vm9, v3, v5  }
0x309: {  	v5 =	vadd.s32 $0x20, v3;
	_ =	sdelay $0x4  }
0x30a: {  	v45 =	vld.idx.msk [tilespmem:v5+s4+$0x0], $0xffff;
	_ =	sdelay $0x4  }
0x30b: {  	vm10 =	vgt.s32 v45, v38  }
0x30c: {  	v3 =	vsel vm10, v3, v5  }
0x30d: {  	v5 =	vadd.s32 $0x10, v3;
	_ =	sdelay $0x4  }
0x30e: {  	v46 =	vld.idx.msk [tilespmem:v5+s4+$0x0], $0xffff;
	_ =	sdelay $0x4  }
0x30f: {  	vm11 =	vgt.s32 v46, v38  }
0x310: {  	v3 =	vsel vm11, v3, v5  }
0x311: {  	v5 =	vadd.s32 $0x8, v3;
	_ =	sdelay $0x4  }
0x312: {  	v47 =	vld.idx.msk [tilespmem:v5+s4+$0x0], $0xffff;
	_ =	sdelay $0x4  }
0x313: {  	vm12 =	vgt.s32 v47, v38  }
0x314: {  	v3 =	vsel vm12, v3, v5  }
0x315: {  	v5 =	vadd.s32 $0x4, v3;
	_ =	sdelay $0x4  }
0x316: {  	v48 =	vld.idx.msk [tilespmem:v5+s4+$0x0], $0xffff;
	_ =	sdelay $0x4  }
0x317: {  	vm13 =	vgt.s32 v48, v38  }
0x318: {  	v3 =	vsel vm13, v3, v5  }
0x319: {  	v5 =	vadd.s32 $0x2, v3;
	_ =	sdelay $0x4  }
0x31a: {  	v49 =	vld.idx.msk [tilespmem:v5+s4+$0x0], $0xffff;
	_ =	sdelay $0x4  }
0x31b: {  	vm14 =	vgt.s32 v49, v38  }
0x31c: {  	v3 =	vsel vm14, v3, v5  }
0x31d: {  	v5 =	vadd.s32 $0x1, v3;
	_ =	sdelay $0x4  }
0x31e: {  	v50 =	vld.idx.msk [tilespmem:v5+s4+$0x0], $0xffff;
	_ =	sdelay $0x4  }
0x31f: {  	vm15 =	vgt.s32 v50, v38  }
0x320: {  	v3 =	vsel vm15, v3, v5  }
0x321: {  	[tilespmem:s22+$0x60] =	vst v3  }
0x322: {  	v3 =	vld.idx.msk [tilespmem:v2+s4+$0x0], $0xffff;
	_ =	sdelay $0x2  }
0x323: {  	s23 =	sadd.s32 $0xF0, s23  }
0x324: {  	v51 =	vor.u32 s23, v1  }
0x325: {  	vm4 =	vgt.s32 v3, v51  }
0x326: {  	v3 =	vsel vm4, $0x0, v2  }
0x327: {  	v52 =	vor.u32 $0x400, v3;
	_ =	sdelay $0x4  }
0x328: {  	v53 =	vld.idx.msk [tilespmem:v52+s4+$0x0], $0xffff;
	_ =	sdelay $0x4  }
0x329: {  	vm5 =	vgt.s32 v53, v51  }
0x32a: {  	v3 =	vsel vm5, v3, v52  }
0x32b: {  	v5 =	vor.u32 $0x200, v3;
	_ =	sdelay $0x4  }
0x32c: {  	v54 =	vld.idx.msk [tilespmem:v5+s4+$0x0], $0xffff;
	_ =	sdelay $0x4  }
0x32d: {  	vm6 =	vgt.s32 v54, v51  }
0x32e: {  	v3 =	vsel vm6, v3, v5  }
0x32f: {  	v5 =	vor.u32 $0x100, v3;
	_ =	sdelay $0x4  }
0x330: {  	v55 =	vld.idx.msk [tilespmem:v5+s4+$0x0], $0xffff;
	_ =	sdelay $0x4  }
0x331: {  	vm7 =	vgt.s32 v55, v51  }
0x332: {  	v3 =	vsel vm7, v3, v5  }
0x333: {  	v5 =	vadd.s32 $0x80, v3;
	_ =	sdelay $0x4  }
0x334: {  	v56 =	vld.idx.msk [tilespmem:v5+s4+$0x0], $0xffff;
	_ =	sdelay $0x4  }
0x335: {  	vm8 =	vgt.s32 v56, v51  }
0x336: {  	v3 =	vsel vm8, v3, v5  }
0x337: {  	v5 =	vadd.s32 $0x40, v3;
	_ =	sdelay $0x4  }
0x338: {  	v57 =	vld.idx.msk [tilespmem:v5+s4+$0x0], $0xffff;
	_ =	sdelay $0x4  }
0x339: {  	vm9 =	vgt.s32 v57, v51  }
0x33a: {  	v3 =	vsel vm9, v3, v5  }
0x33b: {  	v5 =	vadd.s32 $0x20, v3;
	_ =	sdelay $0x4  }
0x33c: {  	v58 =	vld.idx.msk [tilespmem:v5+s4+$0x0], $0xffff;
	_ =	sdelay $0x4  }
0x33d: {  	vm10 =	vgt.s32 v58, v51  }
0x33e: {  	v3 =	vsel vm10, v3, v5  }
0x33f: {  	v5 =	vadd.s32 $0x10, v3;
	_ =	sdelay $0x4  }
0x340: {  	v59 =	vld.idx.msk [tilespmem:v5+s4+$0x0], $0xffff;
	_ =	sdelay $0x4  }
0x341: {  	vm11 =	vgt.s32 v59, v51  }
0x342: {  	v3 =	vsel vm11, v3, v5  }
0x343: {  	v5 =	vadd.s32 $0x8, v3;
	_ =	sdelay $0x4  }
0x344: {  	v60 =	vld.idx.msk [tilespmem:v5+s4+$0x0], $0xffff;
	_ =	sdelay $0x4  }
0x345: {  	vm12 =	vgt.s32 v60, v51  }
0x346: {  	v3 =	vsel vm12, v3, v5  }
0x347: {  	v5 =	vadd.s32 $0x4, v3;
	_ =	sdelay $0x4  }
0x348: {  	v61 =	vld.idx.msk [tilespmem:v5+s4+$0x0], $0xffff;
	_ =	sdelay $0x4  }
0x349: {  	vm13 =	vgt.s32 v61, v51  }
0x34a: {  	v3 =	vsel vm13, v3, v5  }
0x34b: {  	v5 =	vadd.s32 $0x2, v3;
	_ =	sdelay $0x4  }
0x34c: {  	v62 =	vld.idx.msk [tilespmem:v5+s4+$0x0], $0xffff;
	_ =	sdelay $0x4  }
0x34d: {  	vm14 =	vgt.s32 v62, v51  }
0x34e: {  	v3 =	vsel vm14, v3, v5  }
0x34f: {  	v5 =	vadd.s32 $0x1, v3;
	_ =	sdelay $0x4  }
0x350: {  	v63 =	vld.idx.msk [tilespmem:v5+s4+$0x0], $0xffff;
	_ =	sdelay $0x4  }
0x351: {  	vm15 =	vgt.s32 v63, v51  }
0x352: {  	v3 =	vsel vm15, v3, v5  }
0x353: {  	[tilespmem:s22+$0x70] =	vst v3  }
0x354: {  	s21 =	sadd.s32 $0x100, s21;
	_ =	swait.ge [sflag:s18], $0x2000  }
0x355: {  	p0 =	sne.s32 s21, $0x1900;
	[sflag:s18] =	ssyncset.done $0x0  }
.Ltmp1:
0x356: {  	[sflag:s18] =	ssyncadd.s32 $0xFFFFE000;
	(pc) =	sbr.rel @p0 .LBB2_4-.Ltmp1, $4  }
0x357: {  	[spmem:s3] =	stream.indirect.scatter.add.f32 [tilespmem:s16], [sflag:$0x4], $0x40, s22, s14, $0xb8;
	[tilespmem:$0x11200] =	vst v63  }
0x358: {  	_ =	swait.ge [sflag:s10], $0x2000  }
0x359: {  	[sflag:s10] =	ssyncset.done $0x0  }
0x35a: {  	s20 =	sadd.s32 $0x100, s20;
	s22 =	sadd.s32 $0x100, s22;
	[sflag:s10] =	ssyncadd.s32 $0xFFFFE000  }
0x35b: {  	[bflag:$0x0] =	sbarrier.arrive $0xFFFF  }
0x35c: {  	[tilespmem:s12], [sflag:$0x4] =	stream.linear.gather [spmem:s7], $0x4000, $0x38;
	[tilespmem:$0x11200] =	vst v63  }
0x35d: {  	s19 =	sadd.s32 $0x1, s19;
	_ =	swait.ge [sflag:s10], $0x4000  }
0x35e: {  	p0 =	sne.s32 s19, s9;
	[sflag:s10] =	ssyncset.done $0x0  }
.Ltmp2:
0x35f: {  	[sflag:s10] =	ssyncadd.s32 $0xFFFFC000;
	(pc) =	sbr.rel @p0 .LBB2_1-.Ltmp2, $4  }
0x360: {  	[hbm4b:s8+s4] =	stream.linear.scatter [tilespmem:s12], [sflag:$0x4], $0x4000, $0x38;
	[tilespmem:$0x11200] =	vst v63  }
0x361: {  	_ =	swait.ge [sflag:s10], $0x4000  }
0x362: {  	[sflag:s10] =	ssyncset.done $0x0  }
0x363: {  	[sflag:s10] =	ssyncadd.s32 $0xFFFFC000  }
0x364: {  	_ =	sfence.sel $0x180000  }
0x365: {  	[bflag:$0x0] =	sbarrier.arrive $0xFFFF  }
0x366: {  	p0 =	sne.s32 s2, $0x0;
	_ =	strace $0x90000047  }
0x367: {  	s0 =	sadd.s32 @!p0 $0x100000, s0;
	[bflag:$0x2] =	sbarrier.arrive $0xFFFF  }
0x368: {  	[sflag:s0] =	ssyncadd.tile.s32 @!p0 $0x1;
	_ =	shalt  }
.Lfunc_end2:
_tile_overlayer_lowered:
.L_overlay_start_2:
0x369: {  	(tag) =	ssettag $0x2  }
0x36a: {  	s0 =	rddreg [dreg:$0x0];
	s2 =	stileid.u32  }
0x36b: {  	s1 =	rddreg [dreg:$0x1];
	p0 =	sne.s32 s2, $0x0  }
0x36c: {  	s3 =	rddreg [dreg:$0x2];
	[bflag:$0x3] =	sbarrier.arrive $0xFFFF;
	s2 =	simm.s32 @!p0 $0x1C04  }
0x36d: {  	[timem:s3], [sflag:s2] =	dma.local @!p0 [hbm:s0], s1  }
0x36e: {  	s0 =	simm.s32 @!p0 $0x4  }
0x36f: {  	_ =	swait.ge @!p0 [sflag:s0], s1  }
0x370: {  	s1 =	ssub.s32 @!p0 $0x0, s1;
	[sflag:s0] =	ssyncset.done @!p0 $0x0  }
0x371: {  	[sflag:s0] =	ssyncadd.s32 @!p0 s1  }
0x372: {  	[bflag:$0x3] =	sbarrier.arrive $0xFFFF  }
0x373: {  	_ =	shalt  }

</sc_bundles>
